<compile_context>
chip_gen: v7x
topology: tpu7x:2x2x1
jax: 0.10.2.dev20260603
libtpu: 0.0.44.dev20260713+nightly
codegen_flags: <defaults>
</compile_context>

<pallas_src>
import functools

import jax
import jax.numpy as jnp
from jax import lax
from jax.experimental import pallas as pl
from jax.experimental.pallas import tpu as pltpu
from jax.experimental.pallas import tpu_sc as plsc

N = 10000
D = 256
E = 160000
NC = 2
NS = 16
DH = D // NC
EPT = E // NS
C = 125
NCH = EPT // C
NPH = 2
NCH2 = NCH // NPH
RPT = 624
REM = N - NS * RPT
BM = 2000

def _deg_body(dst_hbm, z1d_hbm, deg_hbm, dst_v, ones_v, deg_sh):
    cid = lax.axis_index("c")
    sid = lax.axis_index("s")
    one = jnp.full((16,), 1.0, jnp.float32)
    for i in range(8):
        ones_v[pl.ds(i * 16, 16)] = one

    @pl.when(sid == 0)
    def _():
        pltpu.sync_copy(z1d_hbm, deg_sh)

    pltpu.sync_copy(dst_hbm.at[cid * NS + sid], dst_v)
    plsc.subcore_barrier()

    def body(j, carry):
        pltpu.sync_copy(ones_v.at[pl.ds(0, C)],
                        deg_sh.at[dst_v.at[j]], add=True)
        return carry

    lax.fori_loop(0, NCH2, body, 0)
    plsc.subcore_barrier()

    @pl.when(sid == 0)
    def _():
        pltpu.sync_copy(deg_sh, deg_hbm.at[cid])


def _msg_body(table_hbm, srcx_hbm, dst_hbm, zblk_hbm, out_hbm,
              idx_v, dst_v, rows_v, agg_sh, sem0, sem1):
    cid = lax.axis_index("c")
    sid = lax.axis_index("s")
    wid = cid * NS + sid
    pltpu.sync_copy(zblk_hbm, agg_sh.at[pl.ds(sid * RPT, RPT)])

    @pl.when(sid == 0)
    def _():
        pltpu.sync_copy(zblk_hbm.at[pl.ds(0, REM)],
                        agg_sh.at[pl.ds(NS * RPT, REM)])

    def body(jj, carry):
        j0 = 2 * jj
        j1 = j0 + 1
        pltpu.make_async_copy(
            table_hbm.at[idx_v.at[j0]], rows_v.at[0], sem0).wait()
        pltpu.sync_copy(rows_v.at[0], agg_sh.at[dst_v.at[j0]], add=True)

        @pl.when(j0 + 2 < NCH2)
        def _():
            pltpu.async_copy(
                table_hbm.at[idx_v.at[j0 + 2]], rows_v.at[0], sem0)

        pltpu.make_async_copy(
            table_hbm.at[idx_v.at[j1]], rows_v.at[1], sem1).wait()
        pltpu.sync_copy(rows_v.at[1], agg_sh.at[dst_v.at[j1]], add=True)

        @pl.when(j1 + 2 < NCH2)
        def _():
            pltpu.async_copy(
                table_hbm.at[idx_v.at[j1 + 2]], rows_v.at[1], sem1)

        return carry

    for phase in range(NPH):
        pltpu.sync_copy(srcx_hbm.at[wid * NPH + phase], idx_v)
        pltpu.sync_copy(dst_hbm.at[sid * NPH + phase], dst_v)
        if phase == 0:
            plsc.subcore_barrier()
        pltpu.async_copy(table_hbm.at[idx_v.at[0]], rows_v.at[0], sem0)
        pltpu.async_copy(table_hbm.at[idx_v.at[1]], rows_v.at[1], sem1)
        lax.fori_loop(0, NCH2 // 2, body, 0)
    plsc.subcore_barrier()
    pltpu.sync_copy(agg_sh.at[pl.ds(sid * RPT, RPT)],
                    out_hbm.at[pl.ds(cid * N + sid * RPT, RPT)])

    @pl.when(sid == 0)
    def _():
        pltpu.sync_copy(agg_sh.at[pl.ds(NS * RPT, REM)],
                        out_hbm.at[pl.ds(cid * N + NS * RPT, REM)])


@functools.cache
def _sc_kernels():
    mesh = plsc.VectorSubcoreMesh(
        core_axis_name="c", subcore_axis_name="s",
        num_cores=NC, num_subcores=NS)
    deg_kernel = pl.kernel(
        _deg_body,
        out_type=jax.ShapeDtypeStruct((NC, N), jnp.float32),
        mesh=mesh,
        scratch_types=[
            pltpu.VMEM((NCH2, C), jnp.int32),
            pltpu.VMEM((128,), jnp.float32),
            pltpu.VMEM_SHARED((N,), jnp.float32),
        ],
    )
    msg_kernel = pl.kernel(
        _msg_body,
        out_type=jax.ShapeDtypeStruct((NC * N, DH), jnp.float32),
        mesh=mesh,
        scratch_types=[
            pltpu.VMEM((NCH2, C), jnp.int32),
            pltpu.VMEM((NCH2, C), jnp.int32),
            pltpu.VMEM((2, C, DH), jnp.float32),
            pltpu.VMEM_SHARED((N, DH), jnp.float32),
            pltpu.SemaphoreType.DMA,
            pltpu.SemaphoreType.DMA,
        ],
    )
    return deg_kernel, msg_kernel


def _dinv_of(deg_ref):
    return lax.rsqrt(deg_ref[0] + deg_ref[1] + 1.0)


def _mm1_body(x_ref, w_ref, deg_ref, out_ref, dinv_ref):
    dinv = _dinv_of(deg_ref)
    hw = jnp.dot(x_ref[...], w_ref[...],
                 preferred_element_type=jnp.float32)
    out_ref[...] = (hw * dinv)[None]
    dinv_ref[...] = dinv


_mm1 = pl.pallas_call(
    _mm1_body,
    grid=(N // BM, NC),
    in_specs=[
        pl.BlockSpec((BM, D), lambda i, c: (i, 0)),
        pl.BlockSpec((D, DH), lambda i, c: (0, c)),
        pl.BlockSpec((NC, BM, 1), lambda i, c: (0, i, 0)),
    ],
    out_specs=[
        pl.BlockSpec((1, BM, DH), lambda i, c: (c, i, 0)),
        pl.BlockSpec((BM, 1), lambda i, c: (i, 0)),
    ],
    out_shape=[
        jax.ShapeDtypeStruct((NC, N, DH), jnp.float32),
        jax.ShapeDtypeStruct((N, 1), jnp.float32),
    ],
)


def _selu(v):
    alpha = 1.6732632423543772
    scale = 1.0507009873554805
    return scale * jnp.where(
        v > 0, v, alpha * (jnp.exp(jnp.minimum(v, 0.0)) - 1.0))


def _mm2_body(s_ref, hwp_ref, dinv_ref, b_ref, w_ref, out_ref):
    dinv = dinv_ref[...]
    t = (s_ref[...] + hwp_ref[...]) * dinv[None]
    h0 = _selu(t[0] + b_ref[0, :DH][None, :])
    h1 = _selu(t[1] + b_ref[0, DH:][None, :])
    acc = jnp.dot(h0, w_ref[0], preferred_element_type=jnp.float32)
    acc = acc + jnp.dot(h1, w_ref[1], preferred_element_type=jnp.float32)
    out_ref[...] = (acc * dinv)[None]


_mm2 = pl.pallas_call(
    _mm2_body,
    grid=(N // BM, NC),
    in_specs=[
        pl.BlockSpec((NC, BM, DH), lambda i, c: (0, i, 0)),
        pl.BlockSpec((NC, BM, DH), lambda i, c: (0, i, 0)),
        pl.BlockSpec((BM, 1), lambda i, c: (i, 0)),
        pl.BlockSpec((1, D), lambda i, c: (0, 0)),
        pl.BlockSpec((NC, DH, DH), lambda i, c: (0, 0, c)),
    ],
    out_specs=pl.BlockSpec((1, BM, DH), lambda i, c: (c, i, 0)),
    out_shape=jax.ShapeDtypeStruct((NC, N, DH), jnp.float32),
)


def _final_body(s_ref, hwp_ref, dinv_ref, b_ref, out_ref):
    dinv = dinv_ref[...]
    t = (s_ref[...] + hwp_ref[...]) * dinv[None]
    out_ref[:, :DH] = t[0] + b_ref[0, :DH][None, :]
    out_ref[:, DH:] = t[1] + b_ref[0, DH:][None, :]


_final = pl.pallas_call(
    _final_body,
    grid=(N // BM,),
    in_specs=[
        pl.BlockSpec((NC, BM, DH), lambda i: (0, i, 0)),
        pl.BlockSpec((NC, BM, DH), lambda i: (0, i, 0)),
        pl.BlockSpec((BM, 1), lambda i: (i, 0)),
        pl.BlockSpec((1, D), lambda i: (0, 0)),
    ],
    out_specs=pl.BlockSpec((BM, D), lambda i: (i, 0)),
    out_shape=jax.ShapeDtypeStruct((N, D), jnp.float32),
)


@jax.jit
def kernel(x, adj_t, W1, b1, W2, b2):
    _deg_kernel, _msg_kernel = _sc_kernels()
    src = adj_t[0]
    dst = adj_t[1]
    dst_r = dst.reshape(NS * NPH, NCH2, C)
    sr = src.reshape(NS, NPH, NCH2, C)
    srcx = jnp.concatenate([sr, sr + N], axis=0)
    srcx = srcx.reshape(NC * NS * NPH, NCH2, C)
    z1d = jnp.zeros((N,), jnp.float32)
    zblk = jnp.zeros((RPT, DH), jnp.float32)

    deg = _deg_kernel(dst_r, z1d)
    deg3 = deg.reshape(NC, N, 1)

    hw1p, dinv2d = _mm1(x, W1, deg3)
    S1 = _msg_kernel(hw1p.reshape(NC * N, DH), srcx, dst_r, zblk)
    hw2p = _mm2(S1.reshape(NC, N, DH), hw1p, dinv2d,
                b1.reshape(1, D), W2.reshape(NC, DH, D))
    S2 = _msg_kernel(hw2p.reshape(NC * N, DH), srcx, dst_r, zblk)
    out = _final(S2.reshape(NC, N, DH), hw2p, dinv2d, b2.reshape(1, D))
    return out

# --- scband reference (transcript-rebuilt; emitter-appended) ---
"""Pipeline reference for scband-gnn-2156073583042 (READ-ONLY COPY).

The authoritative reference and input builder live on the scoring server;
editing this copy changes nothing except your own understanding.
"""

import jax, jax.numpy as jnp
import numpy as np

N, D, E = 10000, 256, 160000

def setup_inputs(seed: int = 0):
    key = jax.random.key(seed)
    ks = jax.random.split(key, 6)
    x = jax.random.normal(ks[0], (N, D), dtype=jnp.float32)
    edge_index = jax.random.randint(ks[1], (2, E), 0, N, dtype=jnp.int32)
    s = 1.0 / np.sqrt(D)
    W1 = jax.random.normal(ks[2], (D, D), dtype=jnp.float32) * s
    b1 = jnp.zeros((D,), dtype=jnp.float32)
    W2 = jax.random.normal(ks[3], (D, D), dtype=jnp.float32) * s
    b2 = jnp.zeros((D,), dtype=jnp.float32)
    return {"x": x, "adj_t": edge_index, "W1": W1, "b1": b1, "W2": W2, "b2": b2}

def reference(x, adj_t, W1, b1, W2, b2):
    n = x.shape[0]
    loop = jnp.arange(n, dtype=adj_t.dtype)
    src = jnp.concatenate([adj_t[0], loop])
    dst = jnp.concatenate([adj_t[1], loop])
    # GCN symmetric normalization with self-loops
    deg = jnp.zeros((n,), jnp.float32).at[dst].add(1.0)
    dinv = jnp.where(deg > 0, jax.lax.rsqrt(deg), 0.0)
    norm = dinv[src] * dinv[dst]

    def gcn_conv(h, W, b):
        hw = h @ W
        msg = hw[src] * norm[:, None]
        agg = jnp.zeros((n, W.shape[1]), jnp.float32).at[dst].add(msg)
        return agg + b

    h = gcn_conv(x, W1, b1)
    h = jax.nn.selu(h)
    # dropout is identity in eval mode
    out = gcn_conv(h, W2, b2)
    return out

if __name__ == "__main__":
    import jax
    _d = setup_inputs()
    print(jax.jit(kernel)(*tuple(_d.values())))

</pallas_src>

<mosaic_0001>
#map = affine_map<(d0, d1) -> (0, 0, 0)>
#map1 = affine_map<(d0, d1) -> (0)>
#map2 = affine_map<(d0, d1) -> (0, 0)>
module attributes {stable_mosaic.version = 14 : i64} {
  func.func @_deg_body(%arg0: i32, %arg1: i32, %arg2: memref<32x40x125xi32, #tpu.memory_space<hbm>>, %arg3: memref<10000xf32, #tpu.memory_space<hbm>>, %arg4: memref<2x10000xf32, #tpu.memory_space<hbm>>, %arg5: memref<40x125xi32, #tpu.memory_space<vmem>>, %arg6: memref<128xf32, #tpu.memory_space<vmem>>, %arg7: memref<10000xf32, #tpu.memory_space<vmem_shared>>) attributes {dimension_semantics = [#tpu.dimension_semantics<core_parallel>, #tpu.dimension_semantics<subcore_parallel>], iteration_bounds = array<i64: 2, 16>, scalar_prefetch = 0 : i64, scratch_operands = 3 : i64, tpu.core_type = #tpu.core_type<sc_vector_subcore>, window_params = [{transform_indices = #map}, {transform_indices = #map1}, {transform_indices = #map2}]} {
    %broadcast_in_dim3A = arith.constant 1.000000e+00 : f32
    %broadcast_in_dim3A_0 = vector.broadcast %broadcast_in_dim3A : f32 to vector<16xf32>
    %swap3A = arith.constant 0 : index
    %swap3A_1 = tpu.vector_load %arg6[%swap3A] {strides = array<i32>} : memref<128xf32, #tpu.memory_space<vmem>>, vector<16xf32>,
    %swap3A_2 = vector.shape_cast %swap3A_1 : vector<16xf32> to vector<16xf32>
    %swap3A_3 = vector.shape_cast %broadcast_in_dim3A_0 : vector<16xf32> to vector<16xf32>
    tpu.vector_store %arg6[%swap3A], %swap3A_3 {strides = array<i32>} : memref<128xf32, #tpu.memory_space<vmem>>, vector<16xf32>,
    %swap3A_4 = arith.constant 16 : index
    %swap3A_5 = tpu.vector_load %arg6[%swap3A_4] {strides = array<i32>} : memref<128xf32, #tpu.memory_space<vmem>>, vector<16xf32>,
    %swap3A_6 = vector.shape_cast %swap3A_5 : vector<16xf32> to vector<16xf32>
    %swap3A_7 = vector.shape_cast %broadcast_in_dim3A_0 : vector<16xf32> to vector<16xf32>
    tpu.vector_store %arg6[%swap3A_4], %swap3A_7 {strides = array<i32>} : memref<128xf32, #tpu.memory_space<vmem>>, vector<16xf32>,
    %swap3A_8 = arith.constant 32 : index
    %swap3A_9 = tpu.vector_load %arg6[%swap3A_8] {strides = array<i32>} : memref<128xf32, #tpu.memory_space<vmem>>, vector<16xf32>,
    %swap3A_10 = vector.shape_cast %swap3A_9 : vector<16xf32> to vector<16xf32>
    %swap3A_11 = vector.shape_cast %broadcast_in_dim3A_0 : vector<16xf32> to vector<16xf32>
    tpu.vector_store %arg6[%swap3A_8], %swap3A_11 {strides = array<i32>} : memref<128xf32, #tpu.memory_space<vmem>>, vector<16xf32>,
    %swap3A_12 = arith.constant 48 : index
    %swap3A_13 = tpu.vector_load %arg6[%swap3A_12] {strides = array<i32>} : memref<128xf32, #tpu.memory_space<vmem>>, vector<16xf32>,
    %swap3A_14 = vector.shape_cast %swap3A_13 : vector<16xf32> to vector<16xf32>
    %swap3A_15 = vector.shape_cast %broadcast_in_dim3A_0 : vector<16xf32> to vector<16xf32>
    tpu.vector_store %arg6[%swap3A_12], %swap3A_15 {strides = array<i32>} : memref<128xf32, #tpu.memory_space<vmem>>, vector<16xf32>,
    %swap3A_16 = arith.constant 64 : index
    %swap3A_17 = tpu.vector_load %arg6[%swap3A_16] {strides = array<i32>} : memref<128xf32, #tpu.memory_space<vmem>>, vector<16xf32>,
    %swap3A_18 = vector.shape_cast %swap3A_17 : vector<16xf32> to vector<16xf32>
    %swap3A_19 = vector.shape_cast %broadcast_in_dim3A_0 : vector<16xf32> to vector<16xf32>
    tpu.vector_store %arg6[%swap3A_16], %swap3A_19 {strides = array<i32>} : memref<128xf32, #tpu.memory_space<vmem>>, vector<16xf32>,
    %swap3A_20 = arith.constant 80 : index
    %swap3A_21 = tpu.vector_load %arg6[%swap3A_20] {strides = array<i32>} : memref<128xf32, #tpu.memory_space<vmem>>, vector<16xf32>,
    %swap3A_22 = vector.shape_cast %swap3A_21 : vector<16xf32> to vector<16xf32>
    %swap3A_23 = vector.shape_cast %broadcast_in_dim3A_0 : vector<16xf32> to vector<16xf32>
    tpu.vector_store %arg6[%swap3A_20], %swap3A_23 {strides = array<i32>} : memref<128xf32, #tpu.memory_space<vmem>>, vector<16xf32>,
    %swap3A_24 = arith.constant 96 : index
    %swap3A_25 = tpu.vector_load %arg6[%swap3A_24] {strides = array<i32>} : memref<128xf32, #tpu.memory_space<vmem>>, vector<16xf32>,
    %swap3A_26 = vector.shape_cast %swap3A_25 : vector<16xf32> to vector<16xf32>
    %swap3A_27 = vector.shape_cast %broadcast_in_dim3A_0 : vector<16xf32> to vector<16xf32>
    tpu.vector_store %arg6[%swap3A_24], %swap3A_27 {strides = array<i32>} : memref<128xf32, #tpu.memory_space<vmem>>, vector<16xf32>,
    %swap3A_28 = arith.constant 112 : index
    %swap3A_29 = tpu.vector_load %arg6[%swap3A_28] {strides = array<i32>} : memref<128xf32, #tpu.memory_space<vmem>>, vector<16xf32>,
    %swap3A_30 = vector.shape_cast %swap3A_29 : vector<16xf32> to vector<16xf32>
    %swap3A_31 = vector.shape_cast %broadcast_in_dim3A_0 : vector<16xf32> to vector<16xf32>
    tpu.vector_store %arg6[%swap3A_28], %swap3A_31 {strides = array<i32>} : memref<128xf32, #tpu.memory_space<vmem>>, vector<16xf32>,
    %eq3A = arith.constant 0 : i32
    %eq3A_32 = arith.cmpi eq, %arg1, %eq3A : i32
    %convert_element_type3A = arith.extui %eq3A_32 : i1 to i32
    %cond3A = arith.constant 0 : i32
    %cond3A_33 = arith.cmpi ne, %convert_element_type3A, %cond3A : i32
    scf.if %cond3A_33 {
      "tpu.region"() ({
        %run_scoped3A = tpu.sem_alloc : memref<!tpu.dma_semaphore, #tpu.memory_space<semaphore_mem>>
        tpu.enqueue_dma source(%arg3 : memref<10000xf32, #tpu.memory_space<hbm>>) target(%arg7 : memref<10000xf32, #tpu.memory_space<vmem_shared>>) target_semaphore(%run_scoped3A : memref<!tpu.dma_semaphore, #tpu.memory_space<semaphore_mem>>)
        tpu.wait_dma2 semaphore(%run_scoped3A : memref<!tpu.dma_semaphore, #tpu.memory_space<semaphore_mem>>) src(%arg3 : memref<10000xf32, #tpu.memory_space<hbm>>) dst(%arg7 : memref<10000xf32, #tpu.memory_space<vmem_shared>>)
        tpu.yield
      }) : () -> ()
    } else {
    }
    %mul3A = arith.constant 16 : i32
    %mul3A_34 = arith.muli %arg0, %mul3A : i32
    %add3A = arith.addi %mul3A_34, %arg1 : i32
    "tpu.region"() ({
      %run_scoped3A = tpu.sem_alloc : memref<!tpu.dma_semaphore, #tpu.memory_space<semaphore_mem>>
      %dma_start3A = arith.constant 0 : i32
      %dma_start3A_46 = arith.constant 0 : i32
      %dma_start3A_47 = tpu.memref_slice %arg2[%add3A, %dma_start3A, %dma_start3A_46] : memref<32x40x125xi32, #tpu.memory_space<hbm>> -> memref<1x40x125xi32, #tpu.memory_space<hbm>>
      %dma_start3A_48 = tpu.memref_squeeze %dma_start3A_47 : memref<1x40x125xi32, #tpu.memory_space<hbm>> -> memref<40x125xi32, #tpu.memory_space<hbm>>
      %dma_start3A_49 = arith.constant 0 : i32
      %dma_start3A_50 = arith.constant 0 : i32
      %dma_start3A_51 = tpu.memref_slice %arg2[%add3A, %dma_start3A_49, %dma_start3A_50] : memref<32x40x125xi32, #tpu.memory_space<hbm>> -> memref<1x40x125xi32, #tpu.memory_space<hbm>>
      %dma_start3A_52 = tpu.memref_squeeze %dma_start3A_51 : memref<1x40x125xi32, #tpu.memory_space<hbm>> -> memref<40x125xi32, #tpu.memory_space<hbm>>
      tpu.enqueue_dma source(%dma_start3A_52 : memref<40x125xi32, #tpu.memory_space<hbm>>) target(%arg5 : memref<40x125xi32, #tpu.memory_space<vmem>>) target_semaphore(%run_scoped3A : memref<!tpu.dma_semaphore, #tpu.memory_space<semaphore_mem>>)
      %dma_wait3A = arith.constant 0 : i32
      %dma_wait3A_53 = arith.constant 0 : i32
      %dma_wait3A_54 = tpu.memref_slice %arg2[%add3A, %dma_wait3A, %dma_wait3A_53] : memref<32x40x125xi32, #tpu.memory_space<hbm>> -> memref<1x40x125xi32, #tpu.memory_space<hbm>>
      %dma_wait3A_55 = tpu.memref_squeeze %dma_wait3A_54 : memref<1x40x125xi32, #tpu.memory_space<hbm>> -> memref<40x125xi32, #tpu.memory_space<hbm>>
      %dma_wait3A_56 = arith.constant 0 : i32
      %dma_wait3A_57 = arith.constant 0 : i32
      %dma_wait3A_58 = tpu.memref_slice %arg2[%add3A, %dma_wait3A_56, %dma_wait3A_57] : memref<32x40x125xi32, #tpu.memory_space<hbm>> -> memref<1x40x125xi32, #tpu.memory_space<hbm>>
      %dma_wait3A_59 = tpu.memref_squeeze %dma_wait3A_58 : memref<1x40x125xi32, #tpu.memory_space<hbm>> -> memref<40x125xi32, #tpu.memory_space<hbm>>
      tpu.wait_dma2 semaphore(%run_scoped3A : memref<!tpu.dma_semaphore, #tpu.memory_space<semaphore_mem>>) src(%dma_wait3A_59 : memref<40x125xi32, #tpu.memory_space<hbm>>) dst(%arg5 : memref<40x125xi32, #tpu.memory_space<vmem>>)
      tpu.yield
    }) : () -> ()
    %barrier3A = arith.constant 0 : index
    tpu.barrier barrier_id(%barrier3A)
    %scan3A = arith.constant 0 : i32
    %scan3A_35 = arith.constant 0 : i32
    %scan3A_36 = arith.constant 40 : i32
    %scan3A_37 = arith.addi %scan3A_35, %scan3A_36 : i32
    %scan3A_38 = arith.constant 1 : i32
    scf.for %scan3A_46 = %scan3A_35 to %scan3A_37 step %scan3A_38  : i32 {
      "tpu.region"() ({
        %run_scoped3A = tpu.sem_alloc : memref<!tpu.dma_semaphore, #tpu.memory_space<semaphore_mem>>
        %dma_start3A = arith.constant 0 : i32
        %dma_start3A_47 = tpu.memref_slice %arg6[%dma_start3A] : memref<128xf32, #tpu.memory_space<vmem>> -> memref<125xf32, #tpu.memory_space<vmem>>
        %dma_start3A_48 = arith.constant 0 : i32
        %dma_start3A_49 = tpu.memref_slice %arg5[%scan3A_46, %dma_start3A_48] : memref<40x125xi32, #tpu.memory_space<vmem>> -> memref<1x125xi32, #tpu.memory_space<vmem>>
        %dma_start3A_50 = tpu.memref_squeeze %dma_start3A_49 : memref<1x125xi32, #tpu.memory_space<vmem>> -> memref<125xi32, #tpu.memory_space<vmem>>
        %dma_start3A_51 = arith.constant 0 : i32
        %dma_start3A_52 = tpu.memref_slice %arg7[%dma_start3A_51] : memref<10000xf32, #tpu.memory_space<vmem_shared>> -> memref<10000xf32, #tpu.memory_space<vmem_shared>>
        tpu.enqueue_indirect_dma source(%dma_start3A_47 : memref<125xf32, #tpu.memory_space<vmem>>) target(%dma_start3A_52 : memref<10000xf32, #tpu.memory_space<vmem_shared>>) offsets(%dma_start3A_50 : memref<125xi32, #tpu.memory_space<vmem>>) semaphore(%run_scoped3A : memref<!tpu.dma_semaphore, #tpu.memory_space<semaphore_mem>>) {add = true}
        %dma_wait3A = arith.constant 0 : i32
        %dma_wait3A_53 = tpu.memref_slice %arg6[%dma_wait3A] : memref<128xf32, #tpu.memory_space<vmem>> -> memref<125xf32, #tpu.memory_space<vmem>>
        %dma_wait3A_54 = arith.constant 0 : i32
        %dma_wait3A_55 = tpu.memref_slice %arg5[%scan3A_46, %dma_wait3A_54] : memref<40x125xi32, #tpu.memory_space<vmem>> -> memref<1x125xi32, #tpu.memory_space<vmem>>
        %dma_wait3A_56 = tpu.memref_squeeze %dma_wait3A_55 : memref<1x125xi32, #tpu.memory_space<vmem>> -> memref<125xi32, #tpu.memory_space<vmem>>
        %dma_wait3A_57 = arith.constant 0 : i32
        %dma_wait3A_58 = tpu.memref_slice %arg7[%dma_wait3A_57] : memref<10000xf32, #tpu.memory_space<vmem_shared>> -> memref<10000xf32, #tpu.memory_space<vmem_shared>>
        tpu.wait_indirect_dma semaphore(%run_scoped3A : memref<!tpu.dma_semaphore, #tpu.memory_space<semaphore_mem>>) src(%dma_wait3A_53 : memref<125xf32, #tpu.memory_space<vmem>>) dst(%dma_wait3A_58 : memref<10000xf32, #tpu.memory_space<vmem_shared>>)
        tpu.yield
      }) : () -> ()
    }
    %scan3A_39 = arith.constant 40 : i32
    %barrier3A_40 = arith.constant 0 : index
    tpu.barrier barrier_id(%barrier3A_40)
    %eq3A_41 = arith.constant 0 : i32
    %eq3A_42 = arith.cmpi eq, %arg1, %eq3A_41 : i32
    %convert_element_type3A_43 = arith.extui %eq3A_42 : i1 to i32
    %cond3A_44 = arith.constant 0 : i32
    %cond3A_45 = arith.cmpi ne, %convert_element_type3A_43, %cond3A_44 : i32
    scf.if %cond3A_45 {
      "tpu.region"() ({
        %run_scoped3A = tpu.sem_alloc : memref<!tpu.dma_semaphore, #tpu.memory_space<semaphore_mem>>
        %dma_start3A = arith.constant 0 : i32
        %dma_start3A_46 = tpu.memref_slice %arg4[%arg0, %dma_start3A] : memref<2x10000xf32, #tpu.memory_space<hbm>> -> memref<1x10000xf32, #tpu.memory_space<hbm>>
        %dma_start3A_47 = tpu.memref_squeeze %dma_start3A_46 : memref<1x10000xf32, #tpu.memory_space<hbm>> -> memref<10000xf32, #tpu.memory_space<hbm>>
        tpu.enqueue_dma source(%arg7 : memref<10000xf32, #tpu.memory_space<vmem_shared>>) target(%dma_start3A_47 : memref<10000xf32, #tpu.memory_space<hbm>>) target_semaphore(%run_scoped3A : memref<!tpu.dma_semaphore, #tpu.memory_space<semaphore_mem>>)
        %dma_wait3A = arith.constant 0 : i32
        %dma_wait3A_48 = tpu.memref_slice %arg4[%arg0, %dma_wait3A] : memref<2x10000xf32, #tpu.memory_space<hbm>> -> memref<1x10000xf32, #tpu.memory_space<hbm>>
        %dma_wait3A_49 = tpu.memref_squeeze %dma_wait3A_48 : memref<1x10000xf32, #tpu.memory_space<hbm>> -> memref<10000xf32, #tpu.memory_space<hbm>>
        tpu.wait_dma2 semaphore(%run_scoped3A : memref<!tpu.dma_semaphore, #tpu.memory_space<semaphore_mem>>) src(%arg7 : memref<10000xf32, #tpu.memory_space<vmem_shared>>) dst(%dma_wait3A_49 : memref<10000xf32, #tpu.memory_space<hbm>>)
        tpu.yield
      }) : () -> ()
    } else {
    }
    return
  }
}

#map = affine_map<(d0, d1) -> (0, 0)>
#map1 = affine_map<(d0, d1) -> (0, 0, 0)>
module attributes {stable_mosaic.version = 14 : i64} {
  func.func @_msg_body(%arg0: i32, %arg1: i32, %arg2: memref<20000x128xf32, #tpu.memory_space<hbm>>, %arg3: memref<64x40x125xi32, #tpu.memory_space<hbm>>, %arg4: memref<32x40x125xi32, #tpu.memory_space<hbm>>, %arg5: memref<624x128xf32, #tpu.memory_space<hbm>>, %arg6: memref<20000x128xf32, #tpu.memory_space<hbm>>, %arg7: memref<40x125xi32, #tpu.memory_space<vmem>>, %arg8: memref<40x125xi32, #tpu.memory_space<vmem>>, %arg9: memref<2x125x128xf32, #tpu.memory_space<vmem>>, %arg10: memref<10000x128xf32, #tpu.memory_space<vmem_shared>>, %arg11: memref<!tpu.dma_semaphore, #tpu.memory_space<semaphore_mem>>, %arg12: memref<!tpu.dma_semaphore, #tpu.memory_space<semaphore_mem>>) attributes {dimension_semantics = [#tpu.dimension_semantics<core_parallel>, #tpu.dimension_semantics<subcore_parallel>], iteration_bounds = array<i64: 2, 16>, scalar_prefetch = 0 : i64, scratch_operands = 6 : i64, tpu.core_type = #tpu.core_type<sc_vector_subcore>, window_params = [{transform_indices = #map}, {transform_indices = #map1}, {transform_indices = #map1}, {transform_indices = #map}, {transform_indices = #map}]} {
    %mul3A = arith.constant 16 : i32
    %mul3A_0 = arith.muli %arg0, %mul3A : i32
    %add3A = arith.addi %mul3A_0, %arg1 : i32
    %mul3A_1 = arith.constant 624 : i32
    %mul3A_2 = arith.muli %arg1, %mul3A_1 : i32
    "tpu.region"() ({
      %run_scoped3A = tpu.sem_alloc : memref<!tpu.dma_semaphore, #tpu.memory_space<semaphore_mem>>
      %dma_start3A_92 = arith.constant 0 : i32
      %dma_start3A_93 = tpu.memref_slice %arg10[%mul3A_2, %dma_start3A_92] : memref<10000x128xf32, #tpu.memory_space<vmem_shared>> -> memref<624x128xf32, #tpu.memory_space<vmem_shared>>
      tpu.enqueue_dma source(%arg5 : memref<624x128xf32, #tpu.memory_space<hbm>>) target(%dma_start3A_93 : memref<624x128xf32, #tpu.memory_space<vmem_shared>>) target_semaphore(%run_scoped3A : memref<!tpu.dma_semaphore, #tpu.memory_space<semaphore_mem>>)
      %dma_wait3A = arith.constant 0 : i32
      %dma_wait3A_94 = tpu.memref_slice %arg10[%mul3A_2, %dma_wait3A] : memref<10000x128xf32, #tpu.memory_space<vmem_shared>> -> memref<624x128xf32, #tpu.memory_space<vmem_shared>>
      tpu.wait_dma2 semaphore(%run_scoped3A : memref<!tpu.dma_semaphore, #tpu.memory_space<semaphore_mem>>) src(%arg5 : memref<624x128xf32, #tpu.memory_space<hbm>>) dst(%dma_wait3A_94 : memref<624x128xf32, #tpu.memory_space<vmem_shared>>)
      tpu.yield
    }) : () -> ()
    %eq3A = arith.constant 0 : i32
    %eq3A_3 = arith.cmpi eq, %arg1, %eq3A : i32
    %convert_element_type3A = arith.extui %eq3A_3 : i1 to i32
    %cond3A = arith.constant 0 : i32
    %cond3A_4 = arith.cmpi ne, %convert_element_type3A, %cond3A : i32
    scf.if %cond3A_4 {
      "tpu.region"() ({
        %run_scoped3A = tpu.sem_alloc : memref<!tpu.dma_semaphore, #tpu.memory_space<semaphore_mem>>
        %dma_start3A_92 = arith.constant 9984 : i32
        %dma_start3A_93 = arith.constant 0 : i32
        %dma_start3A_94 = tpu.memref_slice %arg10[%dma_start3A_92, %dma_start3A_93] : memref<10000x128xf32, #tpu.memory_space<vmem_shared>> -> memref<16x128xf32, #tpu.memory_space<vmem_shared>>
        %dma_start3A_95 = arith.constant 0 : i32
        %dma_start3A_96 = arith.constant 0 : i32
        %dma_start3A_97 = tpu.memref_slice %arg5[%dma_start3A_95, %dma_start3A_96] : memref<624x128xf32, #tpu.memory_space<hbm>> -> memref<16x128xf32, #tpu.memory_space<hbm>>
        tpu.enqueue_dma source(%dma_start3A_97 : memref<16x128xf32, #tpu.memory_space<hbm>>) target(%dma_start3A_94 : memref<16x128xf32, #tpu.memory_space<vmem_shared>>) target_semaphore(%run_scoped3A : memref<!tpu.dma_semaphore, #tpu.memory_space<semaphore_mem>>)
        %dma_wait3A = arith.constant 9984 : i32
        %dma_wait3A_98 = arith.constant 0 : i32
        %dma_wait3A_99 = tpu.memref_slice %arg10[%dma_wait3A, %dma_wait3A_98] : memref<10000x128xf32, #tpu.memory_space<vmem_shared>> -> memref<16x128xf32, #tpu.memory_space<vmem_shared>>
        %dma_wait3A_100 = arith.constant 0 : i32
        %dma_wait3A_101 = arith.constant 0 : i32
        %dma_wait3A_102 = tpu.memref_slice %arg5[%dma_wait3A_100, %dma_wait3A_101] : memref<624x128xf32, #tpu.memory_space<hbm>> -> memref<16x128xf32, #tpu.memory_space<hbm>>
        tpu.wait_dma2 semaphore(%run_scoped3A : memref<!tpu.dma_semaphore, #tpu.memory_space<semaphore_mem>>) src(%dma_wait3A_102 : memref<16x128xf32, #tpu.memory_space<hbm>>) dst(%dma_wait3A_99 : memref<16x128xf32, #tpu.memory_space<vmem_shared>>)
        tpu.yield
      }) : () -> ()
    } else {
    }
    %mul3A_5 = arith.constant 2 : i32
    %mul3A_6 = arith.muli %add3A, %mul3A_5 : i32
    %add3A_7 = arith.constant 0 : i32
    %add3A_8 = arith.addi %mul3A_6, %add3A_7 : i32
    "tpu.region"() ({
      %run_scoped3A = tpu.sem_alloc : memref<!tpu.dma_semaphore, #tpu.memory_space<semaphore_mem>>
      %dma_start3A_92 = arith.constant 0 : i32
      %dma_start3A_93 = arith.constant 0 : i32
      %dma_start3A_94 = tpu.memref_slice %arg3[%add3A_8, %dma_start3A_92, %dma_start3A_93] : memref<64x40x125xi32, #tpu.memory_space<hbm>> -> memref<1x40x125xi32, #tpu.memory_space<hbm>>
      %dma_start3A_95 = tpu.memref_squeeze %dma_start3A_94 : memref<1x40x125xi32, #tpu.memory_space<hbm>> -> memref<40x125xi32, #tpu.memory_space<hbm>>
      %dma_start3A_96 = arith.constant 0 : i32
      %dma_start3A_97 = arith.constant 0 : i32
      %dma_start3A_98 = tpu.memref_slice %arg3[%add3A_8, %dma_start3A_96, %dma_start3A_97] : memref<64x40x125xi32, #tpu.memory_space<hbm>> -> memref<1x40x125xi32, #tpu.memory_space<hbm>>
      %dma_start3A_99 = tpu.memref_squeeze %dma_start3A_98 : memref<1x40x125xi32, #tpu.memory_space<hbm>> -> memref<40x125xi32, #tpu.memory_space<hbm>>
      tpu.enqueue_dma source(%dma_start3A_99 : memref<40x125xi32, #tpu.memory_space<hbm>>) target(%arg7 : memref<40x125xi32, #tpu.memory_space<vmem>>) target_semaphore(%run_scoped3A : memref<!tpu.dma_semaphore, #tpu.memory_space<semaphore_mem>>)
      %dma_wait3A = arith.constant 0 : i32
      %dma_wait3A_100 = arith.constant 0 : i32
      %dma_wait3A_101 = tpu.memref_slice %arg3[%add3A_8, %dma_wait3A, %dma_wait3A_100] : memref<64x40x125xi32, #tpu.memory_space<hbm>> -> memref<1x40x125xi32, #tpu.memory_space<hbm>>
      %dma_wait3A_102 = tpu.memref_squeeze %dma_wait3A_101 : memref<1x40x125xi32, #tpu.memory_space<hbm>> -> memref<40x125xi32, #tpu.memory_space<hbm>>
      %dma_wait3A_103 = arith.constant 0 : i32
      %dma_wait3A_104 = arith.constant 0 : i32
      %dma_wait3A_105 = tpu.memref_slice %arg3[%add3A_8, %dma_wait3A_103, %dma_wait3A_104] : memref<64x40x125xi32, #tpu.memory_space<hbm>> -> memref<1x40x125xi32, #tpu.memory_space<hbm>>
      %dma_wait3A_106 = tpu.memref_squeeze %dma_wait3A_105 : memref<1x40x125xi32, #tpu.memory_space<hbm>> -> memref<40x125xi32, #tpu.memory_space<hbm>>
      tpu.wait_dma2 semaphore(%run_scoped3A : memref<!tpu.dma_semaphore, #tpu.memory_space<semaphore_mem>>) src(%dma_wait3A_106 : memref<40x125xi32, #tpu.memory_space<hbm>>) dst(%arg7 : memref<40x125xi32, #tpu.memory_space<vmem>>)
      tpu.yield
    }) : () -> ()
    %mul3A_9 = arith.constant 2 : i32
    %mul3A_10 = arith.muli %arg1, %mul3A_9 : i32
    %add3A_11 = arith.constant 0 : i32
    %add3A_12 = arith.addi %mul3A_10, %add3A_11 : i32
    "tpu.region"() ({
      %run_scoped3A = tpu.sem_alloc : memref<!tpu.dma_semaphore, #tpu.memory_space<semaphore_mem>>
      %dma_start3A_92 = arith.constant 0 : i32
      %dma_start3A_93 = arith.constant 0 : i32
      %dma_start3A_94 = tpu.memref_slice %arg4[%add3A_12, %dma_start3A_92, %dma_start3A_93] : memref<32x40x125xi32, #tpu.memory_space<hbm>> -> memref<1x40x125xi32, #tpu.memory_space<hbm>>
      %dma_start3A_95 = tpu.memref_squeeze %dma_start3A_94 : memref<1x40x125xi32, #tpu.memory_space<hbm>> -> memref<40x125xi32, #tpu.memory_space<hbm>>
      %dma_start3A_96 = arith.constant 0 : i32
      %dma_start3A_97 = arith.constant 0 : i32
      %dma_start3A_98 = tpu.memref_slice %arg4[%add3A_12, %dma_start3A_96, %dma_start3A_97] : memref<32x40x125xi32, #tpu.memory_space<hbm>> -> memref<1x40x125xi32, #tpu.memory_space<hbm>>
      %dma_start3A_99 = tpu.memref_squeeze %dma_start3A_98 : memref<1x40x125xi32, #tpu.memory_space<hbm>> -> memref<40x125xi32, #tpu.memory_space<hbm>>
      tpu.enqueue_dma source(%dma_start3A_99 : memref<40x125xi32, #tpu.memory_space<hbm>>) target(%arg8 : memref<40x125xi32, #tpu.memory_space<vmem>>) target_semaphore(%run_scoped3A : memref<!tpu.dma_semaphore, #tpu.memory_space<semaphore_mem>>)
      %dma_wait3A = arith.constant 0 : i32
      %dma_wait3A_100 = arith.constant 0 : i32
      %dma_wait3A_101 = tpu.memref_slice %arg4[%add3A_12, %dma_wait3A, %dma_wait3A_100] : memref<32x40x125xi32, #tpu.memory_space<hbm>> -> memref<1x40x125xi32, #tpu.memory_space<hbm>>
      %dma_wait3A_102 = tpu.memref_squeeze %dma_wait3A_101 : memref<1x40x125xi32, #tpu.memory_space<hbm>> -> memref<40x125xi32, #tpu.memory_space<hbm>>
      %dma_wait3A_103 = arith.constant 0 : i32
      %dma_wait3A_104 = arith.constant 0 : i32
      %dma_wait3A_105 = tpu.memref_slice %arg4[%add3A_12, %dma_wait3A_103, %dma_wait3A_104] : memref<32x40x125xi32, #tpu.memory_space<hbm>> -> memref<1x40x125xi32, #tpu.memory_space<hbm>>
      %dma_wait3A_106 = tpu.memref_squeeze %dma_wait3A_105 : memref<1x40x125xi32, #tpu.memory_space<hbm>> -> memref<40x125xi32, #tpu.memory_space<hbm>>
      tpu.wait_dma2 semaphore(%run_scoped3A : memref<!tpu.dma_semaphore, #tpu.memory_space<semaphore_mem>>) src(%dma_wait3A_106 : memref<40x125xi32, #tpu.memory_space<hbm>>) dst(%arg8 : memref<40x125xi32, #tpu.memory_space<vmem>>)
      tpu.yield
    }) : () -> ()
    %barrier3A = arith.constant 0 : index
    tpu.barrier barrier_id(%barrier3A)
    %dma_start3A = arith.constant 0 : i32
    %dma_start3A_13 = arith.constant 0 : i32
    %dma_start3A_14 = arith.constant 0 : i32
    %dma_start3A_15 = arith.constant 0 : i32
    %dma_start3A_16 = tpu.memref_slice %arg9[%dma_start3A_13, %dma_start3A_14, %dma_start3A_15] : memref<2x125x128xf32, #tpu.memory_space<vmem>> -> memref<1x125x128xf32, #tpu.memory_space<vmem>>
    %dma_start3A_17 = tpu.memref_squeeze %dma_start3A_16 : memref<1x125x128xf32, #tpu.memory_space<vmem>> -> memref<125x128xf32, #tpu.memory_space<vmem>>
    %dma_start3A_18 = arith.constant 0 : i32
    %dma_start3A_19 = tpu.memref_slice %arg7[%dma_start3A, %dma_start3A_18] : memref<40x125xi32, #tpu.memory_space<vmem>> -> memref<1x125xi32, #tpu.memory_space<vmem>>
    %dma_start3A_20 = tpu.memref_squeeze %dma_start3A_19 : memref<1x125xi32, #tpu.memory_space<vmem>> -> memref<125xi32, #tpu.memory_space<vmem>>
    %dma_start3A_21 = arith.constant 0 : i32
    %dma_start3A_22 = arith.constant 0 : i32
    %dma_start3A_23 = tpu.memref_slice %arg2[%dma_start3A_21, %dma_start3A_22] : memref<20000x128xf32, #tpu.memory_space<hbm>> -> memref<20000x128xf32, #tpu.memory_space<hbm>>
    tpu.enqueue_indirect_dma source(%dma_start3A_23 : memref<20000x128xf32, #tpu.memory_space<hbm>>) target(%dma_start3A_17 : memref<125x128xf32, #tpu.memory_space<vmem>>) offsets(%dma_start3A_20 : memref<125xi32, #tpu.memory_space<vmem>>) semaphore(%arg11 : memref<!tpu.dma_semaphore, #tpu.memory_space<semaphore_mem>>)
    %dma_start3A_24 = arith.constant 1 : i32
    %dma_start3A_25 = arith.constant 1 : i32
    %dma_start3A_26 = arith.constant 0 : i32
    %dma_start3A_27 = arith.constant 0 : i32
    %dma_start3A_28 = tpu.memref_slice %arg9[%dma_start3A_25, %dma_start3A_26, %dma_start3A_27] : memref<2x125x128xf32, #tpu.memory_space<vmem>> -> memref<1x125x128xf32, #tpu.memory_space<vmem>>
    %dma_start3A_29 = tpu.memref_squeeze %dma_start3A_28 : memref<1x125x128xf32, #tpu.memory_space<vmem>> -> memref<125x128xf32, #tpu.memory_space<vmem>>
    %dma_start3A_30 = arith.constant 0 : i32
    %dma_start3A_31 = tpu.memref_slice %arg7[%dma_start3A_24, %dma_start3A_30] : memref<40x125xi32, #tpu.memory_space<vmem>> -> memref<1x125xi32, #tpu.memory_space<vmem>>
    %dma_start3A_32 = tpu.memref_squeeze %dma_start3A_31 : memref<1x125xi32, #tpu.memory_space<vmem>> -> memref<125xi32, #tpu.memory_space<vmem>>
    %dma_start3A_33 = arith.constant 0 : i32
    %dma_start3A_34 = arith.constant 0 : i32
    %dma_start3A_35 = tpu.memref_slice %arg2[%dma_start3A_33, %dma_start3A_34] : memref<20000x128xf32, #tpu.memory_space<hbm>> -> memref<20000x128xf32, #tpu.memory_space<hbm>>
    tpu.enqueue_indirect_dma source(%dma_start3A_35 : memref<20000x128xf32, #tpu.memory_space<hbm>>) target(%dma_start3A_29 : memref<125x128xf32, #tpu.memory_space<vmem>>) offsets(%dma_start3A_32 : memref<125xi32, #tpu.memory_space<vmem>>) semaphore(%arg12 : memref<!tpu.dma_semaphore, #tpu.memory_space<semaphore_mem>>)
    %scan3A = arith.constant 0 : i32
    %scan3A_36 = arith.constant 0 : i32
    %scan3A_37 = arith.constant 20 : i32
    %scan3A_38 = arith.addi %scan3A_36, %scan3A_37 : i32
    %scan3A_39 = arith.constant 1 : i32
    scf.for %scan3A_92 = %scan3A_36 to %scan3A_38 step %scan3A_39  : i32 {
      %mul3A_93 = arith.constant 2 : i32
      %mul3A_94 = arith.muli %mul3A_93, %scan3A_92 : i32
      %add3A_95 = arith.constant 1 : i32
      %add3A_96 = arith.addi %mul3A_94, %add3A_95 : i32
      %dma_wait3A = arith.constant 0 : i32
      %dma_wait3A_97 = arith.constant 0 : i32
      %dma_wait3A_98 = arith.constant 0 : i32
      %dma_wait3A_99 = tpu.memref_slice %arg9[%dma_wait3A, %dma_wait3A_97, %dma_wait3A_98] : memref<2x125x128xf32, #tpu.memory_space<vmem>> -> memref<1x125x128xf32, #tpu.memory_space<vmem>>
      %dma_wait3A_100 = tpu.memref_squeeze %dma_wait3A_99 : memref<1x125x128xf32, #tpu.memory_space<vmem>> -> memref<125x128xf32, #tpu.memory_space<vmem>>
      %dma_wait3A_101 = arith.constant 0 : i32
      %dma_wait3A_102 = tpu.memref_slice %arg7[%mul3A_94, %dma_wait3A_101] : memref<40x125xi32, #tpu.memory_space<vmem>> -> memref<1x125xi32, #tpu.memory_space<vmem>>
      %dma_wait3A_103 = tpu.memref_squeeze %dma_wait3A_102 : memref<1x125xi32, #tpu.memory_space<vmem>> -> memref<125xi32, #tpu.memory_space<vmem>>
      %dma_wait3A_104 = arith.constant 0 : i32
      %dma_wait3A_105 = arith.constant 0 : i32
      %dma_wait3A_106 = tpu.memref_slice %arg2[%dma_wait3A_104, %dma_wait3A_105] : memref<20000x128xf32, #tpu.memory_space<hbm>> -> memref<20000x128xf32, #tpu.memory_space<hbm>>
      tpu.wait_indirect_dma semaphore(%arg11 : memref<!tpu.dma_semaphore, #tpu.memory_space<semaphore_mem>>) src(%dma_wait3A_106 : memref<20000x128xf32, #tpu.memory_space<hbm>>) dst(%dma_wait3A_100 : memref<125x128xf32, #tpu.memory_space<vmem>>)
      %run_scoped3A = arith.constant 0 : i32
      "tpu.region"() ({
        %run_scoped3A_132 = tpu.sem_alloc : memref<!tpu.dma_semaphore, #tpu.memory_space<semaphore_mem>>
        %dma_start3A_133 = arith.constant 0 : i32
        %dma_start3A_134 = arith.constant 0 : i32
        %dma_start3A_135 = tpu.memref_slice %arg9[%run_scoped3A, %dma_start3A_133, %dma_start3A_134] : memref<2x125x128xf32, #tpu.memory_space<vmem>> -> memref<1x125x128xf32, #tpu.memory_space<vmem>>
        %dma_start3A_136 = tpu.memref_squeeze %dma_start3A_135 : memref<1x125x128xf32, #tpu.memory_space<vmem>> -> memref<125x128xf32, #tpu.memory_space<vmem>>
        %dma_start3A_137 = arith.constant 0 : i32
        %dma_start3A_138 = tpu.memref_slice %arg8[%mul3A_94, %dma_start3A_137] : memref<40x125xi32, #tpu.memory_space<vmem>> -> memref<1x125xi32, #tpu.memory_space<vmem>>
        %dma_start3A_139 = tpu.memref_squeeze %dma_start3A_138 : memref<1x125xi32, #tpu.memory_space<vmem>> -> memref<125xi32, #tpu.memory_space<vmem>>
        %dma_start3A_140 = arith.constant 0 : i32
        %dma_start3A_141 = arith.constant 0 : i32
        %dma_start3A_142 = tpu.memref_slice %arg10[%dma_start3A_140, %dma_start3A_141] : memref<10000x128xf32, #tpu.memory_space<vmem_shared>> -> memref<10000x128xf32, #tpu.memory_space<vmem_shared>>
        tpu.enqueue_indirect_dma source(%dma_start3A_136 : memref<125x128xf32, #tpu.memory_space<vmem>>) target(%dma_start3A_142 : memref<10000x128xf32, #tpu.memory_space<vmem_shared>>) offsets(%dma_start3A_139 : memref<125xi32, #tpu.memory_space<vmem>>) semaphore(%run_scoped3A_132 : memref<!tpu.dma_semaphore, #tpu.memory_space<semaphore_mem>>) {add = true}
        %dma_wait3A_143 = arith.constant 0 : i32
        %dma_wait3A_144 = arith.constant 0 : i32
        %dma_wait3A_145 = tpu.memref_slice %arg9[%run_scoped3A, %dma_wait3A_143, %dma_wait3A_144] : memref<2x125x128xf32, #tpu.memory_space<vmem>> -> memref<1x125x128xf32, #tpu.memory_space<vmem>>
        %dma_wait3A_146 = tpu.memref_squeeze %dma_wait3A_145 : memref<1x125x128xf32, #tpu.memory_space<vmem>> -> memref<125x128xf32, #tpu.memory_space<vmem>>
        %dma_wait3A_147 = arith.constant 0 : i32
        %dma_wait3A_148 = tpu.memref_slice %arg8[%mul3A_94, %dma_wait3A_147] : memref<40x125xi32, #tpu.memory_space<vmem>> -> memref<1x125xi32, #tpu.memory_space<vmem>>
        %dma_wait3A_149 = tpu.memref_squeeze %dma_wait3A_148 : memref<1x125xi32, #tpu.memory_space<vmem>> -> memref<125xi32, #tpu.memory_space<vmem>>
        %dma_wait3A_150 = arith.constant 0 : i32
        %dma_wait3A_151 = arith.constant 0 : i32
        %dma_wait3A_152 = tpu.memref_slice %arg10[%dma_wait3A_150, %dma_wait3A_151] : memref<10000x128xf32, #tpu.memory_space<vmem_shared>> -> memref<10000x128xf32, #tpu.memory_space<vmem_shared>>
        tpu.wait_indirect_dma semaphore(%run_scoped3A_132 : memref<!tpu.dma_semaphore, #tpu.memory_space<semaphore_mem>>) src(%dma_wait3A_146 : memref<125x128xf32, #tpu.memory_space<vmem>>) dst(%dma_wait3A_152 : memref<10000x128xf32, #tpu.memory_space<vmem_shared>>)
        tpu.yield
      }) : () -> ()
      %add3A_107 = arith.constant 2 : i32
      %add3A_108 = arith.addi %mul3A_94, %add3A_107 : i32
      %lt3A = arith.constant 40 : i32
      %lt3A_109 = arith.cmpi slt, %add3A_108, %lt3A : i32
      %convert_element_type3A_110 = arith.extui %lt3A_109 : i1 to i32
      %cond3A_111 = arith.constant 0 : i32
      %cond3A_112 = arith.cmpi ne, %convert_element_type3A_110, %cond3A_111 : i32
      scf.if %cond3A_112 {
        %add3A_132 = arith.constant 2 : i32
        %add3A_133 = arith.addi %mul3A_94, %add3A_132 : i32
        %dma_start3A_134 = arith.constant 0 : i32
        %dma_start3A_135 = arith.constant 0 : i32
        %dma_start3A_136 = arith.constant 0 : i32
        %dma_start3A_137 = tpu.memref_slice %arg9[%dma_start3A_134, %dma_start3A_135, %dma_start3A_136] : memref<2x125x128xf32, #tpu.memory_space<vmem>> -> memref<1x125x128xf32, #tpu.memory_space<vmem>>
        %dma_start3A_138 = tpu.memref_squeeze %dma_start3A_137 : memref<1x125x128xf32, #tpu.memory_space<vmem>> -> memref<125x128xf32, #tpu.memory_space<vmem>>
        %dma_start3A_139 = arith.constant 0 : i32
        %dma_start3A_140 = tpu.memref_slice %arg7[%add3A_133, %dma_start3A_139] : memref<40x125xi32, #tpu.memory_space<vmem>> -> memref<1x125xi32, #tpu.memory_space<vmem>>
        %dma_start3A_141 = tpu.memref_squeeze %dma_start3A_140 : memref<1x125xi32, #tpu.memory_space<vmem>> -> memref<125xi32, #tpu.memory_space<vmem>>
        %dma_start3A_142 = arith.constant 0 : i32
        %dma_start3A_143 = arith.constant 0 : i32
        %dma_start3A_144 = tpu.memref_slice %arg2[%dma_start3A_142, %dma_start3A_143] : memref<20000x128xf32, #tpu.memory_space<hbm>> -> memref<20000x128xf32, #tpu.memory_space<hbm>>
        tpu.enqueue_indirect_dma source(%dma_start3A_144 : memref<20000x128xf32, #tpu.memory_space<hbm>>) target(%dma_start3A_138 : memref<125x128xf32, #tpu.memory_space<vmem>>) offsets(%dma_start3A_141 : memref<125xi32, #tpu.memory_space<vmem>>) semaphore(%arg11 : memref<!tpu.dma_semaphore, #tpu.memory_space<semaphore_mem>>)
      } else {
      }
      %dma_wait3A_113 = arith.constant 1 : i32
      %dma_wait3A_114 = arith.constant 0 : i32
      %dma_wait3A_115 = arith.constant 0 : i32
      %dma_wait3A_116 = tpu.memref_slice %arg9[%dma_wait3A_113, %dma_wait3A_114, %dma_wait3A_115] : memref<2x125x128xf32, #tpu.memory_space<vmem>> -> memref<1x125x128xf32, #tpu.memory_space<vmem>>
      %dma_wait3A_117 = tpu.memref_squeeze %dma_wait3A_116 : memref<1x125x128xf32, #tpu.memory_space<vmem>> -> memref<125x128xf32, #tpu.memory_space<vmem>>
      %dma_wait3A_118 = arith.constant 0 : i32
      %dma_wait3A_119 = tpu.memref_slice %arg7[%add3A_96, %dma_wait3A_118] : memref<40x125xi32, #tpu.memory_space<vmem>> -> memref<1x125xi32, #tpu.memory_space<vmem>>
      %dma_wait3A_120 = tpu.memref_squeeze %dma_wait3A_119 : memref<1x125xi32, #tpu.memory_space<vmem>> -> memref<125xi32, #tpu.memory_space<vmem>>
      %dma_wait3A_121 = arith.constant 0 : i32
      %dma_wait3A_122 = arith.constant 0 : i32
      %dma_wait3A_123 = tpu.memref_slice %arg2[%dma_wait3A_121, %dma_wait3A_122] : memref<20000x128xf32, #tpu.memory_space<hbm>> -> memref<20000x128xf32, #tpu.memory_space<hbm>>
      tpu.wait_indirect_dma semaphore(%arg12 : memref<!tpu.dma_semaphore, #tpu.memory_space<semaphore_mem>>) src(%dma_wait3A_123 : memref<20000x128xf32, #tpu.memory_space<hbm>>) dst(%dma_wait3A_117 : memref<125x128xf32, #tpu.memory_space<vmem>>)
      %run_scoped3A_124 = arith.constant 1 : i32
      "tpu.region"() ({
        %run_scoped3A_132 = tpu.sem_alloc : memref<!tpu.dma_semaphore, #tpu.memory_space<semaphore_mem>>
        %dma_start3A_133 = arith.constant 0 : i32
        %dma_start3A_134 = arith.constant 0 : i32
        %dma_start3A_135 = tpu.memref_slice %arg9[%run_scoped3A_124, %dma_start3A_133, %dma_start3A_134] : memref<2x125x128xf32, #tpu.memory_space<vmem>> -> memref<1x125x128xf32, #tpu.memory_space<vmem>>
        %dma_start3A_136 = tpu.memref_squeeze %dma_start3A_135 : memref<1x125x128xf32, #tpu.memory_space<vmem>> -> memref<125x128xf32, #tpu.memory_space<vmem>>
        %dma_start3A_137 = arith.constant 0 : i32
        %dma_start3A_138 = tpu.memref_slice %arg8[%add3A_96, %dma_start3A_137] : memref<40x125xi32, #tpu.memory_space<vmem>> -> memref<1x125xi32, #tpu.memory_space<vmem>>
        %dma_start3A_139 = tpu.memref_squeeze %dma_start3A_138 : memref<1x125xi32, #tpu.memory_space<vmem>> -> memref<125xi32, #tpu.memory_space<vmem>>
        %dma_start3A_140 = arith.constant 0 : i32
        %dma_start3A_141 = arith.constant 0 : i32
        %dma_start3A_142 = tpu.memref_slice %arg10[%dma_start3A_140, %dma_start3A_141] : memref<10000x128xf32, #tpu.memory_space<vmem_shared>> -> memref<10000x128xf32, #tpu.memory_space<vmem_shared>>
        tpu.enqueue_indirect_dma source(%dma_start3A_136 : memref<125x128xf32, #tpu.memory_space<vmem>>) target(%dma_start3A_142 : memref<10000x128xf32, #tpu.memory_space<vmem_shared>>) offsets(%dma_start3A_139 : memref<125xi32, #tpu.memory_space<vmem>>) semaphore(%run_scoped3A_132 : memref<!tpu.dma_semaphore, #tpu.memory_space<semaphore_mem>>) {add = true}
        %dma_wait3A_143 = arith.constant 0 : i32
        %dma_wait3A_144 = arith.constant 0 : i32
        %dma_wait3A_145 = tpu.memref_slice %arg9[%run_scoped3A_124, %dma_wait3A_143, %dma_wait3A_144] : memref<2x125x128xf32, #tpu.memory_space<vmem>> -> memref<1x125x128xf32, #tpu.memory_space<vmem>>
        %dma_wait3A_146 = tpu.memref_squeeze %dma_wait3A_145 : memref<1x125x128xf32, #tpu.memory_space<vmem>> -> memref<125x128xf32, #tpu.memory_space<vmem>>
        %dma_wait3A_147 = arith.constant 0 : i32
        %dma_wait3A_148 = tpu.memref_slice %arg8[%add3A_96, %dma_wait3A_147] : memref<40x125xi32, #tpu.memory_space<vmem>> -> memref<1x125xi32, #tpu.memory_space<vmem>>
        %dma_wait3A_149 = tpu.memref_squeeze %dma_wait3A_148 : memref<1x125xi32, #tpu.memory_space<vmem>> -> memref<125xi32, #tpu.memory_space<vmem>>
        %dma_wait3A_150 = arith.constant 0 : i32
        %dma_wait3A_151 = arith.constant 0 : i32
        %dma_wait3A_152 = tpu.memref_slice %arg10[%dma_wait3A_150, %dma_wait3A_151] : memref<10000x128xf32, #tpu.memory_space<vmem_shared>> -> memref<10000x128xf32, #tpu.memory_space<vmem_shared>>
        tpu.wait_indirect_dma semaphore(%run_scoped3A_132 : memref<!tpu.dma_semaphore, #tpu.memory_space<semaphore_mem>>) src(%dma_wait3A_146 : memref<125x128xf32, #tpu.memory_space<vmem>>) dst(%dma_wait3A_152 : memref<10000x128xf32, #tpu.memory_space<vmem_shared>>)
        tpu.yield
      }) : () -> ()
      %add3A_125 = arith.constant 2 : i32
      %add3A_126 = arith.addi %add3A_96, %add3A_125 : i32
      %lt3A_127 = arith.constant 40 : i32
      %lt3A_128 = arith.cmpi slt, %add3A_126, %lt3A_127 : i32
      %convert_element_type3A_129 = arith.extui %lt3A_128 : i1 to i32
      %cond3A_130 = arith.constant 0 : i32
      %cond3A_131 = arith.cmpi ne, %convert_element_type3A_129, %cond3A_130 : i32
      scf.if %cond3A_131 {
        %add3A_132 = arith.constant 2 : i32
        %add3A_133 = arith.addi %add3A_96, %add3A_132 : i32
        %dma_start3A_134 = arith.constant 1 : i32
        %dma_start3A_135 = arith.constant 0 : i32
        %dma_start3A_136 = arith.constant 0 : i32
        %dma_start3A_137 = tpu.memref_slice %arg9[%dma_start3A_134, %dma_start3A_135, %dma_start3A_136] : memref<2x125x128xf32, #tpu.memory_space<vmem>> -> memref<1x125x128xf32, #tpu.memory_space<vmem>>
        %dma_start3A_138 = tpu.memref_squeeze %dma_start3A_137 : memref<1x125x128xf32, #tpu.memory_space<vmem>> -> memref<125x128xf32, #tpu.memory_space<vmem>>
        %dma_start3A_139 = arith.constant 0 : i32
        %dma_start3A_140 = tpu.memref_slice %arg7[%add3A_133, %dma_start3A_139] : memref<40x125xi32, #tpu.memory_space<vmem>> -> memref<1x125xi32, #tpu.memory_space<vmem>>
        %dma_start3A_141 = tpu.memref_squeeze %dma_start3A_140 : memref<1x125xi32, #tpu.memory_space<vmem>> -> memref<125xi32, #tpu.memory_space<vmem>>
        %dma_start3A_142 = arith.constant 0 : i32
        %dma_start3A_143 = arith.constant 0 : i32
        %dma_start3A_144 = tpu.memref_slice %arg2[%dma_start3A_142, %dma_start3A_143] : memref<20000x128xf32, #tpu.memory_space<hbm>> -> memref<20000x128xf32, #tpu.memory_space<hbm>>
        tpu.enqueue_indirect_dma source(%dma_start3A_144 : memref<20000x128xf32, #tpu.memory_space<hbm>>) target(%dma_start3A_138 : memref<125x128xf32, #tpu.memory_space<vmem>>) offsets(%dma_start3A_141 : memref<125xi32, #tpu.memory_space<vmem>>) semaphore(%arg12 : memref<!tpu.dma_semaphore, #tpu.memory_space<semaphore_mem>>)
      } else {
      }
    }
    %scan3A_40 = arith.constant 20 : i32
    %mul3A_41 = arith.constant 2 : i32
    %mul3A_42 = arith.muli %add3A, %mul3A_41 : i32
    %add3A_43 = arith.constant 1 : i32
    %add3A_44 = arith.addi %mul3A_42, %add3A_43 : i32
    "tpu.region"() ({
      %run_scoped3A = tpu.sem_alloc : memref<!tpu.dma_semaphore, #tpu.memory_space<semaphore_mem>>
      %dma_start3A_92 = arith.constant 0 : i32
      %dma_start3A_93 = arith.constant 0 : i32
      %dma_start3A_94 = tpu.memref_slice %arg3[%add3A_44, %dma_start3A_92, %dma_start3A_93] : memref<64x40x125xi32, #tpu.memory_space<hbm>> -> memref<1x40x125xi32, #tpu.memory_space<hbm>>
      %dma_start3A_95 = tpu.memref_squeeze %dma_start3A_94 : memref<1x40x125xi32, #tpu.memory_space<hbm>> -> memref<40x125xi32, #tpu.memory_space<hbm>>
      %dma_start3A_96 = arith.constant 0 : i32
      %dma_start3A_97 = arith.constant 0 : i32
      %dma_start3A_98 = tpu.memref_slice %arg3[%add3A_44, %dma_start3A_96, %dma_start3A_97] : memref<64x40x125xi32, #tpu.memory_space<hbm>> -> memref<1x40x125xi32, #tpu.memory_space<hbm>>
      %dma_start3A_99 = tpu.memref_squeeze %dma_start3A_98 : memref<1x40x125xi32, #tpu.memory_space<hbm>> -> memref<40x125xi32, #tpu.memory_space<hbm>>
      tpu.enqueue_dma source(%dma_start3A_99 : memref<40x125xi32, #tpu.memory_space<hbm>>) target(%arg7 : memref<40x125xi32, #tpu.memory_space<vmem>>) target_semaphore(%run_scoped3A : memref<!tpu.dma_semaphore, #tpu.memory_space<semaphore_mem>>)
      %dma_wait3A = arith.constant 0 : i32
      %dma_wait3A_100 = arith.constant 0 : i32
      %dma_wait3A_101 = tpu.memref_slice %arg3[%add3A_44, %dma_wait3A, %dma_wait3A_100] : memref<64x40x125xi32, #tpu.memory_space<hbm>> -> memref<1x40x125xi32, #tpu.memory_space<hbm>>
      %dma_wait3A_102 = tpu.memref_squeeze %dma_wait3A_101 : memref<1x40x125xi32, #tpu.memory_space<hbm>> -> memref<40x125xi32, #tpu.memory_space<hbm>>
      %dma_wait3A_103 = arith.constant 0 : i32
      %dma_wait3A_104 = arith.constant 0 : i32
      %dma_wait3A_105 = tpu.memref_slice %arg3[%add3A_44, %dma_wait3A_103, %dma_wait3A_104] : memref<64x40x125xi32, #tpu.memory_space<hbm>> -> memref<1x40x125xi32, #tpu.memory_space<hbm>>
      %dma_wait3A_106 = tpu.memref_squeeze %dma_wait3A_105 : memref<1x40x125xi32, #tpu.memory_space<hbm>> -> memref<40x125xi32, #tpu.memory_space<hbm>>
      tpu.wait_dma2 semaphore(%run_scoped3A : memref<!tpu.dma_semaphore, #tpu.memory_space<semaphore_mem>>) src(%dma_wait3A_106 : memref<40x125xi32, #tpu.memory_space<hbm>>) dst(%arg7 : memref<40x125xi32, #tpu.memory_space<vmem>>)
      tpu.yield
    }) : () -> ()
    %mul3A_45 = arith.constant 2 : i32
    %mul3A_46 = arith.muli %arg1, %mul3A_45 : i32
    %add3A_47 = arith.constant 1 : i32
    %add3A_48 = arith.addi %mul3A_46, %add3A_47 : i32
    "tpu.region"() ({
      %run_scoped3A = tpu.sem_alloc : memref<!tpu.dma_semaphore, #tpu.memory_space<semaphore_mem>>
      %dma_start3A_92 = arith.constant 0 : i32
      %dma_start3A_93 = arith.constant 0 : i32
      %dma_start3A_94 = tpu.memref_slice %arg4[%add3A_48, %dma_start3A_92, %dma_start3A_93] : memref<32x40x125xi32, #tpu.memory_space<hbm>> -> memref<1x40x125xi32, #tpu.memory_space<hbm>>
      %dma_start3A_95 = tpu.memref_squeeze %dma_start3A_94 : memref<1x40x125xi32, #tpu.memory_space<hbm>> -> memref<40x125xi32, #tpu.memory_space<hbm>>
      %dma_start3A_96 = arith.constant 0 : i32
      %dma_start3A_97 = arith.constant 0 : i32
      %dma_start3A_98 = tpu.memref_slice %arg4[%add3A_48, %dma_start3A_96, %dma_start3A_97] : memref<32x40x125xi32, #tpu.memory_space<hbm>> -> memref<1x40x125xi32, #tpu.memory_space<hbm>>
      %dma_start3A_99 = tpu.memref_squeeze %dma_start3A_98 : memref<1x40x125xi32, #tpu.memory_space<hbm>> -> memref<40x125xi32, #tpu.memory_space<hbm>>
      tpu.enqueue_dma source(%dma_start3A_99 : memref<40x125xi32, #tpu.memory_space<hbm>>) target(%arg8 : memref<40x125xi32, #tpu.memory_space<vmem>>) target_semaphore(%run_scoped3A : memref<!tpu.dma_semaphore, #tpu.memory_space<semaphore_mem>>)
      %dma_wait3A = arith.constant 0 : i32
      %dma_wait3A_100 = arith.constant 0 : i32
      %dma_wait3A_101 = tpu.memref_slice %arg4[%add3A_48, %dma_wait3A, %dma_wait3A_100] : memref<32x40x125xi32, #tpu.memory_space<hbm>> -> memref<1x40x125xi32, #tpu.memory_space<hbm>>
      %dma_wait3A_102 = tpu.memref_squeeze %dma_wait3A_101 : memref<1x40x125xi32, #tpu.memory_space<hbm>> -> memref<40x125xi32, #tpu.memory_space<hbm>>
      %dma_wait3A_103 = arith.constant 0 : i32
      %dma_wait3A_104 = arith.constant 0 : i32
      %dma_wait3A_105 = tpu.memref_slice %arg4[%add3A_48, %dma_wait3A_103, %dma_wait3A_104] : memref<32x40x125xi32, #tpu.memory_space<hbm>> -> memref<1x40x125xi32, #tpu.memory_space<hbm>>
      %dma_wait3A_106 = tpu.memref_squeeze %dma_wait3A_105 : memref<1x40x125xi32, #tpu.memory_space<hbm>> -> memref<40x125xi32, #tpu.memory_space<hbm>>
      tpu.wait_dma2 semaphore(%run_scoped3A : memref<!tpu.dma_semaphore, #tpu.memory_space<semaphore_mem>>) src(%dma_wait3A_106 : memref<40x125xi32, #tpu.memory_space<hbm>>) dst(%arg8 : memref<40x125xi32, #tpu.memory_space<vmem>>)
      tpu.yield
    }) : () -> ()
    %dma_start3A_49 = arith.constant 0 : i32
    %dma_start3A_50 = arith.constant 0 : i32
    %dma_start3A_51 = arith.constant 0 : i32
    %dma_start3A_52 = arith.constant 0 : i32
    %dma_start3A_53 = tpu.memref_slice %arg9[%dma_start3A_50, %dma_start3A_51, %dma_start3A_52] : memref<2x125x128xf32, #tpu.memory_space<vmem>> -> memref<1x125x128xf32, #tpu.memory_space<vmem>>
    %dma_start3A_54 = tpu.memref_squeeze %dma_start3A_53 : memref<1x125x128xf32, #tpu.memory_space<vmem>> -> memref<125x128xf32, #tpu.memory_space<vmem>>
    %dma_start3A_55 = arith.constant 0 : i32
    %dma_start3A_56 = tpu.memref_slice %arg7[%dma_start3A_49, %dma_start3A_55] : memref<40x125xi32, #tpu.memory_space<vmem>> -> memref<1x125xi32, #tpu.memory_space<vmem>>
    %dma_start3A_57 = tpu.memref_squeeze %dma_start3A_56 : memref<1x125xi32, #tpu.memory_space<vmem>> -> memref<125xi32, #tpu.memory_space<vmem>>
    %dma_start3A_58 = arith.constant 0 : i32
    %dma_start3A_59 = arith.constant 0 : i32
    %dma_start3A_60 = tpu.memref_slice %arg2[%dma_start3A_58, %dma_start3A_59] : memref<20000x128xf32, #tpu.memory_space<hbm>> -> memref<20000x128xf32, #tpu.memory_space<hbm>>
    tpu.enqueue_indirect_dma source(%dma_start3A_60 : memref<20000x128xf32, #tpu.memory_space<hbm>>) target(%dma_start3A_54 : memref<125x128xf32, #tpu.memory_space<vmem>>) offsets(%dma_start3A_57 : memref<125xi32, #tpu.memory_space<vmem>>) semaphore(%arg11 : memref<!tpu.dma_semaphore, #tpu.memory_space<semaphore_mem>>)
    %dma_start3A_61 = arith.constant 1 : i32
    %dma_start3A_62 = arith.constant 1 : i32
    %dma_start3A_63 = arith.constant 0 : i32
    %dma_start3A_64 = arith.constant 0 : i32
    %dma_start3A_65 = tpu.memref_slice %arg9[%dma_start3A_62, %dma_start3A_63, %dma_start3A_64] : memref<2x125x128xf32, #tpu.memory_space<vmem>> -> memref<1x125x128xf32, #tpu.memory_space<vmem>>
    %dma_start3A_66 = tpu.memref_squeeze %dma_start3A_65 : memref<1x125x128xf32, #tpu.memory_space<vmem>> -> memref<125x128xf32, #tpu.memory_space<vmem>>
    %dma_start3A_67 = arith.constant 0 : i32
    %dma_start3A_68 = tpu.memref_slice %arg7[%dma_start3A_61, %dma_start3A_67] : memref<40x125xi32, #tpu.memory_space<vmem>> -> memref<1x125xi32, #tpu.memory_space<vmem>>
    %dma_start3A_69 = tpu.memref_squeeze %dma_start3A_68 : memref<1x125xi32, #tpu.memory_space<vmem>> -> memref<125xi32, #tpu.memory_space<vmem>>
    %dma_start3A_70 = arith.constant 0 : i32
    %dma_start3A_71 = arith.constant 0 : i32
    %dma_start3A_72 = tpu.memref_slice %arg2[%dma_start3A_70, %dma_start3A_71] : memref<20000x128xf32, #tpu.memory_space<hbm>> -> memref<20000x128xf32, #tpu.memory_space<hbm>>
    tpu.enqueue_indirect_dma source(%dma_start3A_72 : memref<20000x128xf32, #tpu.memory_space<hbm>>) target(%dma_start3A_66 : memref<125x128xf32, #tpu.memory_space<vmem>>) offsets(%dma_start3A_69 : memref<125xi32, #tpu.memory_space<vmem>>) semaphore(%arg12 : memref<!tpu.dma_semaphore, #tpu.memory_space<semaphore_mem>>)
    %scan3A_73 = arith.constant 0 : i32
    %scan3A_74 = arith.constant 0 : i32
    %scan3A_75 = arith.constant 20 : i32
    %scan3A_76 = arith.addi %scan3A_74, %scan3A_75 : i32
    %scan3A_77 = arith.constant 1 : i32
    scf.for %scan3A_92 = %scan3A_74 to %scan3A_76 step %scan3A_77  : i32 {
      %mul3A_93 = arith.constant 2 : i32
      %mul3A_94 = arith.muli %mul3A_93, %scan3A_92 : i32
      %add3A_95 = arith.constant 1 : i32
      %add3A_96 = arith.addi %mul3A_94, %add3A_95 : i32
      %dma_wait3A = arith.constant 0 : i32
      %dma_wait3A_97 = arith.constant 0 : i32
      %dma_wait3A_98 = arith.constant 0 : i32
      %dma_wait3A_99 = tpu.memref_slice %arg9[%dma_wait3A, %dma_wait3A_97, %dma_wait3A_98] : memref<2x125x128xf32, #tpu.memory_space<vmem>> -> memref<1x125x128xf32, #tpu.memory_space<vmem>>
      %dma_wait3A_100 = tpu.memref_squeeze %dma_wait3A_99 : memref<1x125x128xf32, #tpu.memory_space<vmem>> -> memref<125x128xf32, #tpu.memory_space<vmem>>
      %dma_wait3A_101 = arith.constant 0 : i32
      %dma_wait3A_102 = tpu.memref_slice %arg7[%mul3A_94, %dma_wait3A_101] : memref<40x125xi32, #tpu.memory_space<vmem>> -> memref<1x125xi32, #tpu.memory_space<vmem>>
      %dma_wait3A_103 = tpu.memref_squeeze %dma_wait3A_102 : memref<1x125xi32, #tpu.memory_space<vmem>> -> memref<125xi32, #tpu.memory_space<vmem>>
      %dma_wait3A_104 = arith.constant 0 : i32
      %dma_wait3A_105 = arith.constant 0 : i32
      %dma_wait3A_106 = tpu.memref_slice %arg2[%dma_wait3A_104, %dma_wait3A_105] : memref<20000x128xf32, #tpu.memory_space<hbm>> -> memref<20000x128xf32, #tpu.memory_space<hbm>>
      tpu.wait_indirect_dma semaphore(%arg11 : memref<!tpu.dma_semaphore, #tpu.memory_space<semaphore_mem>>) src(%dma_wait3A_106 : memref<20000x128xf32, #tpu.memory_space<hbm>>) dst(%dma_wait3A_100 : memref<125x128xf32, #tpu.memory_space<vmem>>)
      %run_scoped3A = arith.constant 0 : i32
      "tpu.region"() ({
        %run_scoped3A_132 = tpu.sem_alloc : memref<!tpu.dma_semaphore, #tpu.memory_space<semaphore_mem>>
        %dma_start3A_133 = arith.constant 0 : i32
        %dma_start3A_134 = arith.constant 0 : i32
        %dma_start3A_135 = tpu.memref_slice %arg9[%run_scoped3A, %dma_start3A_133, %dma_start3A_134] : memref<2x125x128xf32, #tpu.memory_space<vmem>> -> memref<1x125x128xf32, #tpu.memory_space<vmem>>
        %dma_start3A_136 = tpu.memref_squeeze %dma_start3A_135 : memref<1x125x128xf32, #tpu.memory_space<vmem>> -> memref<125x128xf32, #tpu.memory_space<vmem>>
        %dma_start3A_137 = arith.constant 0 : i32
        %dma_start3A_138 = tpu.memref_slice %arg8[%mul3A_94, %dma_start3A_137] : memref<40x125xi32, #tpu.memory_space<vmem>> -> memref<1x125xi32, #tpu.memory_space<vmem>>
        %dma_start3A_139 = tpu.memref_squeeze %dma_start3A_138 : memref<1x125xi32, #tpu.memory_space<vmem>> -> memref<125xi32, #tpu.memory_space<vmem>>
        %dma_start3A_140 = arith.constant 0 : i32
        %dma_start3A_141 = arith.constant 0 : i32
        %dma_start3A_142 = tpu.memref_slice %arg10[%dma_start3A_140, %dma_start3A_141] : memref<10000x128xf32, #tpu.memory_space<vmem_shared>> -> memref<10000x128xf32, #tpu.memory_space<vmem_shared>>
        tpu.enqueue_indirect_dma source(%dma_start3A_136 : memref<125x128xf32, #tpu.memory_space<vmem>>) target(%dma_start3A_142 : memref<10000x128xf32, #tpu.memory_space<vmem_shared>>) offsets(%dma_start3A_139 : memref<125xi32, #tpu.memory_space<vmem>>) semaphore(%run_scoped3A_132 : memref<!tpu.dma_semaphore, #tpu.memory_space<semaphore_mem>>) {add = true}
        %dma_wait3A_143 = arith.constant 0 : i32
        %dma_wait3A_144 = arith.constant 0 : i32
        %dma_wait3A_145 = tpu.memref_slice %arg9[%run_scoped3A, %dma_wait3A_143, %dma_wait3A_144] : memref<2x125x128xf32, #tpu.memory_space<vmem>> -> memref<1x125x128xf32, #tpu.memory_space<vmem>>
        %dma_wait3A_146 = tpu.memref_squeeze %dma_wait3A_145 : memref<1x125x128xf32, #tpu.memory_space<vmem>> -> memref<125x128xf32, #tpu.memory_space<vmem>>
        %dma_wait3A_147 = arith.constant 0 : i32
        %dma_wait3A_148 = tpu.memref_slice %arg8[%mul3A_94, %dma_wait3A_147] : memref<40x125xi32, #tpu.memory_space<vmem>> -> memref<1x125xi32, #tpu.memory_space<vmem>>
        %dma_wait3A_149 = tpu.memref_squeeze %dma_wait3A_148 : memref<1x125xi32, #tpu.memory_space<vmem>> -> memref<125xi32, #tpu.memory_space<vmem>>
        %dma_wait3A_150 = arith.constant 0 : i32
        %dma_wait3A_151 = arith.constant 0 : i32
        %dma_wait3A_152 = tpu.memref_slice %arg10[%dma_wait3A_150, %dma_wait3A_151] : memref<10000x128xf32, #tpu.memory_space<vmem_shared>> -> memref<10000x128xf32, #tpu.memory_space<vmem_shared>>
        tpu.wait_indirect_dma semaphore(%run_scoped3A_132 : memref<!tpu.dma_semaphore, #tpu.memory_space<semaphore_mem>>) src(%dma_wait3A_146 : memref<125x128xf32, #tpu.memory_space<vmem>>) dst(%dma_wait3A_152 : memref<10000x128xf32, #tpu.memory_space<vmem_shared>>)
        tpu.yield
      }) : () -> ()
      %add3A_107 = arith.constant 2 : i32
      %add3A_108 = arith.addi %mul3A_94, %add3A_107 : i32
      %lt3A = arith.constant 40 : i32
      %lt3A_109 = arith.cmpi slt, %add3A_108, %lt3A : i32
      %convert_element_type3A_110 = arith.extui %lt3A_109 : i1 to i32
      %cond3A_111 = arith.constant 0 : i32
      %cond3A_112 = arith.cmpi ne, %convert_element_type3A_110, %cond3A_111 : i32
      scf.if %cond3A_112 {
        %add3A_132 = arith.constant 2 : i32
        %add3A_133 = arith.addi %mul3A_94, %add3A_132 : i32
        %dma_start3A_134 = arith.constant 0 : i32
        %dma_start3A_135 = arith.constant 0 : i32
        %dma_start3A_136 = arith.constant 0 : i32
        %dma_start3A_137 = tpu.memref_slice %arg9[%dma_start3A_134, %dma_start3A_135, %dma_start3A_136] : memref<2x125x128xf32, #tpu.memory_space<vmem>> -> memref<1x125x128xf32, #tpu.memory_space<vmem>>
        %dma_start3A_138 = tpu.memref_squeeze %dma_start3A_137 : memref<1x125x128xf32, #tpu.memory_space<vmem>> -> memref<125x128xf32, #tpu.memory_space<vmem>>
        %dma_start3A_139 = arith.constant 0 : i32
        %dma_start3A_140 = tpu.memref_slice %arg7[%add3A_133, %dma_start3A_139] : memref<40x125xi32, #tpu.memory_space<vmem>> -> memref<1x125xi32, #tpu.memory_space<vmem>>
        %dma_start3A_141 = tpu.memref_squeeze %dma_start3A_140 : memref<1x125xi32, #tpu.memory_space<vmem>> -> memref<125xi32, #tpu.memory_space<vmem>>
        %dma_start3A_142 = arith.constant 0 : i32
        %dma_start3A_143 = arith.constant 0 : i32
        %dma_start3A_144 = tpu.memref_slice %arg2[%dma_start3A_142, %dma_start3A_143] : memref<20000x128xf32, #tpu.memory_space<hbm>> -> memref<20000x128xf32, #tpu.memory_space<hbm>>
        tpu.enqueue_indirect_dma source(%dma_start3A_144 : memref<20000x128xf32, #tpu.memory_space<hbm>>) target(%dma_start3A_138 : memref<125x128xf32, #tpu.memory_space<vmem>>) offsets(%dma_start3A_141 : memref<125xi32, #tpu.memory_space<vmem>>) semaphore(%arg11 : memref<!tpu.dma_semaphore, #tpu.memory_space<semaphore_mem>>)
      } else {
      }
      %dma_wait3A_113 = arith.constant 1 : i32
      %dma_wait3A_114 = arith.constant 0 : i32
      %dma_wait3A_115 = arith.constant 0 : i32
      %dma_wait3A_116 = tpu.memref_slice %arg9[%dma_wait3A_113, %dma_wait3A_114, %dma_wait3A_115] : memref<2x125x128xf32, #tpu.memory_space<vmem>> -> memref<1x125x128xf32, #tpu.memory_space<vmem>>
      %dma_wait3A_117 = tpu.memref_squeeze %dma_wait3A_116 : memref<1x125x128xf32, #tpu.memory_space<vmem>> -> memref<125x128xf32, #tpu.memory_space<vmem>>
      %dma_wait3A_118 = arith.constant 0 : i32
      %dma_wait3A_119 = tpu.memref_slice %arg7[%add3A_96, %dma_wait3A_118] : memref<40x125xi32, #tpu.memory_space<vmem>> -> memref<1x125xi32, #tpu.memory_space<vmem>>
      %dma_wait3A_120 = tpu.memref_squeeze %dma_wait3A_119 : memref<1x125xi32, #tpu.memory_space<vmem>> -> memref<125xi32, #tpu.memory_space<vmem>>
      %dma_wait3A_121 = arith.constant 0 : i32
      %dma_wait3A_122 = arith.constant 0 : i32
      %dma_wait3A_123 = tpu.memref_slice %arg2[%dma_wait3A_121, %dma_wait3A_122] : memref<20000x128xf32, #tpu.memory_space<hbm>> -> memref<20000x128xf32, #tpu.memory_space<hbm>>
      tpu.wait_indirect_dma semaphore(%arg12 : memref<!tpu.dma_semaphore, #tpu.memory_space<semaphore_mem>>) src(%dma_wait3A_123 : memref<20000x128xf32, #tpu.memory_space<hbm>>) dst(%dma_wait3A_117 : memref<125x128xf32, #tpu.memory_space<vmem>>)
      %run_scoped3A_124 = arith.constant 1 : i32
      "tpu.region"() ({
        %run_scoped3A_132 = tpu.sem_alloc : memref<!tpu.dma_semaphore, #tpu.memory_space<semaphore_mem>>
        %dma_start3A_133 = arith.constant 0 : i32
        %dma_start3A_134 = arith.constant 0 : i32
        %dma_start3A_135 = tpu.memref_slice %arg9[%run_scoped3A_124, %dma_start3A_133, %dma_start3A_134] : memref<2x125x128xf32, #tpu.memory_space<vmem>> -> memref<1x125x128xf32, #tpu.memory_space<vmem>>
        %dma_start3A_136 = tpu.memref_squeeze %dma_start3A_135 : memref<1x125x128xf32, #tpu.memory_space<vmem>> -> memref<125x128xf32, #tpu.memory_space<vmem>>
        %dma_start3A_137 = arith.constant 0 : i32
        %dma_start3A_138 = tpu.memref_slice %arg8[%add3A_96, %dma_start3A_137] : memref<40x125xi32, #tpu.memory_space<vmem>> -> memref<1x125xi32, #tpu.memory_space<vmem>>
        %dma_start3A_139 = tpu.memref_squeeze %dma_start3A_138 : memref<1x125xi32, #tpu.memory_space<vmem>> -> memref<125xi32, #tpu.memory_space<vmem>>
        %dma_start3A_140 = arith.constant 0 : i32
        %dma_start3A_141 = arith.constant 0 : i32
        %dma_start3A_142 = tpu.memref_slice %arg10[%dma_start3A_140, %dma_start3A_141] : memref<10000x128xf32, #tpu.memory_space<vmem_shared>> -> memref<10000x128xf32, #tpu.memory_space<vmem_shared>>
        tpu.enqueue_indirect_dma source(%dma_start3A_136 : memref<125x128xf32, #tpu.memory_space<vmem>>) target(%dma_start3A_142 : memref<10000x128xf32, #tpu.memory_space<vmem_shared>>) offsets(%dma_start3A_139 : memref<125xi32, #tpu.memory_space<vmem>>) semaphore(%run_scoped3A_132 : memref<!tpu.dma_semaphore, #tpu.memory_space<semaphore_mem>>) {add = true}
        %dma_wait3A_143 = arith.constant 0 : i32
        %dma_wait3A_144 = arith.constant 0 : i32
        %dma_wait3A_145 = tpu.memref_slice %arg9[%run_scoped3A_124, %dma_wait3A_143, %dma_wait3A_144] : memref<2x125x128xf32, #tpu.memory_space<vmem>> -> memref<1x125x128xf32, #tpu.memory_space<vmem>>
        %dma_wait3A_146 = tpu.memref_squeeze %dma_wait3A_145 : memref<1x125x128xf32, #tpu.memory_space<vmem>> -> memref<125x128xf32, #tpu.memory_space<vmem>>
        %dma_wait3A_147 = arith.constant 0 : i32
        %dma_wait3A_148 = tpu.memref_slice %arg8[%add3A_96, %dma_wait3A_147] : memref<40x125xi32, #tpu.memory_space<vmem>> -> memref<1x125xi32, #tpu.memory_space<vmem>>
        %dma_wait3A_149 = tpu.memref_squeeze %dma_wait3A_148 : memref<1x125xi32, #tpu.memory_space<vmem>> -> memref<125xi32, #tpu.memory_space<vmem>>
        %dma_wait3A_150 = arith.constant 0 : i32
        %dma_wait3A_151 = arith.constant 0 : i32
        %dma_wait3A_152 = tpu.memref_slice %arg10[%dma_wait3A_150, %dma_wait3A_151] : memref<10000x128xf32, #tpu.memory_space<vmem_shared>> -> memref<10000x128xf32, #tpu.memory_space<vmem_shared>>
        tpu.wait_indirect_dma semaphore(%run_scoped3A_132 : memref<!tpu.dma_semaphore, #tpu.memory_space<semaphore_mem>>) src(%dma_wait3A_146 : memref<125x128xf32, #tpu.memory_space<vmem>>) dst(%dma_wait3A_152 : memref<10000x128xf32, #tpu.memory_space<vmem_shared>>)
        tpu.yield
      }) : () -> ()
      %add3A_125 = arith.constant 2 : i32
      %add3A_126 = arith.addi %add3A_96, %add3A_125 : i32
      %lt3A_127 = arith.constant 40 : i32
      %lt3A_128 = arith.cmpi slt, %add3A_126, %lt3A_127 : i32
      %convert_element_type3A_129 = arith.extui %lt3A_128 : i1 to i32
      %cond3A_130 = arith.constant 0 : i32
      %cond3A_131 = arith.cmpi ne, %convert_element_type3A_129, %cond3A_130 : i32
      scf.if %cond3A_131 {
        %add3A_132 = arith.constant 2 : i32
        %add3A_133 = arith.addi %add3A_96, %add3A_132 : i32
        %dma_start3A_134 = arith.constant 1 : i32
        %dma_start3A_135 = arith.constant 0 : i32
        %dma_start3A_136 = arith.constant 0 : i32
        %dma_start3A_137 = tpu.memref_slice %arg9[%dma_start3A_134, %dma_start3A_135, %dma_start3A_136] : memref<2x125x128xf32, #tpu.memory_space<vmem>> -> memref<1x125x128xf32, #tpu.memory_space<vmem>>
        %dma_start3A_138 = tpu.memref_squeeze %dma_start3A_137 : memref<1x125x128xf32, #tpu.memory_space<vmem>> -> memref<125x128xf32, #tpu.memory_space<vmem>>
        %dma_start3A_139 = arith.constant 0 : i32
        %dma_start3A_140 = tpu.memref_slice %arg7[%add3A_133, %dma_start3A_139] : memref<40x125xi32, #tpu.memory_space<vmem>> -> memref<1x125xi32, #tpu.memory_space<vmem>>
        %dma_start3A_141 = tpu.memref_squeeze %dma_start3A_140 : memref<1x125xi32, #tpu.memory_space<vmem>> -> memref<125xi32, #tpu.memory_space<vmem>>
        %dma_start3A_142 = arith.constant 0 : i32
        %dma_start3A_143 = arith.constant 0 : i32
        %dma_start3A_144 = tpu.memref_slice %arg2[%dma_start3A_142, %dma_start3A_143] : memref<20000x128xf32, #tpu.memory_space<hbm>> -> memref<20000x128xf32, #tpu.memory_space<hbm>>
        tpu.enqueue_indirect_dma source(%dma_start3A_144 : memref<20000x128xf32, #tpu.memory_space<hbm>>) target(%dma_start3A_138 : memref<125x128xf32, #tpu.memory_space<vmem>>) offsets(%dma_start3A_141 : memref<125xi32, #tpu.memory_space<vmem>>) semaphore(%arg12 : memref<!tpu.dma_semaphore, #tpu.memory_space<semaphore_mem>>)
      } else {
      }
    }
    %scan3A_78 = arith.constant 20 : i32
    %barrier3A_79 = arith.constant 0 : index
    tpu.barrier barrier_id(%barrier3A_79)
    %mul3A_80 = arith.constant 624 : i32
    %mul3A_81 = arith.muli %arg1, %mul3A_80 : i32
    %mul3A_82 = arith.constant 10000 : i32
    %mul3A_83 = arith.muli %arg0, %mul3A_82 : i32
    %mul3A_84 = arith.constant 624 : i32
    %mul3A_85 = arith.muli %arg1, %mul3A_84 : i32
    %add3A_86 = arith.addi %mul3A_83, %mul3A_85 : i32
    "tpu.region"() ({
      %run_scoped3A = tpu.sem_alloc : memref<!tpu.dma_semaphore, #tpu.memory_space<semaphore_mem>>
      %dma_start3A_92 = arith.constant 0 : i32
      %dma_start3A_93 = tpu.memref_slice %arg6[%add3A_86, %dma_start3A_92] : memref<20000x128xf32, #tpu.memory_space<hbm>> -> memref<624x128xf32, #tpu.memory_space<hbm>>
      %dma_start3A_94 = arith.constant 0 : i32
      %dma_start3A_95 = tpu.memref_slice %arg10[%mul3A_81, %dma_start3A_94] : memref<10000x128xf32, #tpu.memory_space<vmem_shared>> -> memref<624x128xf32, #tpu.memory_space<vmem_shared>>
      tpu.enqueue_dma source(%dma_start3A_95 : memref<624x128xf32, #tpu.memory_space<vmem_shared>>) target(%dma_start3A_93 : memref<624x128xf32, #tpu.memory_space<hbm>>) target_semaphore(%run_scoped3A : memref<!tpu.dma_semaphore, #tpu.memory_space<semaphore_mem>>)
      %dma_wait3A = arith.constant 0 : i32
      %dma_wait3A_96 = tpu.memref_slice %arg6[%add3A_86, %dma_wait3A] : memref<20000x128xf32, #tpu.memory_space<hbm>> -> memref<624x128xf32, #tpu.memory_space<hbm>>
      %dma_wait3A_97 = arith.constant 0 : i32
      %dma_wait3A_98 = tpu.memref_slice %arg10[%mul3A_81, %dma_wait3A_97] : memref<10000x128xf32, #tpu.memory_space<vmem_shared>> -> memref<624x128xf32, #tpu.memory_space<vmem_shared>>
      tpu.wait_dma2 semaphore(%run_scoped3A : memref<!tpu.dma_semaphore, #tpu.memory_space<semaphore_mem>>) src(%dma_wait3A_98 : memref<624x128xf32, #tpu.memory_space<vmem_shared>>) dst(%dma_wait3A_96 : memref<624x128xf32, #tpu.memory_space<hbm>>)
      tpu.yield
    }) : () -> ()
    %eq3A_87 = arith.constant 0 : i32
    %eq3A_88 = arith.cmpi eq, %arg1, %eq3A_87 : i32
    %convert_element_type3A_89 = arith.extui %eq3A_88 : i1 to i32
    %cond3A_90 = arith.constant 0 : i32
    %cond3A_91 = arith.cmpi ne, %convert_element_type3A_89, %cond3A_90 : i32
    scf.if %cond3A_91 {
      %mul3A_92 = arith.constant 10000 : i32
      %mul3A_93 = arith.muli %arg0, %mul3A_92 : i32
      %add3A_94 = arith.constant 9984 : i32
      %add3A_95 = arith.addi %mul3A_93, %add3A_94 : i32
      "tpu.region"() ({
        %run_scoped3A = tpu.sem_alloc : memref<!tpu.dma_semaphore, #tpu.memory_space<semaphore_mem>>
        %dma_start3A_96 = arith.constant 0 : i32
        %dma_start3A_97 = tpu.memref_slice %arg6[%add3A_95, %dma_start3A_96] : memref<20000x128xf32, #tpu.memory_space<hbm>> -> memref<16x128xf32, #tpu.memory_space<hbm>>
        %dma_start3A_98 = arith.constant 9984 : i32
        %dma_start3A_99 = arith.constant 0 : i32
        %dma_start3A_100 = tpu.memref_slice %arg10[%dma_start3A_98, %dma_start3A_99] : memref<10000x128xf32, #tpu.memory_space<vmem_shared>> -> memref<16x128xf32, #tpu.memory_space<vmem_shared>>
        tpu.enqueue_dma source(%dma_start3A_100 : memref<16x128xf32, #tpu.memory_space<vmem_shared>>) target(%dma_start3A_97 : memref<16x128xf32, #tpu.memory_space<hbm>>) target_semaphore(%run_scoped3A : memref<!tpu.dma_semaphore, #tpu.memory_space<semaphore_mem>>)
        %dma_wait3A = arith.constant 0 : i32
        %dma_wait3A_101 = tpu.memref_slice %arg6[%add3A_95, %dma_wait3A] : memref<20000x128xf32, #tpu.memory_space<hbm>> -> memref<16x128xf32, #tpu.memory_space<hbm>>
        %dma_wait3A_102 = arith.constant 9984 : i32
        %dma_wait3A_103 = arith.constant 0 : i32
        %dma_wait3A_104 = tpu.memref_slice %arg10[%dma_wait3A_102, %dma_wait3A_103] : memref<10000x128xf32, #tpu.memory_space<vmem_shared>> -> memref<16x128xf32, #tpu.memory_space<vmem_shared>>
        tpu.wait_dma2 semaphore(%run_scoped3A : memref<!tpu.dma_semaphore, #tpu.memory_space<semaphore_mem>>) src(%dma_wait3A_104 : memref<16x128xf32, #tpu.memory_space<vmem_shared>>) dst(%dma_wait3A_101 : memref<16x128xf32, #tpu.memory_space<hbm>>)
        tpu.yield
      }) : () -> ()
    } else {
    }
    return
  }
}

#map = affine_map<(d0, d1) -> (0, 0)>
#map1 = affine_map<(d0, d1) -> (0, 0, 0)>
module attributes {stable_mosaic.version = 14 : i64} {
  func.func @_msg_body(%arg0: i32, %arg1: i32, %arg2: memref<20000x128xf32, #tpu.memory_space<hbm>>, %arg3: memref<64x40x125xi32, #tpu.memory_space<hbm>>, %arg4: memref<32x40x125xi32, #tpu.memory_space<hbm>>, %arg5: memref<624x128xf32, #tpu.memory_space<hbm>>, %arg6: memref<20000x128xf32, #tpu.memory_space<hbm>>, %arg7: memref<40x125xi32, #tpu.memory_space<vmem>>, %arg8: memref<40x125xi32, #tpu.memory_space<vmem>>, %arg9: memref<2x125x128xf32, #tpu.memory_space<vmem>>, %arg10: memref<10000x128xf32, #tpu.memory_space<vmem_shared>>, %arg11: memref<!tpu.dma_semaphore, #tpu.memory_space<semaphore_mem>>, %arg12: memref<!tpu.dma_semaphore, #tpu.memory_space<semaphore_mem>>) attributes {dimension_semantics = [#tpu.dimension_semantics<core_parallel>, #tpu.dimension_semantics<subcore_parallel>], iteration_bounds = array<i64: 2, 16>, scalar_prefetch = 0 : i64, scratch_operands = 6 : i64, tpu.core_type = #tpu.core_type<sc_vector_subcore>, window_params = [{transform_indices = #map}, {transform_indices = #map1}, {transform_indices = #map1}, {transform_indices = #map}, {transform_indices = #map}]} {
    %mul3A = arith.constant 16 : i32
    %mul3A_0 = arith.muli %arg0, %mul3A : i32
    %add3A = arith.addi %mul3A_0, %arg1 : i32
    %mul3A_1 = arith.constant 624 : i32
    %mul3A_2 = arith.muli %arg1, %mul3A_1 : i32
    "tpu.region"() ({
      %run_scoped3A = tpu.sem_alloc : memref<!tpu.dma_semaphore, #tpu.memory_space<semaphore_mem>>
      %dma_start3A_92 = arith.constant 0 : i32
      %dma_start3A_93 = tpu.memref_slice %arg10[%mul3A_2, %dma_start3A_92] : memref<10000x128xf32, #tpu.memory_space<vmem_shared>> -> memref<624x128xf32, #tpu.memory_space<vmem_shared>>
      tpu.enqueue_dma source(%arg5 : memref<624x128xf32, #tpu.memory_space<hbm>>) target(%dma_start3A_93 : memref<624x128xf32, #tpu.memory_space<vmem_shared>>) target_semaphore(%run_scoped3A : memref<!tpu.dma_semaphore, #tpu.memory_space<semaphore_mem>>)
      %dma_wait3A = arith.constant 0 : i32
      %dma_wait3A_94 = tpu.memref_slice %arg10[%mul3A_2, %dma_wait3A] : memref<10000x128xf32, #tpu.memory_space<vmem_shared>> -> memref<624x128xf32, #tpu.memory_space<vmem_shared>>
      tpu.wait_dma2 semaphore(%run_scoped3A : memref<!tpu.dma_semaphore, #tpu.memory_space<semaphore_mem>>) src(%arg5 : memref<624x128xf32, #tpu.memory_space<hbm>>) dst(%dma_wait3A_94 : memref<624x128xf32, #tpu.memory_space<vmem_shared>>)
      tpu.yield
    }) : () -> ()
    %eq3A = arith.constant 0 : i32
    %eq3A_3 = arith.cmpi eq, %arg1, %eq3A : i32
    %convert_element_type3A = arith.extui %eq3A_3 : i1 to i32
    %cond3A = arith.constant 0 : i32
    %cond3A_4 = arith.cmpi ne, %convert_element_type3A, %cond3A : i32
    scf.if %cond3A_4 {
      "tpu.region"() ({
        %run_scoped3A = tpu.sem_alloc : memref<!tpu.dma_semaphore, #tpu.memory_space<semaphore_mem>>
        %dma_start3A_92 = arith.constant 9984 : i32
        %dma_start3A_93 = arith.constant 0 : i32
        %dma_start3A_94 = tpu.memref_slice %arg10[%dma_start3A_92, %dma_start3A_93] : memref<10000x128xf32, #tpu.memory_space<vmem_shared>> -> memref<16x128xf32, #tpu.memory_space<vmem_shared>>
        %dma_start3A_95 = arith.constant 0 : i32
        %dma_start3A_96 = arith.constant 0 : i32
        %dma_start3A_97 = tpu.memref_slice %arg5[%dma_start3A_95, %dma_start3A_96] : memref<624x128xf32, #tpu.memory_space<hbm>> -> memref<16x128xf32, #tpu.memory_space<hbm>>
        tpu.enqueue_dma source(%dma_start3A_97 : memref<16x128xf32, #tpu.memory_space<hbm>>) target(%dma_start3A_94 : memref<16x128xf32, #tpu.memory_space<vmem_shared>>) target_semaphore(%run_scoped3A : memref<!tpu.dma_semaphore, #tpu.memory_space<semaphore_mem>>)
        %dma_wait3A = arith.constant 9984 : i32
        %dma_wait3A_98 = arith.constant 0 : i32
        %dma_wait3A_99 = tpu.memref_slice %arg10[%dma_wait3A, %dma_wait3A_98] : memref<10000x128xf32, #tpu.memory_space<vmem_shared>> -> memref<16x128xf32, #tpu.memory_space<vmem_shared>>
        %dma_wait3A_100 = arith.constant 0 : i32
        %dma_wait3A_101 = arith.constant 0 : i32
        %dma_wait3A_102 = tpu.memref_slice %arg5[%dma_wait3A_100, %dma_wait3A_101] : memref<624x128xf32, #tpu.memory_space<hbm>> -> memref<16x128xf32, #tpu.memory_space<hbm>>
        tpu.wait_dma2 semaphore(%run_scoped3A : memref<!tpu.dma_semaphore, #tpu.memory_space<semaphore_mem>>) src(%dma_wait3A_102 : memref<16x128xf32, #tpu.memory_space<hbm>>) dst(%dma_wait3A_99 : memref<16x128xf32, #tpu.memory_space<vmem_shared>>)
        tpu.yield
      }) : () -> ()
    } else {
    }
    %mul3A_5 = arith.constant 2 : i32
    %mul3A_6 = arith.muli %add3A, %mul3A_5 : i32
    %add3A_7 = arith.constant 0 : i32
    %add3A_8 = arith.addi %mul3A_6, %add3A_7 : i32
    "tpu.region"() ({
      %run_scoped3A = tpu.sem_alloc : memref<!tpu.dma_semaphore, #tpu.memory_space<semaphore_mem>>
      %dma_start3A_92 = arith.constant 0 : i32
      %dma_start3A_93 = arith.constant 0 : i32
      %dma_start3A_94 = tpu.memref_slice %arg3[%add3A_8, %dma_start3A_92, %dma_start3A_93] : memref<64x40x125xi32, #tpu.memory_space<hbm>> -> memref<1x40x125xi32, #tpu.memory_space<hbm>>
      %dma_start3A_95 = tpu.memref_squeeze %dma_start3A_94 : memref<1x40x125xi32, #tpu.memory_space<hbm>> -> memref<40x125xi32, #tpu.memory_space<hbm>>
      %dma_start3A_96 = arith.constant 0 : i32
      %dma_start3A_97 = arith.constant 0 : i32
      %dma_start3A_98 = tpu.memref_slice %arg3[%add3A_8, %dma_start3A_96, %dma_start3A_97] : memref<64x40x125xi32, #tpu.memory_space<hbm>> -> memref<1x40x125xi32, #tpu.memory_space<hbm>>
      %dma_start3A_99 = tpu.memref_squeeze %dma_start3A_98 : memref<1x40x125xi32, #tpu.memory_space<hbm>> -> memref<40x125xi32, #tpu.memory_space<hbm>>
      tpu.enqueue_dma source(%dma_start3A_99 : memref<40x125xi32, #tpu.memory_space<hbm>>) target(%arg7 : memref<40x125xi32, #tpu.memory_space<vmem>>) target_semaphore(%run_scoped3A : memref<!tpu.dma_semaphore, #tpu.memory_space<semaphore_mem>>)
      %dma_wait3A = arith.constant 0 : i32
      %dma_wait3A_100 = arith.constant 0 : i32
      %dma_wait3A_101 = tpu.memref_slice %arg3[%add3A_8, %dma_wait3A, %dma_wait3A_100] : memref<64x40x125xi32, #tpu.memory_space<hbm>> -> memref<1x40x125xi32, #tpu.memory_space<hbm>>
      %dma_wait3A_102 = tpu.memref_squeeze %dma_wait3A_101 : memref<1x40x125xi32, #tpu.memory_space<hbm>> -> memref<40x125xi32, #tpu.memory_space<hbm>>
      %dma_wait3A_103 = arith.constant 0 : i32
      %dma_wait3A_104 = arith.constant 0 : i32
      %dma_wait3A_105 = tpu.memref_slice %arg3[%add3A_8, %dma_wait3A_103, %dma_wait3A_104] : memref<64x40x125xi32, #tpu.memory_space<hbm>> -> memref<1x40x125xi32, #tpu.memory_space<hbm>>
      %dma_wait3A_106 = tpu.memref_squeeze %dma_wait3A_105 : memref<1x40x125xi32, #tpu.memory_space<hbm>> -> memref<40x125xi32, #tpu.memory_space<hbm>>
      tpu.wait_dma2 semaphore(%run_scoped3A : memref<!tpu.dma_semaphore, #tpu.memory_space<semaphore_mem>>) src(%dma_wait3A_106 : memref<40x125xi32, #tpu.memory_space<hbm>>) dst(%arg7 : memref<40x125xi32, #tpu.memory_space<vmem>>)
      tpu.yield
    }) : () -> ()
    %mul3A_9 = arith.constant 2 : i32
    %mul3A_10 = arith.muli %arg1, %mul3A_9 : i32
    %add3A_11 = arith.constant 0 : i32
    %add3A_12 = arith.addi %mul3A_10, %add3A_11 : i32
    "tpu.region"() ({
      %run_scoped3A = tpu.sem_alloc : memref<!tpu.dma_semaphore, #tpu.memory_space<semaphore_mem>>
      %dma_start3A_92 = arith.constant 0 : i32
      %dma_start3A_93 = arith.constant 0 : i32
      %dma_start3A_94 = tpu.memref_slice %arg4[%add3A_12, %dma_start3A_92, %dma_start3A_93] : memref<32x40x125xi32, #tpu.memory_space<hbm>> -> memref<1x40x125xi32, #tpu.memory_space<hbm>>
      %dma_start3A_95 = tpu.memref_squeeze %dma_start3A_94 : memref<1x40x125xi32, #tpu.memory_space<hbm>> -> memref<40x125xi32, #tpu.memory_space<hbm>>
      %dma_start3A_96 = arith.constant 0 : i32
      %dma_start3A_97 = arith.constant 0 : i32
      %dma_start3A_98 = tpu.memref_slice %arg4[%add3A_12, %dma_start3A_96, %dma_start3A_97] : memref<32x40x125xi32, #tpu.memory_space<hbm>> -> memref<1x40x125xi32, #tpu.memory_space<hbm>>
      %dma_start3A_99 = tpu.memref_squeeze %dma_start3A_98 : memref<1x40x125xi32, #tpu.memory_space<hbm>> -> memref<40x125xi32, #tpu.memory_space<hbm>>
      tpu.enqueue_dma source(%dma_start3A_99 : memref<40x125xi32, #tpu.memory_space<hbm>>) target(%arg8 : memref<40x125xi32, #tpu.memory_space<vmem>>) target_semaphore(%run_scoped3A : memref<!tpu.dma_semaphore, #tpu.memory_space<semaphore_mem>>)
      %dma_wait3A = arith.constant 0 : i32
      %dma_wait3A_100 = arith.constant 0 : i32
      %dma_wait3A_101 = tpu.memref_slice %arg4[%add3A_12, %dma_wait3A, %dma_wait3A_100] : memref<32x40x125xi32, #tpu.memory_space<hbm>> -> memref<1x40x125xi32, #tpu.memory_space<hbm>>
      %dma_wait3A_102 = tpu.memref_squeeze %dma_wait3A_101 : memref<1x40x125xi32, #tpu.memory_space<hbm>> -> memref<40x125xi32, #tpu.memory_space<hbm>>
      %dma_wait3A_103 = arith.constant 0 : i32
      %dma_wait3A_104 = arith.constant 0 : i32
      %dma_wait3A_105 = tpu.memref_slice %arg4[%add3A_12, %dma_wait3A_103, %dma_wait3A_104] : memref<32x40x125xi32, #tpu.memory_space<hbm>> -> memref<1x40x125xi32, #tpu.memory_space<hbm>>
      %dma_wait3A_106 = tpu.memref_squeeze %dma_wait3A_105 : memref<1x40x125xi32, #tpu.memory_space<hbm>> -> memref<40x125xi32, #tpu.memory_space<hbm>>
      tpu.wait_dma2 semaphore(%run_scoped3A : memref<!tpu.dma_semaphore, #tpu.memory_space<semaphore_mem>>) src(%dma_wait3A_106 : memref<40x125xi32, #tpu.memory_space<hbm>>) dst(%arg8 : memref<40x125xi32, #tpu.memory_space<vmem>>)
      tpu.yield
    }) : () -> ()
    %barrier3A = arith.constant 0 : index
    tpu.barrier barrier_id(%barrier3A)
    %dma_start3A = arith.constant 0 : i32
    %dma_start3A_13 = arith.constant 0 : i32
    %dma_start3A_14 = arith.constant 0 : i32
    %dma_start3A_15 = arith.constant 0 : i32
    %dma_start3A_16 = tpu.memref_slice %arg9[%dma_start3A_13, %dma_start3A_14, %dma_start3A_15] : memref<2x125x128xf32, #tpu.memory_space<vmem>> -> memref<1x125x128xf32, #tpu.memory_space<vmem>>
    %dma_start3A_17 = tpu.memref_squeeze %dma_start3A_16 : memref<1x125x128xf32, #tpu.memory_space<vmem>> -> memref<125x128xf32, #tpu.memory_space<vmem>>
    %dma_start3A_18 = arith.constant 0 : i32
    %dma_start3A_19 = tpu.memref_slice %arg7[%dma_start3A, %dma_start3A_18] : memref<40x125xi32, #tpu.memory_space<vmem>> -> memref<1x125xi32, #tpu.memory_space<vmem>>
    %dma_start3A_20 = tpu.memref_squeeze %dma_start3A_19 : memref<1x125xi32, #tpu.memory_space<vmem>> -> memref<125xi32, #tpu.memory_space<vmem>>
    %dma_start3A_21 = arith.constant 0 : i32
    %dma_start3A_22 = arith.constant 0 : i32
    %dma_start3A_23 = tpu.memref_slice %arg2[%dma_start3A_21, %dma_start3A_22] : memref<20000x128xf32, #tpu.memory_space<hbm>> -> memref<20000x128xf32, #tpu.memory_space<hbm>>
    tpu.enqueue_indirect_dma source(%dma_start3A_23 : memref<20000x128xf32, #tpu.memory_space<hbm>>) target(%dma_start3A_17 : memref<125x128xf32, #tpu.memory_space<vmem>>) offsets(%dma_start3A_20 : memref<125xi32, #tpu.memory_space<vmem>>) semaphore(%arg11 : memref<!tpu.dma_semaphore, #tpu.memory_space<semaphore_mem>>)
    %dma_start3A_24 = arith.constant 1 : i32
    %dma_start3A_25 = arith.constant 1 : i32
    %dma_start3A_26 = arith.constant 0 : i32
    %dma_start3A_27 = arith.constant 0 : i32
    %dma_start3A_28 = tpu.memref_slice %arg9[%dma_start3A_25, %dma_start3A_26, %dma_start3A_27] : memref<2x125x128xf32, #tpu.memory_space<vmem>> -> memref<1x125x128xf32, #tpu.memory_space<vmem>>
    %dma_start3A_29 = tpu.memref_squeeze %dma_start3A_28 : memref<1x125x128xf32, #tpu.memory_space<vmem>> -> memref<125x128xf32, #tpu.memory_space<vmem>>
    %dma_start3A_30 = arith.constant 0 : i32
    %dma_start3A_31 = tpu.memref_slice %arg7[%dma_start3A_24, %dma_start3A_30] : memref<40x125xi32, #tpu.memory_space<vmem>> -> memref<1x125xi32, #tpu.memory_space<vmem>>
    %dma_start3A_32 = tpu.memref_squeeze %dma_start3A_31 : memref<1x125xi32, #tpu.memory_space<vmem>> -> memref<125xi32, #tpu.memory_space<vmem>>
    %dma_start3A_33 = arith.constant 0 : i32
    %dma_start3A_34 = arith.constant 0 : i32
    %dma_start3A_35 = tpu.memref_slice %arg2[%dma_start3A_33, %dma_start3A_34] : memref<20000x128xf32, #tpu.memory_space<hbm>> -> memref<20000x128xf32, #tpu.memory_space<hbm>>
    tpu.enqueue_indirect_dma source(%dma_start3A_35 : memref<20000x128xf32, #tpu.memory_space<hbm>>) target(%dma_start3A_29 : memref<125x128xf32, #tpu.memory_space<vmem>>) offsets(%dma_start3A_32 : memref<125xi32, #tpu.memory_space<vmem>>) semaphore(%arg12 : memref<!tpu.dma_semaphore, #tpu.memory_space<semaphore_mem>>)
    %scan3A = arith.constant 0 : i32
    %scan3A_36 = arith.constant 0 : i32
    %scan3A_37 = arith.constant 20 : i32
    %scan3A_38 = arith.addi %scan3A_36, %scan3A_37 : i32
    %scan3A_39 = arith.constant 1 : i32
    scf.for %scan3A_92 = %scan3A_36 to %scan3A_38 step %scan3A_39  : i32 {
      %mul3A_93 = arith.constant 2 : i32
      %mul3A_94 = arith.muli %mul3A_93, %scan3A_92 : i32
      %add3A_95 = arith.constant 1 : i32
      %add3A_96 = arith.addi %mul3A_94, %add3A_95 : i32
      %dma_wait3A = arith.constant 0 : i32
      %dma_wait3A_97 = arith.constant 0 : i32
      %dma_wait3A_98 = arith.constant 0 : i32
      %dma_wait3A_99 = tpu.memref_slice %arg9[%dma_wait3A, %dma_wait3A_97, %dma_wait3A_98] : memref<2x125x128xf32, #tpu.memory_space<vmem>> -> memref<1x125x128xf32, #tpu.memory_space<vmem>>
      %dma_wait3A_100 = tpu.memref_squeeze %dma_wait3A_99 : memref<1x125x128xf32, #tpu.memory_space<vmem>> -> memref<125x128xf32, #tpu.memory_space<vmem>>
      %dma_wait3A_101 = arith.constant 0 : i32
      %dma_wait3A_102 = tpu.memref_slice %arg7[%mul3A_94, %dma_wait3A_101] : memref<40x125xi32, #tpu.memory_space<vmem>> -> memref<1x125xi32, #tpu.memory_space<vmem>>
      %dma_wait3A_103 = tpu.memref_squeeze %dma_wait3A_102 : memref<1x125xi32, #tpu.memory_space<vmem>> -> memref<125xi32, #tpu.memory_space<vmem>>
      %dma_wait3A_104 = arith.constant 0 : i32
      %dma_wait3A_105 = arith.constant 0 : i32
      %dma_wait3A_106 = tpu.memref_slice %arg2[%dma_wait3A_104, %dma_wait3A_105] : memref<20000x128xf32, #tpu.memory_space<hbm>> -> memref<20000x128xf32, #tpu.memory_space<hbm>>
      tpu.wait_indirect_dma semaphore(%arg11 : memref<!tpu.dma_semaphore, #tpu.memory_space<semaphore_mem>>) src(%dma_wait3A_106 : memref<20000x128xf32, #tpu.memory_space<hbm>>) dst(%dma_wait3A_100 : memref<125x128xf32, #tpu.memory_space<vmem>>)
      %run_scoped3A = arith.constant 0 : i32
      "tpu.region"() ({
        %run_scoped3A_132 = tpu.sem_alloc : memref<!tpu.dma_semaphore, #tpu.memory_space<semaphore_mem>>
        %dma_start3A_133 = arith.constant 0 : i32
        %dma_start3A_134 = arith.constant 0 : i32
        %dma_start3A_135 = tpu.memref_slice %arg9[%run_scoped3A, %dma_start3A_133, %dma_start3A_134] : memref<2x125x128xf32, #tpu.memory_space<vmem>> -> memref<1x125x128xf32, #tpu.memory_space<vmem>>
        %dma_start3A_136 = tpu.memref_squeeze %dma_start3A_135 : memref<1x125x128xf32, #tpu.memory_space<vmem>> -> memref<125x128xf32, #tpu.memory_space<vmem>>
        %dma_start3A_137 = arith.constant 0 : i32
        %dma_start3A_138 = tpu.memref_slice %arg8[%mul3A_94, %dma_start3A_137] : memref<40x125xi32, #tpu.memory_space<vmem>> -> memref<1x125xi32, #tpu.memory_space<vmem>>
        %dma_start3A_139 = tpu.memref_squeeze %dma_start3A_138 : memref<1x125xi32, #tpu.memory_space<vmem>> -> memref<125xi32, #tpu.memory_space<vmem>>
        %dma_start3A_140 = arith.constant 0 : i32
        %dma_start3A_141 = arith.constant 0 : i32
        %dma_start3A_142 = tpu.memref_slice %arg10[%dma_start3A_140, %dma_start3A_141] : memref<10000x128xf32, #tpu.memory_space<vmem_shared>> -> memref<10000x128xf32, #tpu.memory_space<vmem_shared>>
        tpu.enqueue_indirect_dma source(%dma_start3A_136 : memref<125x128xf32, #tpu.memory_space<vmem>>) target(%dma_start3A_142 : memref<10000x128xf32, #tpu.memory_space<vmem_shared>>) offsets(%dma_start3A_139 : memref<125xi32, #tpu.memory_space<vmem>>) semaphore(%run_scoped3A_132 : memref<!tpu.dma_semaphore, #tpu.memory_space<semaphore_mem>>) {add = true}
        %dma_wait3A_143 = arith.constant 0 : i32
        %dma_wait3A_144 = arith.constant 0 : i32
        %dma_wait3A_145 = tpu.memref_slice %arg9[%run_scoped3A, %dma_wait3A_143, %dma_wait3A_144] : memref<2x125x128xf32, #tpu.memory_space<vmem>> -> memref<1x125x128xf32, #tpu.memory_space<vmem>>
        %dma_wait3A_146 = tpu.memref_squeeze %dma_wait3A_145 : memref<1x125x128xf32, #tpu.memory_space<vmem>> -> memref<125x128xf32, #tpu.memory_space<vmem>>
        %dma_wait3A_147 = arith.constant 0 : i32
        %dma_wait3A_148 = tpu.memref_slice %arg8[%mul3A_94, %dma_wait3A_147] : memref<40x125xi32, #tpu.memory_space<vmem>> -> memref<1x125xi32, #tpu.memory_space<vmem>>
        %dma_wait3A_149 = tpu.memref_squeeze %dma_wait3A_148 : memref<1x125xi32, #tpu.memory_space<vmem>> -> memref<125xi32, #tpu.memory_space<vmem>>
        %dma_wait3A_150 = arith.constant 0 : i32
        %dma_wait3A_151 = arith.constant 0 : i32
        %dma_wait3A_152 = tpu.memref_slice %arg10[%dma_wait3A_150, %dma_wait3A_151] : memref<10000x128xf32, #tpu.memory_space<vmem_shared>> -> memref<10000x128xf32, #tpu.memory_space<vmem_shared>>
        tpu.wait_indirect_dma semaphore(%run_scoped3A_132 : memref<!tpu.dma_semaphore, #tpu.memory_space<semaphore_mem>>) src(%dma_wait3A_146 : memref<125x128xf32, #tpu.memory_space<vmem>>) dst(%dma_wait3A_152 : memref<10000x128xf32, #tpu.memory_space<vmem_shared>>)
        tpu.yield
      }) : () -> ()
      %add3A_107 = arith.constant 2 : i32
      %add3A_108 = arith.addi %mul3A_94, %add3A_107 : i32
      %lt3A = arith.constant 40 : i32
      %lt3A_109 = arith.cmpi slt, %add3A_108, %lt3A : i32
      %convert_element_type3A_110 = arith.extui %lt3A_109 : i1 to i32
      %cond3A_111 = arith.constant 0 : i32
      %cond3A_112 = arith.cmpi ne, %convert_element_type3A_110, %cond3A_111 : i32
      scf.if %cond3A_112 {
        %add3A_132 = arith.constant 2 : i32
        %add3A_133 = arith.addi %mul3A_94, %add3A_132 : i32
        %dma_start3A_134 = arith.constant 0 : i32
        %dma_start3A_135 = arith.constant 0 : i32
        %dma_start3A_136 = arith.constant 0 : i32
        %dma_start3A_137 = tpu.memref_slice %arg9[%dma_start3A_134, %dma_start3A_135, %dma_start3A_136] : memref<2x125x128xf32, #tpu.memory_space<vmem>> -> memref<1x125x128xf32, #tpu.memory_space<vmem>>
        %dma_start3A_138 = tpu.memref_squeeze %dma_start3A_137 : memref<1x125x128xf32, #tpu.memory_space<vmem>> -> memref<125x128xf32, #tpu.memory_space<vmem>>
        %dma_start3A_139 = arith.constant 0 : i32
        %dma_start3A_140 = tpu.memref_slice %arg7[%add3A_133, %dma_start3A_139] : memref<40x125xi32, #tpu.memory_space<vmem>> -> memref<1x125xi32, #tpu.memory_space<vmem>>
        %dma_start3A_141 = tpu.memref_squeeze %dma_start3A_140 : memref<1x125xi32, #tpu.memory_space<vmem>> -> memref<125xi32, #tpu.memory_space<vmem>>
        %dma_start3A_142 = arith.constant 0 : i32
        %dma_start3A_143 = arith.constant 0 : i32
        %dma_start3A_144 = tpu.memref_slice %arg2[%dma_start3A_142, %dma_start3A_143] : memref<20000x128xf32, #tpu.memory_space<hbm>> -> memref<20000x128xf32, #tpu.memory_space<hbm>>
        tpu.enqueue_indirect_dma source(%dma_start3A_144 : memref<20000x128xf32, #tpu.memory_space<hbm>>) target(%dma_start3A_138 : memref<125x128xf32, #tpu.memory_space<vmem>>) offsets(%dma_start3A_141 : memref<125xi32, #tpu.memory_space<vmem>>) semaphore(%arg11 : memref<!tpu.dma_semaphore, #tpu.memory_space<semaphore_mem>>)
      } else {
      }
      %dma_wait3A_113 = arith.constant 1 : i32
      %dma_wait3A_114 = arith.constant 0 : i32
      %dma_wait3A_115 = arith.constant 0 : i32
      %dma_wait3A_116 = tpu.memref_slice %arg9[%dma_wait3A_113, %dma_wait3A_114, %dma_wait3A_115] : memref<2x125x128xf32, #tpu.memory_space<vmem>> -> memref<1x125x128xf32, #tpu.memory_space<vmem>>
      %dma_wait3A_117 = tpu.memref_squeeze %dma_wait3A_116 : memref<1x125x128xf32, #tpu.memory_space<vmem>> -> memref<125x128xf32, #tpu.memory_space<vmem>>
      %dma_wait3A_118 = arith.constant 0 : i32
      %dma_wait3A_119 = tpu.memref_slice %arg7[%add3A_96, %dma_wait3A_118] : memref<40x125xi32, #tpu.memory_space<vmem>> -> memref<1x125xi32, #tpu.memory_space<vmem>>
      %dma_wait3A_120 = tpu.memref_squeeze %dma_wait3A_119 : memref<1x125xi32, #tpu.memory_space<vmem>> -> memref<125xi32, #tpu.memory_space<vmem>>
      %dma_wait3A_121 = arith.constant 0 : i32
      %dma_wait3A_122 = arith.constant 0 : i32
      %dma_wait3A_123 = tpu.memref_slice %arg2[%dma_wait3A_121, %dma_wait3A_122] : memref<20000x128xf32, #tpu.memory_space<hbm>> -> memref<20000x128xf32, #tpu.memory_space<hbm>>
      tpu.wait_indirect_dma semaphore(%arg12 : memref<!tpu.dma_semaphore, #tpu.memory_space<semaphore_mem>>) src(%dma_wait3A_123 : memref<20000x128xf32, #tpu.memory_space<hbm>>) dst(%dma_wait3A_117 : memref<125x128xf32, #tpu.memory_space<vmem>>)
      %run_scoped3A_124 = arith.constant 1 : i32
      "tpu.region"() ({
        %run_scoped3A_132 = tpu.sem_alloc : memref<!tpu.dma_semaphore, #tpu.memory_space<semaphore_mem>>
        %dma_start3A_133 = arith.constant 0 : i32
        %dma_start3A_134 = arith.constant 0 : i32
        %dma_start3A_135 = tpu.memref_slice %arg9[%run_scoped3A_124, %dma_start3A_133, %dma_start3A_134] : memref<2x125x128xf32, #tpu.memory_space<vmem>> -> memref<1x125x128xf32, #tpu.memory_space<vmem>>
        %dma_start3A_136 = tpu.memref_squeeze %dma_start3A_135 : memref<1x125x128xf32, #tpu.memory_space<vmem>> -> memref<125x128xf32, #tpu.memory_space<vmem>>
        %dma_start3A_137 = arith.constant 0 : i32
        %dma_start3A_138 = tpu.memref_slice %arg8[%add3A_96, %dma_start3A_137] : memref<40x125xi32, #tpu.memory_space<vmem>> -> memref<1x125xi32, #tpu.memory_space<vmem>>
        %dma_start3A_139 = tpu.memref_squeeze %dma_start3A_138 : memref<1x125xi32, #tpu.memory_space<vmem>> -> memref<125xi32, #tpu.memory_space<vmem>>
        %dma_start3A_140 = arith.constant 0 : i32
        %dma_start3A_141 = arith.constant 0 : i32
        %dma_start3A_142 = tpu.memref_slice %arg10[%dma_start3A_140, %dma_start3A_141] : memref<10000x128xf32, #tpu.memory_space<vmem_shared>> -> memref<10000x128xf32, #tpu.memory_space<vmem_shared>>
        tpu.enqueue_indirect_dma source(%dma_start3A_136 : memref<125x128xf32, #tpu.memory_space<vmem>>) target(%dma_start3A_142 : memref<10000x128xf32, #tpu.memory_space<vmem_shared>>) offsets(%dma_start3A_139 : memref<125xi32, #tpu.memory_space<vmem>>) semaphore(%run_scoped3A_132 : memref<!tpu.dma_semaphore, #tpu.memory_space<semaphore_mem>>) {add = true}
        %dma_wait3A_143 = arith.constant 0 : i32
        %dma_wait3A_144 = arith.constant 0 : i32
        %dma_wait3A_145 = tpu.memref_slice %arg9[%run_scoped3A_124, %dma_wait3A_143, %dma_wait3A_144] : memref<2x125x128xf32, #tpu.memory_space<vmem>> -> memref<1x125x128xf32, #tpu.memory_space<vmem>>
        %dma_wait3A_146 = tpu.memref_squeeze %dma_wait3A_145 : memref<1x125x128xf32, #tpu.memory_space<vmem>> -> memref<125x128xf32, #tpu.memory_space<vmem>>
        %dma_wait3A_147 = arith.constant 0 : i32
        %dma_wait3A_148 = tpu.memref_slice %arg8[%add3A_96, %dma_wait3A_147] : memref<40x125xi32, #tpu.memory_space<vmem>> -> memref<1x125xi32, #tpu.memory_space<vmem>>
        %dma_wait3A_149 = tpu.memref_squeeze %dma_wait3A_148 : memref<1x125xi32, #tpu.memory_space<vmem>> -> memref<125xi32, #tpu.memory_space<vmem>>
        %dma_wait3A_150 = arith.constant 0 : i32
        %dma_wait3A_151 = arith.constant 0 : i32
        %dma_wait3A_152 = tpu.memref_slice %arg10[%dma_wait3A_150, %dma_wait3A_151] : memref<10000x128xf32, #tpu.memory_space<vmem_shared>> -> memref<10000x128xf32, #tpu.memory_space<vmem_shared>>
        tpu.wait_indirect_dma semaphore(%run_scoped3A_132 : memref<!tpu.dma_semaphore, #tpu.memory_space<semaphore_mem>>) src(%dma_wait3A_146 : memref<125x128xf32, #tpu.memory_space<vmem>>) dst(%dma_wait3A_152 : memref<10000x128xf32, #tpu.memory_space<vmem_shared>>)
        tpu.yield
      }) : () -> ()
      %add3A_125 = arith.constant 2 : i32
      %add3A_126 = arith.addi %add3A_96, %add3A_125 : i32
      %lt3A_127 = arith.constant 40 : i32
      %lt3A_128 = arith.cmpi slt, %add3A_126, %lt3A_127 : i32
      %convert_element_type3A_129 = arith.extui %lt3A_128 : i1 to i32
      %cond3A_130 = arith.constant 0 : i32
      %cond3A_131 = arith.cmpi ne, %convert_element_type3A_129, %cond3A_130 : i32
      scf.if %cond3A_131 {
        %add3A_132 = arith.constant 2 : i32
        %add3A_133 = arith.addi %add3A_96, %add3A_132 : i32
        %dma_start3A_134 = arith.constant 1 : i32
        %dma_start3A_135 = arith.constant 0 : i32
        %dma_start3A_136 = arith.constant 0 : i32
        %dma_start3A_137 = tpu.memref_slice %arg9[%dma_start3A_134, %dma_start3A_135, %dma_start3A_136] : memref<2x125x128xf32, #tpu.memory_space<vmem>> -> memref<1x125x128xf32, #tpu.memory_space<vmem>>
        %dma_start3A_138 = tpu.memref_squeeze %dma_start3A_137 : memref<1x125x128xf32, #tpu.memory_space<vmem>> -> memref<125x128xf32, #tpu.memory_space<vmem>>
        %dma_start3A_139 = arith.constant 0 : i32
        %dma_start3A_140 = tpu.memref_slice %arg7[%add3A_133, %dma_start3A_139] : memref<40x125xi32, #tpu.memory_space<vmem>> -> memref<1x125xi32, #tpu.memory_space<vmem>>
        %dma_start3A_141 = tpu.memref_squeeze %dma_start3A_140 : memref<1x125xi32, #tpu.memory_space<vmem>> -> memref<125xi32, #tpu.memory_space<vmem>>
        %dma_start3A_142 = arith.constant 0 : i32
        %dma_start3A_143 = arith.constant 0 : i32
        %dma_start3A_144 = tpu.memref_slice %arg2[%dma_start3A_142, %dma_start3A_143] : memref<20000x128xf32, #tpu.memory_space<hbm>> -> memref<20000x128xf32, #tpu.memory_space<hbm>>
        tpu.enqueue_indirect_dma source(%dma_start3A_144 : memref<20000x128xf32, #tpu.memory_space<hbm>>) target(%dma_start3A_138 : memref<125x128xf32, #tpu.memory_space<vmem>>) offsets(%dma_start3A_141 : memref<125xi32, #tpu.memory_space<vmem>>) semaphore(%arg12 : memref<!tpu.dma_semaphore, #tpu.memory_space<semaphore_mem>>)
      } else {
      }
    }
    %scan3A_40 = arith.constant 20 : i32
    %mul3A_41 = arith.constant 2 : i32
    %mul3A_42 = arith.muli %add3A, %mul3A_41 : i32
    %add3A_43 = arith.constant 1 : i32
    %add3A_44 = arith.addi %mul3A_42, %add3A_43 : i32
    "tpu.region"() ({
      %run_scoped3A = tpu.sem_alloc : memref<!tpu.dma_semaphore, #tpu.memory_space<semaphore_mem>>
      %dma_start3A_92 = arith.constant 0 : i32
      %dma_start3A_93 = arith.constant 0 : i32
      %dma_start3A_94 = tpu.memref_slice %arg3[%add3A_44, %dma_start3A_92, %dma_start3A_93] : memref<64x40x125xi32, #tpu.memory_space<hbm>> -> memref<1x40x125xi32, #tpu.memory_space<hbm>>
      %dma_start3A_95 = tpu.memref_squeeze %dma_start3A_94 : memref<1x40x125xi32, #tpu.memory_space<hbm>> -> memref<40x125xi32, #tpu.memory_space<hbm>>
      %dma_start3A_96 = arith.constant 0 : i32
      %dma_start3A_97 = arith.constant 0 : i32
      %dma_start3A_98 = tpu.memref_slice %arg3[%add3A_44, %dma_start3A_96, %dma_start3A_97] : memref<64x40x125xi32, #tpu.memory_space<hbm>> -> memref<1x40x125xi32, #tpu.memory_space<hbm>>
      %dma_start3A_99 = tpu.memref_squeeze %dma_start3A_98 : memref<1x40x125xi32, #tpu.memory_space<hbm>> -> memref<40x125xi32, #tpu.memory_space<hbm>>
      tpu.enqueue_dma source(%dma_start3A_99 : memref<40x125xi32, #tpu.memory_space<hbm>>) target(%arg7 : memref<40x125xi32, #tpu.memory_space<vmem>>) target_semaphore(%run_scoped3A : memref<!tpu.dma_semaphore, #tpu.memory_space<semaphore_mem>>)
      %dma_wait3A = arith.constant 0 : i32
      %dma_wait3A_100 = arith.constant 0 : i32
      %dma_wait3A_101 = tpu.memref_slice %arg3[%add3A_44, %dma_wait3A, %dma_wait3A_100] : memref<64x40x125xi32, #tpu.memory_space<hbm>> -> memref<1x40x125xi32, #tpu.memory_space<hbm>>
      %dma_wait3A_102 = tpu.memref_squeeze %dma_wait3A_101 : memref<1x40x125xi32, #tpu.memory_space<hbm>> -> memref<40x125xi32, #tpu.memory_space<hbm>>
      %dma_wait3A_103 = arith.constant 0 : i32
      %dma_wait3A_104 = arith.constant 0 : i32
      %dma_wait3A_105 = tpu.memref_slice %arg3[%add3A_44, %dma_wait3A_103, %dma_wait3A_104] : memref<64x40x125xi32, #tpu.memory_space<hbm>> -> memref<1x40x125xi32, #tpu.memory_space<hbm>>
      %dma_wait3A_106 = tpu.memref_squeeze %dma_wait3A_105 : memref<1x40x125xi32, #tpu.memory_space<hbm>> -> memref<40x125xi32, #tpu.memory_space<hbm>>
      tpu.wait_dma2 semaphore(%run_scoped3A : memref<!tpu.dma_semaphore, #tpu.memory_space<semaphore_mem>>) src(%dma_wait3A_106 : memref<40x125xi32, #tpu.memory_space<hbm>>) dst(%arg7 : memref<40x125xi32, #tpu.memory_space<vmem>>)
      tpu.yield
    }) : () -> ()
    %mul3A_45 = arith.constant 2 : i32
    %mul3A_46 = arith.muli %arg1, %mul3A_45 : i32
    %add3A_47 = arith.constant 1 : i32
    %add3A_48 = arith.addi %mul3A_46, %add3A_47 : i32
    "tpu.region"() ({
      %run_scoped3A = tpu.sem_alloc : memref<!tpu.dma_semaphore, #tpu.memory_space<semaphore_mem>>
      %dma_start3A_92 = arith.constant 0 : i32
      %dma_start3A_93 = arith.constant 0 : i32
      %dma_start3A_94 = tpu.memref_slice %arg4[%add3A_48, %dma_start3A_92, %dma_start3A_93] : memref<32x40x125xi32, #tpu.memory_space<hbm>> -> memref<1x40x125xi32, #tpu.memory_space<hbm>>
      %dma_start3A_95 = tpu.memref_squeeze %dma_start3A_94 : memref<1x40x125xi32, #tpu.memory_space<hbm>> -> memref<40x125xi32, #tpu.memory_space<hbm>>
      %dma_start3A_96 = arith.constant 0 : i32
      %dma_start3A_97 = arith.constant 0 : i32
      %dma_start3A_98 = tpu.memref_slice %arg4[%add3A_48, %dma_start3A_96, %dma_start3A_97] : memref<32x40x125xi32, #tpu.memory_space<hbm>> -> memref<1x40x125xi32, #tpu.memory_space<hbm>>
      %dma_start3A_99 = tpu.memref_squeeze %dma_start3A_98 : memref<1x40x125xi32, #tpu.memory_space<hbm>> -> memref<40x125xi32, #tpu.memory_space<hbm>>
      tpu.enqueue_dma source(%dma_start3A_99 : memref<40x125xi32, #tpu.memory_space<hbm>>) target(%arg8 : memref<40x125xi32, #tpu.memory_space<vmem>>) target_semaphore(%run_scoped3A : memref<!tpu.dma_semaphore, #tpu.memory_space<semaphore_mem>>)
      %dma_wait3A = arith.constant 0 : i32
      %dma_wait3A_100 = arith.constant 0 : i32
      %dma_wait3A_101 = tpu.memref_slice %arg4[%add3A_48, %dma_wait3A, %dma_wait3A_100] : memref<32x40x125xi32, #tpu.memory_space<hbm>> -> memref<1x40x125xi32, #tpu.memory_space<hbm>>
      %dma_wait3A_102 = tpu.memref_squeeze %dma_wait3A_101 : memref<1x40x125xi32, #tpu.memory_space<hbm>> -> memref<40x125xi32, #tpu.memory_space<hbm>>
      %dma_wait3A_103 = arith.constant 0 : i32
      %dma_wait3A_104 = arith.constant 0 : i32
      %dma_wait3A_105 = tpu.memref_slice %arg4[%add3A_48, %dma_wait3A_103, %dma_wait3A_104] : memref<32x40x125xi32, #tpu.memory_space<hbm>> -> memref<1x40x125xi32, #tpu.memory_space<hbm>>
      %dma_wait3A_106 = tpu.memref_squeeze %dma_wait3A_105 : memref<1x40x125xi32, #tpu.memory_space<hbm>> -> memref<40x125xi32, #tpu.memory_space<hbm>>
      tpu.wait_dma2 semaphore(%run_scoped3A : memref<!tpu.dma_semaphore, #tpu.memory_space<semaphore_mem>>) src(%dma_wait3A_106 : memref<40x125xi32, #tpu.memory_space<hbm>>) dst(%arg8 : memref<40x125xi32, #tpu.memory_space<vmem>>)
      tpu.yield
    }) : () -> ()
    %dma_start3A_49 = arith.constant 0 : i32
    %dma_start3A_50 = arith.constant 0 : i32
    %dma_start3A_51 = arith.constant 0 : i32
    %dma_start3A_52 = arith.constant 0 : i32
    %dma_start3A_53 = tpu.memref_slice %arg9[%dma_start3A_50, %dma_start3A_51, %dma_start3A_52] : memref<2x125x128xf32, #tpu.memory_space<vmem>> -> memref<1x125x128xf32, #tpu.memory_space<vmem>>
    %dma_start3A_54 = tpu.memref_squeeze %dma_start3A_53 : memref<1x125x128xf32, #tpu.memory_space<vmem>> -> memref<125x128xf32, #tpu.memory_space<vmem>>
    %dma_start3A_55 = arith.constant 0 : i32
    %dma_start3A_56 = tpu.memref_slice %arg7[%dma_start3A_49, %dma_start3A_55] : memref<40x125xi32, #tpu.memory_space<vmem>> -> memref<1x125xi32, #tpu.memory_space<vmem>>
    %dma_start3A_57 = tpu.memref_squeeze %dma_start3A_56 : memref<1x125xi32, #tpu.memory_space<vmem>> -> memref<125xi32, #tpu.memory_space<vmem>>
    %dma_start3A_58 = arith.constant 0 : i32
    %dma_start3A_59 = arith.constant 0 : i32
    %dma_start3A_60 = tpu.memref_slice %arg2[%dma_start3A_58, %dma_start3A_59] : memref<20000x128xf32, #tpu.memory_space<hbm>> -> memref<20000x128xf32, #tpu.memory_space<hbm>>
    tpu.enqueue_indirect_dma source(%dma_start3A_60 : memref<20000x128xf32, #tpu.memory_space<hbm>>) target(%dma_start3A_54 : memref<125x128xf32, #tpu.memory_space<vmem>>) offsets(%dma_start3A_57 : memref<125xi32, #tpu.memory_space<vmem>>) semaphore(%arg11 : memref<!tpu.dma_semaphore, #tpu.memory_space<semaphore_mem>>)
    %dma_start3A_61 = arith.constant 1 : i32
    %dma_start3A_62 = arith.constant 1 : i32
    %dma_start3A_63 = arith.constant 0 : i32
    %dma_start3A_64 = arith.constant 0 : i32
    %dma_start3A_65 = tpu.memref_slice %arg9[%dma_start3A_62, %dma_start3A_63, %dma_start3A_64] : memref<2x125x128xf32, #tpu.memory_space<vmem>> -> memref<1x125x128xf32, #tpu.memory_space<vmem>>
    %dma_start3A_66 = tpu.memref_squeeze %dma_start3A_65 : memref<1x125x128xf32, #tpu.memory_space<vmem>> -> memref<125x128xf32, #tpu.memory_space<vmem>>
    %dma_start3A_67 = arith.constant 0 : i32
    %dma_start3A_68 = tpu.memref_slice %arg7[%dma_start3A_61, %dma_start3A_67] : memref<40x125xi32, #tpu.memory_space<vmem>> -> memref<1x125xi32, #tpu.memory_space<vmem>>
    %dma_start3A_69 = tpu.memref_squeeze %dma_start3A_68 : memref<1x125xi32, #tpu.memory_space<vmem>> -> memref<125xi32, #tpu.memory_space<vmem>>
    %dma_start3A_70 = arith.constant 0 : i32
    %dma_start3A_71 = arith.constant 0 : i32
    %dma_start3A_72 = tpu.memref_slice %arg2[%dma_start3A_70, %dma_start3A_71] : memref<20000x128xf32, #tpu.memory_space<hbm>> -> memref<20000x128xf32, #tpu.memory_space<hbm>>
    tpu.enqueue_indirect_dma source(%dma_start3A_72 : memref<20000x128xf32, #tpu.memory_space<hbm>>) target(%dma_start3A_66 : memref<125x128xf32, #tpu.memory_space<vmem>>) offsets(%dma_start3A_69 : memref<125xi32, #tpu.memory_space<vmem>>) semaphore(%arg12 : memref<!tpu.dma_semaphore, #tpu.memory_space<semaphore_mem>>)
    %scan3A_73 = arith.constant 0 : i32
    %scan3A_74 = arith.constant 0 : i32
    %scan3A_75 = arith.constant 20 : i32
    %scan3A_76 = arith.addi %scan3A_74, %scan3A_75 : i32
    %scan3A_77 = arith.constant 1 : i32
    scf.for %scan3A_92 = %scan3A_74 to %scan3A_76 step %scan3A_77  : i32 {
      %mul3A_93 = arith.constant 2 : i32
      %mul3A_94 = arith.muli %mul3A_93, %scan3A_92 : i32
      %add3A_95 = arith.constant 1 : i32
      %add3A_96 = arith.addi %mul3A_94, %add3A_95 : i32
      %dma_wait3A = arith.constant 0 : i32
      %dma_wait3A_97 = arith.constant 0 : i32
      %dma_wait3A_98 = arith.constant 0 : i32
      %dma_wait3A_99 = tpu.memref_slice %arg9[%dma_wait3A, %dma_wait3A_97, %dma_wait3A_98] : memref<2x125x128xf32, #tpu.memory_space<vmem>> -> memref<1x125x128xf32, #tpu.memory_space<vmem>>
      %dma_wait3A_100 = tpu.memref_squeeze %dma_wait3A_99 : memref<1x125x128xf32, #tpu.memory_space<vmem>> -> memref<125x128xf32, #tpu.memory_space<vmem>>
      %dma_wait3A_101 = arith.constant 0 : i32
      %dma_wait3A_102 = tpu.memref_slice %arg7[%mul3A_94, %dma_wait3A_101] : memref<40x125xi32, #tpu.memory_space<vmem>> -> memref<1x125xi32, #tpu.memory_space<vmem>>
      %dma_wait3A_103 = tpu.memref_squeeze %dma_wait3A_102 : memref<1x125xi32, #tpu.memory_space<vmem>> -> memref<125xi32, #tpu.memory_space<vmem>>
      %dma_wait3A_104 = arith.constant 0 : i32
      %dma_wait3A_105 = arith.constant 0 : i32
      %dma_wait3A_106 = tpu.memref_slice %arg2[%dma_wait3A_104, %dma_wait3A_105] : memref<20000x128xf32, #tpu.memory_space<hbm>> -> memref<20000x128xf32, #tpu.memory_space<hbm>>
      tpu.wait_indirect_dma semaphore(%arg11 : memref<!tpu.dma_semaphore, #tpu.memory_space<semaphore_mem>>) src(%dma_wait3A_106 : memref<20000x128xf32, #tpu.memory_space<hbm>>) dst(%dma_wait3A_100 : memref<125x128xf32, #tpu.memory_space<vmem>>)
      %run_scoped3A = arith.constant 0 : i32
      "tpu.region"() ({
        %run_scoped3A_132 = tpu.sem_alloc : memref<!tpu.dma_semaphore, #tpu.memory_space<semaphore_mem>>
        %dma_start3A_133 = arith.constant 0 : i32
        %dma_start3A_134 = arith.constant 0 : i32
        %dma_start3A_135 = tpu.memref_slice %arg9[%run_scoped3A, %dma_start3A_133, %dma_start3A_134] : memref<2x125x128xf32, #tpu.memory_space<vmem>> -> memref<1x125x128xf32, #tpu.memory_space<vmem>>
        %dma_start3A_136 = tpu.memref_squeeze %dma_start3A_135 : memref<1x125x128xf32, #tpu.memory_space<vmem>> -> memref<125x128xf32, #tpu.memory_space<vmem>>
        %dma_start3A_137 = arith.constant 0 : i32
        %dma_start3A_138 = tpu.memref_slice %arg8[%mul3A_94, %dma_start3A_137] : memref<40x125xi32, #tpu.memory_space<vmem>> -> memref<1x125xi32, #tpu.memory_space<vmem>>
        %dma_start3A_139 = tpu.memref_squeeze %dma_start3A_138 : memref<1x125xi32, #tpu.memory_space<vmem>> -> memref<125xi32, #tpu.memory_space<vmem>>
        %dma_start3A_140 = arith.constant 0 : i32
        %dma_start3A_141 = arith.constant 0 : i32
        %dma_start3A_142 = tpu.memref_slice %arg10[%dma_start3A_140, %dma_start3A_141] : memref<10000x128xf32, #tpu.memory_space<vmem_shared>> -> memref<10000x128xf32, #tpu.memory_space<vmem_shared>>
        tpu.enqueue_indirect_dma source(%dma_start3A_136 : memref<125x128xf32, #tpu.memory_space<vmem>>) target(%dma_start3A_142 : memref<10000x128xf32, #tpu.memory_space<vmem_shared>>) offsets(%dma_start3A_139 : memref<125xi32, #tpu.memory_space<vmem>>) semaphore(%run_scoped3A_132 : memref<!tpu.dma_semaphore, #tpu.memory_space<semaphore_mem>>) {add = true}
        %dma_wait3A_143 = arith.constant 0 : i32
        %dma_wait3A_144 = arith.constant 0 : i32
        %dma_wait3A_145 = tpu.memref_slice %arg9[%run_scoped3A, %dma_wait3A_143, %dma_wait3A_144] : memref<2x125x128xf32, #tpu.memory_space<vmem>> -> memref<1x125x128xf32, #tpu.memory_space<vmem>>
        %dma_wait3A_146 = tpu.memref_squeeze %dma_wait3A_145 : memref<1x125x128xf32, #tpu.memory_space<vmem>> -> memref<125x128xf32, #tpu.memory_space<vmem>>
        %dma_wait3A_147 = arith.constant 0 : i32
        %dma_wait3A_148 = tpu.memref_slice %arg8[%mul3A_94, %dma_wait3A_147] : memref<40x125xi32, #tpu.memory_space<vmem>> -> memref<1x125xi32, #tpu.memory_space<vmem>>
        %dma_wait3A_149 = tpu.memref_squeeze %dma_wait3A_148 : memref<1x125xi32, #tpu.memory_space<vmem>> -> memref<125xi32, #tpu.memory_space<vmem>>
        %dma_wait3A_150 = arith.constant 0 : i32
        %dma_wait3A_151 = arith.constant 0 : i32
        %dma_wait3A_152 = tpu.memref_slice %arg10[%dma_wait3A_150, %dma_wait3A_151] : memref<10000x128xf32, #tpu.memory_space<vmem_shared>> -> memref<10000x128xf32, #tpu.memory_space<vmem_shared>>
        tpu.wait_indirect_dma semaphore(%run_scoped3A_132 : memref<!tpu.dma_semaphore, #tpu.memory_space<semaphore_mem>>) src(%dma_wait3A_146 : memref<125x128xf32, #tpu.memory_space<vmem>>) dst(%dma_wait3A_152 : memref<10000x128xf32, #tpu.memory_space<vmem_shared>>)
        tpu.yield
      }) : () -> ()
      %add3A_107 = arith.constant 2 : i32
      %add3A_108 = arith.addi %mul3A_94, %add3A_107 : i32
      %lt3A = arith.constant 40 : i32
      %lt3A_109 = arith.cmpi slt, %add3A_108, %lt3A : i32
      %convert_element_type3A_110 = arith.extui %lt3A_109 : i1 to i32
      %cond3A_111 = arith.constant 0 : i32
      %cond3A_112 = arith.cmpi ne, %convert_element_type3A_110, %cond3A_111 : i32
      scf.if %cond3A_112 {
        %add3A_132 = arith.constant 2 : i32
        %add3A_133 = arith.addi %mul3A_94, %add3A_132 : i32
        %dma_start3A_134 = arith.constant 0 : i32
        %dma_start3A_135 = arith.constant 0 : i32
        %dma_start3A_136 = arith.constant 0 : i32
        %dma_start3A_137 = tpu.memref_slice %arg9[%dma_start3A_134, %dma_start3A_135, %dma_start3A_136] : memref<2x125x128xf32, #tpu.memory_space<vmem>> -> memref<1x125x128xf32, #tpu.memory_space<vmem>>
        %dma_start3A_138 = tpu.memref_squeeze %dma_start3A_137 : memref<1x125x128xf32, #tpu.memory_space<vmem>> -> memref<125x128xf32, #tpu.memory_space<vmem>>
        %dma_start3A_139 = arith.constant 0 : i32
        %dma_start3A_140 = tpu.memref_slice %arg7[%add3A_133, %dma_start3A_139] : memref<40x125xi32, #tpu.memory_space<vmem>> -> memref<1x125xi32, #tpu.memory_space<vmem>>
        %dma_start3A_141 = tpu.memref_squeeze %dma_start3A_140 : memref<1x125xi32, #tpu.memory_space<vmem>> -> memref<125xi32, #tpu.memory_space<vmem>>
        %dma_start3A_142 = arith.constant 0 : i32
        %dma_start3A_143 = arith.constant 0 : i32
        %dma_start3A_144 = tpu.memref_slice %arg2[%dma_start3A_142, %dma_start3A_143] : memref<20000x128xf32, #tpu.memory_space<hbm>> -> memref<20000x128xf32, #tpu.memory_space<hbm>>
        tpu.enqueue_indirect_dma source(%dma_start3A_144 : memref<20000x128xf32, #tpu.memory_space<hbm>>) target(%dma_start3A_138 : memref<125x128xf32, #tpu.memory_space<vmem>>) offsets(%dma_start3A_141 : memref<125xi32, #tpu.memory_space<vmem>>) semaphore(%arg11 : memref<!tpu.dma_semaphore, #tpu.memory_space<semaphore_mem>>)
      } else {
      }
      %dma_wait3A_113 = arith.constant 1 : i32
      %dma_wait3A_114 = arith.constant 0 : i32
      %dma_wait3A_115 = arith.constant 0 : i32
      %dma_wait3A_116 = tpu.memref_slice %arg9[%dma_wait3A_113, %dma_wait3A_114, %dma_wait3A_115] : memref<2x125x128xf32, #tpu.memory_space<vmem>> -> memref<1x125x128xf32, #tpu.memory_space<vmem>>
      %dma_wait3A_117 = tpu.memref_squeeze %dma_wait3A_116 : memref<1x125x128xf32, #tpu.memory_space<vmem>> -> memref<125x128xf32, #tpu.memory_space<vmem>>
      %dma_wait3A_118 = arith.constant 0 : i32
      %dma_wait3A_119 = tpu.memref_slice %arg7[%add3A_96, %dma_wait3A_118] : memref<40x125xi32, #tpu.memory_space<vmem>> -> memref<1x125xi32, #tpu.memory_space<vmem>>
      %dma_wait3A_120 = tpu.memref_squeeze %dma_wait3A_119 : memref<1x125xi32, #tpu.memory_space<vmem>> -> memref<125xi32, #tpu.memory_space<vmem>>
      %dma_wait3A_121 = arith.constant 0 : i32
      %dma_wait3A_122 = arith.constant 0 : i32
      %dma_wait3A_123 = tpu.memref_slice %arg2[%dma_wait3A_121, %dma_wait3A_122] : memref<20000x128xf32, #tpu.memory_space<hbm>> -> memref<20000x128xf32, #tpu.memory_space<hbm>>
      tpu.wait_indirect_dma semaphore(%arg12 : memref<!tpu.dma_semaphore, #tpu.memory_space<semaphore_mem>>) src(%dma_wait3A_123 : memref<20000x128xf32, #tpu.memory_space<hbm>>) dst(%dma_wait3A_117 : memref<125x128xf32, #tpu.memory_space<vmem>>)
      %run_scoped3A_124 = arith.constant 1 : i32
      "tpu.region"() ({
        %run_scoped3A_132 = tpu.sem_alloc : memref<!tpu.dma_semaphore, #tpu.memory_space<semaphore_mem>>
        %dma_start3A_133 = arith.constant 0 : i32
        %dma_start3A_134 = arith.constant 0 : i32
        %dma_start3A_135 = tpu.memref_slice %arg9[%run_scoped3A_124, %dma_start3A_133, %dma_start3A_134] : memref<2x125x128xf32, #tpu.memory_space<vmem>> -> memref<1x125x128xf32, #tpu.memory_space<vmem>>
        %dma_start3A_136 = tpu.memref_squeeze %dma_start3A_135 : memref<1x125x128xf32, #tpu.memory_space<vmem>> -> memref<125x128xf32, #tpu.memory_space<vmem>>
        %dma_start3A_137 = arith.constant 0 : i32
        %dma_start3A_138 = tpu.memref_slice %arg8[%add3A_96, %dma_start3A_137] : memref<40x125xi32, #tpu.memory_space<vmem>> -> memref<1x125xi32, #tpu.memory_space<vmem>>
        %dma_start3A_139 = tpu.memref_squeeze %dma_start3A_138 : memref<1x125xi32, #tpu.memory_space<vmem>> -> memref<125xi32, #tpu.memory_space<vmem>>
        %dma_start3A_140 = arith.constant 0 : i32
        %dma_start3A_141 = arith.constant 0 : i32
        %dma_start3A_142 = tpu.memref_slice %arg10[%dma_start3A_140, %dma_start3A_141] : memref<10000x128xf32, #tpu.memory_space<vmem_shared>> -> memref<10000x128xf32, #tpu.memory_space<vmem_shared>>
        tpu.enqueue_indirect_dma source(%dma_start3A_136 : memref<125x128xf32, #tpu.memory_space<vmem>>) target(%dma_start3A_142 : memref<10000x128xf32, #tpu.memory_space<vmem_shared>>) offsets(%dma_start3A_139 : memref<125xi32, #tpu.memory_space<vmem>>) semaphore(%run_scoped3A_132 : memref<!tpu.dma_semaphore, #tpu.memory_space<semaphore_mem>>) {add = true}
        %dma_wait3A_143 = arith.constant 0 : i32
        %dma_wait3A_144 = arith.constant 0 : i32
        %dma_wait3A_145 = tpu.memref_slice %arg9[%run_scoped3A_124, %dma_wait3A_143, %dma_wait3A_144] : memref<2x125x128xf32, #tpu.memory_space<vmem>> -> memref<1x125x128xf32, #tpu.memory_space<vmem>>
        %dma_wait3A_146 = tpu.memref_squeeze %dma_wait3A_145 : memref<1x125x128xf32, #tpu.memory_space<vmem>> -> memref<125x128xf32, #tpu.memory_space<vmem>>
        %dma_wait3A_147 = arith.constant 0 : i32
        %dma_wait3A_148 = tpu.memref_slice %arg8[%add3A_96, %dma_wait3A_147] : memref<40x125xi32, #tpu.memory_space<vmem>> -> memref<1x125xi32, #tpu.memory_space<vmem>>
        %dma_wait3A_149 = tpu.memref_squeeze %dma_wait3A_148 : memref<1x125xi32, #tpu.memory_space<vmem>> -> memref<125xi32, #tpu.memory_space<vmem>>
        %dma_wait3A_150 = arith.constant 0 : i32
        %dma_wait3A_151 = arith.constant 0 : i32
        %dma_wait3A_152 = tpu.memref_slice %arg10[%dma_wait3A_150, %dma_wait3A_151] : memref<10000x128xf32, #tpu.memory_space<vmem_shared>> -> memref<10000x128xf32, #tpu.memory_space<vmem_shared>>
        tpu.wait_indirect_dma semaphore(%run_scoped3A_132 : memref<!tpu.dma_semaphore, #tpu.memory_space<semaphore_mem>>) src(%dma_wait3A_146 : memref<125x128xf32, #tpu.memory_space<vmem>>) dst(%dma_wait3A_152 : memref<10000x128xf32, #tpu.memory_space<vmem_shared>>)
        tpu.yield
      }) : () -> ()
      %add3A_125 = arith.constant 2 : i32
      %add3A_126 = arith.addi %add3A_96, %add3A_125 : i32
      %lt3A_127 = arith.constant 40 : i32
      %lt3A_128 = arith.cmpi slt, %add3A_126, %lt3A_127 : i32
      %convert_element_type3A_129 = arith.extui %lt3A_128 : i1 to i32
      %cond3A_130 = arith.constant 0 : i32
      %cond3A_131 = arith.cmpi ne, %convert_element_type3A_129, %cond3A_130 : i32
      scf.if %cond3A_131 {
        %add3A_132 = arith.constant 2 : i32
        %add3A_133 = arith.addi %add3A_96, %add3A_132 : i32
        %dma_start3A_134 = arith.constant 1 : i32
        %dma_start3A_135 = arith.constant 0 : i32
        %dma_start3A_136 = arith.constant 0 : i32
        %dma_start3A_137 = tpu.memref_slice %arg9[%dma_start3A_134, %dma_start3A_135, %dma_start3A_136] : memref<2x125x128xf32, #tpu.memory_space<vmem>> -> memref<1x125x128xf32, #tpu.memory_space<vmem>>
        %dma_start3A_138 = tpu.memref_squeeze %dma_start3A_137 : memref<1x125x128xf32, #tpu.memory_space<vmem>> -> memref<125x128xf32, #tpu.memory_space<vmem>>
        %dma_start3A_139 = arith.constant 0 : i32
        %dma_start3A_140 = tpu.memref_slice %arg7[%add3A_133, %dma_start3A_139] : memref<40x125xi32, #tpu.memory_space<vmem>> -> memref<1x125xi32, #tpu.memory_space<vmem>>
        %dma_start3A_141 = tpu.memref_squeeze %dma_start3A_140 : memref<1x125xi32, #tpu.memory_space<vmem>> -> memref<125xi32, #tpu.memory_space<vmem>>
        %dma_start3A_142 = arith.constant 0 : i32
        %dma_start3A_143 = arith.constant 0 : i32
        %dma_start3A_144 = tpu.memref_slice %arg2[%dma_start3A_142, %dma_start3A_143] : memref<20000x128xf32, #tpu.memory_space<hbm>> -> memref<20000x128xf32, #tpu.memory_space<hbm>>
        tpu.enqueue_indirect_dma source(%dma_start3A_144 : memref<20000x128xf32, #tpu.memory_space<hbm>>) target(%dma_start3A_138 : memref<125x128xf32, #tpu.memory_space<vmem>>) offsets(%dma_start3A_141 : memref<125xi32, #tpu.memory_space<vmem>>) semaphore(%arg12 : memref<!tpu.dma_semaphore, #tpu.memory_space<semaphore_mem>>)
      } else {
      }
    }
    %scan3A_78 = arith.constant 20 : i32
    %barrier3A_79 = arith.constant 0 : index
    tpu.barrier barrier_id(%barrier3A_79)
    %mul3A_80 = arith.constant 624 : i32
    %mul3A_81 = arith.muli %arg1, %mul3A_80 : i32
    %mul3A_82 = arith.constant 10000 : i32
    %mul3A_83 = arith.muli %arg0, %mul3A_82 : i32
    %mul3A_84 = arith.constant 624 : i32
    %mul3A_85 = arith.muli %arg1, %mul3A_84 : i32
    %add3A_86 = arith.addi %mul3A_83, %mul3A_85 : i32
    "tpu.region"() ({
      %run_scoped3A = tpu.sem_alloc : memref<!tpu.dma_semaphore, #tpu.memory_space<semaphore_mem>>
      %dma_start3A_92 = arith.constant 0 : i32
      %dma_start3A_93 = tpu.memref_slice %arg6[%add3A_86, %dma_start3A_92] : memref<20000x128xf32, #tpu.memory_space<hbm>> -> memref<624x128xf32, #tpu.memory_space<hbm>>
      %dma_start3A_94 = arith.constant 0 : i32
      %dma_start3A_95 = tpu.memref_slice %arg10[%mul3A_81, %dma_start3A_94] : memref<10000x128xf32, #tpu.memory_space<vmem_shared>> -> memref<624x128xf32, #tpu.memory_space<vmem_shared>>
      tpu.enqueue_dma source(%dma_start3A_95 : memref<624x128xf32, #tpu.memory_space<vmem_shared>>) target(%dma_start3A_93 : memref<624x128xf32, #tpu.memory_space<hbm>>) target_semaphore(%run_scoped3A : memref<!tpu.dma_semaphore, #tpu.memory_space<semaphore_mem>>)
      %dma_wait3A = arith.constant 0 : i32
      %dma_wait3A_96 = tpu.memref_slice %arg6[%add3A_86, %dma_wait3A] : memref<20000x128xf32, #tpu.memory_space<hbm>> -> memref<624x128xf32, #tpu.memory_space<hbm>>
      %dma_wait3A_97 = arith.constant 0 : i32
      %dma_wait3A_98 = tpu.memref_slice %arg10[%mul3A_81, %dma_wait3A_97] : memref<10000x128xf32, #tpu.memory_space<vmem_shared>> -> memref<624x128xf32, #tpu.memory_space<vmem_shared>>
      tpu.wait_dma2 semaphore(%run_scoped3A : memref<!tpu.dma_semaphore, #tpu.memory_space<semaphore_mem>>) src(%dma_wait3A_98 : memref<624x128xf32, #tpu.memory_space<vmem_shared>>) dst(%dma_wait3A_96 : memref<624x128xf32, #tpu.memory_space<hbm>>)
      tpu.yield
    }) : () -> ()
    %eq3A_87 = arith.constant 0 : i32
    %eq3A_88 = arith.cmpi eq, %arg1, %eq3A_87 : i32
    %convert_element_type3A_89 = arith.extui %eq3A_88 : i1 to i32
    %cond3A_90 = arith.constant 0 : i32
    %cond3A_91 = arith.cmpi ne, %convert_element_type3A_89, %cond3A_90 : i32
    scf.if %cond3A_91 {
      %mul3A_92 = arith.constant 10000 : i32
      %mul3A_93 = arith.muli %arg0, %mul3A_92 : i32
      %add3A_94 = arith.constant 9984 : i32
      %add3A_95 = arith.addi %mul3A_93, %add3A_94 : i32
      "tpu.region"() ({
        %run_scoped3A = tpu.sem_alloc : memref<!tpu.dma_semaphore, #tpu.memory_space<semaphore_mem>>
        %dma_start3A_96 = arith.constant 0 : i32
        %dma_start3A_97 = tpu.memref_slice %arg6[%add3A_95, %dma_start3A_96] : memref<20000x128xf32, #tpu.memory_space<hbm>> -> memref<16x128xf32, #tpu.memory_space<hbm>>
        %dma_start3A_98 = arith.constant 9984 : i32
        %dma_start3A_99 = arith.constant 0 : i32
        %dma_start3A_100 = tpu.memref_slice %arg10[%dma_start3A_98, %dma_start3A_99] : memref<10000x128xf32, #tpu.memory_space<vmem_shared>> -> memref<16x128xf32, #tpu.memory_space<vmem_shared>>
        tpu.enqueue_dma source(%dma_start3A_100 : memref<16x128xf32, #tpu.memory_space<vmem_shared>>) target(%dma_start3A_97 : memref<16x128xf32, #tpu.memory_space<hbm>>) target_semaphore(%run_scoped3A : memref<!tpu.dma_semaphore, #tpu.memory_space<semaphore_mem>>)
        %dma_wait3A = arith.constant 0 : i32
        %dma_wait3A_101 = tpu.memref_slice %arg6[%add3A_95, %dma_wait3A] : memref<20000x128xf32, #tpu.memory_space<hbm>> -> memref<16x128xf32, #tpu.memory_space<hbm>>
        %dma_wait3A_102 = arith.constant 9984 : i32
        %dma_wait3A_103 = arith.constant 0 : i32
        %dma_wait3A_104 = tpu.memref_slice %arg10[%dma_wait3A_102, %dma_wait3A_103] : memref<10000x128xf32, #tpu.memory_space<vmem_shared>> -> memref<16x128xf32, #tpu.memory_space<vmem_shared>>
        tpu.wait_dma2 semaphore(%run_scoped3A : memref<!tpu.dma_semaphore, #tpu.memory_space<semaphore_mem>>) src(%dma_wait3A_104 : memref<16x128xf32, #tpu.memory_space<vmem_shared>>) dst(%dma_wait3A_101 : memref<16x128xf32, #tpu.memory_space<hbm>>)
        tpu.yield
      }) : () -> ()
    } else {
    }
    return
  }
}

module attributes {stable_mosaic.version = 14 : i64} {
  func.func @_mm1_body(%arg0: i32, %arg1: i32, %arg2: memref<2000x256xf32, #tpu.memory_space<vmem>>, %arg3: memref<256x128xf32, #tpu.memory_space<vmem>>, %arg4: memref<2x2000x1xf32, #tpu.memory_space<vmem>>, %arg5: memref<1x2000x128xf32, #tpu.memory_space<vmem>>, %arg6: memref<2000x1xf32, #tpu.memory_space<vmem>>) attributes {dimension_semantics = [#tpu.dimension_semantics<arbitrary>, #tpu.dimension_semantics<arbitrary>], iteration_bounds = array<i64: 5, 2>, scalar_prefetch = 0 : i64, scratch_operands = 0 : i64, tpu.core_type = #tpu.core_type<tc>, window_params = [{transform_indices = @transform_0, window_bounds = array<i64: 2000, 256>}, {transform_indices = @transform_1, window_bounds = array<i64: 256, 128>}, {transform_indices = @transform_2, window_bounds = array<i64: 2, 2000, 1>}, {transform_indices = @transform_3, window_bounds = array<i64: 1, 2000, 128>}, {transform_indices = @transform_4, window_bounds = array<i64: 2000, 1>}]} {
    %get3A = arith.constant 0 : index
    %get3A_0 = arith.constant 0 : index
    %get3A_1 = arith.constant 0 : index
    %get3A_2 = vector.load %arg4[%get3A, %get3A_0, %get3A_1] : memref<2x2000x1xf32, #tpu.memory_space<vmem>>, vector<1x2000x1xf32>
    %get3A_3 = vector.shape_cast %get3A_2 : vector<1x2000x1xf32> to vector<2000x1xf32>
    %get3A_4 = arith.constant 1 : index
    %get3A_5 = arith.constant 0 : index
    %get3A_6 = arith.constant 0 : index
    %get3A_7 = vector.load %arg4[%get3A_4, %get3A_5, %get3A_6] : memref<2x2000x1xf32, #tpu.memory_space<vmem>>, vector<1x2000x1xf32>
    %get3A_8 = vector.shape_cast %get3A_7 : vector<1x2000x1xf32> to vector<2000x1xf32>
    %add3A = arith.addf %get3A_3, %get3A_8 : vector<2000x1xf32>
    %add3A_9 = arith.constant 1.000000e+00 : f32
    %add3A_10 = vector.broadcast %add3A_9 : f32 to vector<2000x1xf32>
    %add3A_11 = arith.addf %add3A, %add3A_10 : vector<2000x1xf32>
    %rsqrt3A = math.rsqrt %add3A_11 : vector<2000x1xf32>
    %get3A_12 = arith.constant 0 : index
    %get3A_13 = arith.constant 0 : index
    %get3A_14 = vector.load %arg2[%get3A_12, %get3A_13] : memref<2000x256xf32, #tpu.memory_space<vmem>>, vector<2000x256xf32>
    %get3A_15 = arith.constant 0 : index
    %get3A_16 = arith.constant 0 : index
    %get3A_17 = vector.load %arg3[%get3A_15, %get3A_16] : memref<256x128xf32, #tpu.memory_space<vmem>>, vector<256x128xf32>
    %dot_general3A = arith.constant dense<0.000000e+00> : vector<2000x128xf32>
    %dot_general3A_18 = tpu.matmul %get3A_14, %get3A_17, %dot_general3A {dimension_numbers = #tpu.dot_dimension_numbers<[1], [0], [0], [1], [0, 0, 1, 1], [], []>, transpose_lhs_hint = false} : vector<2000x256xf32>, vector<256x128xf32>, vector<2000x128xf32> -> vector<2000x128xf32>
    %mul3A = vector.broadcast %rsqrt3A : vector<2000x1xf32> to vector<2000x128xf32>
    %mul3A_19 = arith.mulf %dot_general3A_18, %mul3A : vector<2000x128xf32>
    %broadcast_in_dim3A = vector.shape_cast %mul3A_19 : vector<2000x128xf32> to vector<1x2000x128xf32>
    %swap3A = arith.constant 0 : index
    %swap3A_20 = arith.constant 0 : index
    %swap3A_21 = arith.constant 0 : index
    %swap3A_22 = vector.load %arg5[%swap3A, %swap3A_20, %swap3A_21] : memref<1x2000x128xf32, #tpu.memory_space<vmem>>, vector<1x2000x128xf32>
    tpu.vector_store %arg5[%swap3A, %swap3A_20, %swap3A_21], %broadcast_in_dim3A {strides = array<i32>} : memref<1x2000x128xf32, #tpu.memory_space<vmem>>, vector<1x2000x128xf32>,
    %swap3A_23 = arith.constant 0 : index
    %swap3A_24 = arith.constant 0 : index
    %swap3A_25 = vector.load %arg6[%swap3A_23, %swap3A_24] : memref<2000x1xf32, #tpu.memory_space<vmem>>, vector<2000x1xf32>
    tpu.vector_store %arg6[%swap3A_23, %swap3A_24], %rsqrt3A {strides = array<i32>} : memref<2000x1xf32, #tpu.memory_space<vmem>>, vector<2000x1xf32>,
    return
  }
  func.func @transform_0(%arg0: i32, %arg1: i32) -> (i32, i32) {
    %c0_i32 = arith.constant 0 : i32
    %c0_i32_0 = arith.constant 0 : i32
    return %arg0, %c0_i32 : i32, i32
  }
  func.func @transform_1(%arg0: i32, %arg1: i32) -> (i32, i32) {
    %c0_i32 = arith.constant 0 : i32
    %c0_i32_0 = arith.constant 0 : i32
    return %c0_i32, %arg1 : i32, i32
  }
  func.func @transform_2(%arg0: i32, %arg1: i32) -> (i32, i32, i32) {
    %c0_i32 = arith.constant 0 : i32
    %c0_i32_0 = arith.constant 0 : i32
    %c0_i32_1 = arith.constant 0 : i32
    return %c0_i32, %arg0, %c0_i32_0 : i32, i32, i32
  }
  func.func @transform_3(%arg0: i32, %arg1: i32) -> (i32, i32, i32) {
    %c0_i32 = arith.constant 0 : i32
    %c0_i32_0 = arith.constant 0 : i32
    return %arg1, %arg0, %c0_i32 : i32, i32, i32
  }
  func.func @transform_4(%arg0: i32, %arg1: i32) -> (i32, i32) {
    %c0_i32 = arith.constant 0 : i32
    %c0_i32_0 = arith.constant 0 : i32
    return %arg0, %c0_i32 : i32, i32
  }
}

module attributes {stable_mosaic.version = 14 : i64} {
  func.func @_mm2_body(%arg0: i32, %arg1: i32, %arg2: memref<2x2000x128xf32, #tpu.memory_space<vmem>>, %arg3: memref<2x2000x128xf32, #tpu.memory_space<vmem>>, %arg4: memref<2000x1xf32, #tpu.memory_space<vmem>>, %arg5: memref<1x256xf32, #tpu.memory_space<vmem>>, %arg6: memref<2x128x128xf32, #tpu.memory_space<vmem>>, %arg7: memref<1x2000x128xf32, #tpu.memory_space<vmem>>) attributes {dimension_semantics = [#tpu.dimension_semantics<arbitrary>, #tpu.dimension_semantics<arbitrary>], iteration_bounds = array<i64: 5, 2>, scalar_prefetch = 0 : i64, scratch_operands = 0 : i64, tpu.core_type = #tpu.core_type<tc>, window_params = [{transform_indices = @transform_0, window_bounds = array<i64: 2, 2000, 128>}, {transform_indices = @transform_1, window_bounds = array<i64: 2, 2000, 128>}, {transform_indices = @transform_2, window_bounds = array<i64: 2000, 1>}, {pipeline_mode = #tpu.pipeline_mode<synchronous>, transform_indices = @transform_3, window_bounds = array<i64: 1, 256>}, {transform_indices = @transform_4, window_bounds = array<i64: 2, 128, 128>}, {transform_indices = @transform_5, window_bounds = array<i64: 1, 2000, 128>}]} {
    %get3A = arith.constant 0 : index
    %get3A_0 = arith.constant 0 : index
    %get3A_1 = vector.load %arg4[%get3A, %get3A_0] : memref<2000x1xf32, #tpu.memory_space<vmem>>, vector<2000x1xf32>
    %get3A_2 = arith.constant 0 : index
    %get3A_3 = arith.constant 0 : index
    %get3A_4 = arith.constant 0 : index
    %get3A_5 = vector.load %arg2[%get3A_2, %get3A_3, %get3A_4] : memref<2x2000x128xf32, #tpu.memory_space<vmem>>, vector<2x2000x128xf32>
    %get3A_6 = arith.constant 0 : index
    %get3A_7 = arith.constant 0 : index
    %get3A_8 = arith.constant 0 : index
    %get3A_9 = vector.load %arg3[%get3A_6, %get3A_7, %get3A_8] : memref<2x2000x128xf32, #tpu.memory_space<vmem>>, vector<2x2000x128xf32>
    %add3A = arith.addf %get3A_5, %get3A_9 : vector<2x2000x128xf32>
    %broadcast_in_dim3A = vector.shape_cast %get3A_1 : vector<2000x1xf32> to vector<1x2000x1xf32>
    %mul3A = vector.broadcast %broadcast_in_dim3A : vector<1x2000x1xf32> to vector<2x2000x128xf32>
    %mul3A_10 = arith.mulf %add3A, %mul3A : vector<2x2000x128xf32>
    %slice3A = vector.extract_strided_slice %mul3A_10 {offsets = [0, 0, 0], sizes = [1, 2000, 128], strides = [1, 1, 1]} : vector<2x2000x128xf32> to vector<1x2000x128xf32>
    %squeeze3A = vector.shape_cast %slice3A : vector<1x2000x128xf32> to vector<2000x128xf32>
    %get3A_11 = arith.constant 0 : index
    %get3A_12 = arith.constant 0 : index
    %get3A_13 = vector.load %arg5[%get3A_11, %get3A_12] : memref<1x256xf32, #tpu.memory_space<vmem>>, vector<1x128xf32>
    %get3A_14 = vector.shape_cast %get3A_13 : vector<1x128xf32> to vector<128xf32>
    %broadcast_in_dim3A_15 = vector.shape_cast %get3A_14 : vector<128xf32> to vector<1x128xf32>
    %add3A_16 = vector.broadcast %broadcast_in_dim3A_15 : vector<1x128xf32> to vector<2000x128xf32>
    %add3A_17 = arith.addf %squeeze3A, %add3A_16 : vector<2000x128xf32>
    %gt3A = arith.constant 0.000000e+00 : f32
    %gt3A_18 = vector.broadcast %gt3A : f32 to vector<2000x128xf32>
    %gt3A_19 = arith.cmpf ogt, %add3A_17, %gt3A_18 : vector<2000x128xf32>
    %min3A = arith.constant 0.000000e+00 : f32
    %min3A_20 = vector.broadcast %min3A : f32 to vector<2000x128xf32>
    %min3A_21 = arith.minimumf %add3A_17, %min3A_20 : vector<2000x128xf32>
    %exp3A = math.exp %min3A_21 : vector<2000x128xf32>
    %sub3A = arith.constant 1.000000e+00 : f32
    %sub3A_22 = vector.broadcast %sub3A : f32 to vector<2000x128xf32>
    %sub3A_23 = arith.subf %exp3A, %sub3A_22 : vector<2000x128xf32>
    %mul3A_24 = arith.constant 1.67326319 : f32
    %mul3A_25 = vector.broadcast %mul3A_24 : f32 to vector<2000x128xf32>
    %mul3A_26 = arith.mulf %mul3A_25, %sub3A_23 : vector<2000x128xf32>
    %select_n3A = arith.select %gt3A_19, %add3A_17, %mul3A_26 : vector<2000x128xi1>, vector<2000x128xf32>
    %mul3A_27 = arith.constant 1.05070102 : f32
    %mul3A_28 = vector.broadcast %mul3A_27 : f32 to vector<2000x128xf32>
    %mul3A_29 = arith.mulf %mul3A_28, %select_n3A : vector<2000x128xf32>
    %slice3A_30 = vector.extract_strided_slice %mul3A_10 {offsets = [1, 0, 0], sizes = [1, 2000, 128], strides = [1, 1, 1]} : vector<2x2000x128xf32> to vector<1x2000x128xf32>
    %squeeze3A_31 = vector.shape_cast %slice3A_30 : vector<1x2000x128xf32> to vector<2000x128xf32>
    %get3A_32 = arith.constant 0 : index
    %get3A_33 = arith.constant 128 : index
    %get3A_34 = vector.load %arg5[%get3A_32, %get3A_33] : memref<1x256xf32, #tpu.memory_space<vmem>>, vector<1x128xf32>
    %get3A_35 = vector.shape_cast %get3A_34 : vector<1x128xf32> to vector<128xf32>
    %broadcast_in_dim3A_36 = vector.shape_cast %get3A_35 : vector<128xf32> to vector<1x128xf32>
    %add3A_37 = vector.broadcast %broadcast_in_dim3A_36 : vector<1x128xf32> to vector<2000x128xf32>
    %add3A_38 = arith.addf %squeeze3A_31, %add3A_37 : vector<2000x128xf32>
    %gt3A_39 = arith.constant 0.000000e+00 : f32
    %gt3A_40 = vector.broadcast %gt3A_39 : f32 to vector<2000x128xf32>
    %gt3A_41 = arith.cmpf ogt, %add3A_38, %gt3A_40 : vector<2000x128xf32>
    %min3A_42 = arith.constant 0.000000e+00 : f32
    %min3A_43 = vector.broadcast %min3A_42 : f32 to vector<2000x128xf32>
    %min3A_44 = arith.minimumf %add3A_38, %min3A_43 : vector<2000x128xf32>
    %exp3A_45 = math.exp %min3A_44 : vector<2000x128xf32>
    %sub3A_46 = arith.constant 1.000000e+00 : f32
    %sub3A_47 = vector.broadcast %sub3A_46 : f32 to vector<2000x128xf32>
    %sub3A_48 = arith.subf %exp3A_45, %sub3A_47 : vector<2000x128xf32>
    %mul3A_49 = arith.constant 1.67326319 : f32
    %mul3A_50 = vector.broadcast %mul3A_49 : f32 to vector<2000x128xf32>
    %mul3A_51 = arith.mulf %mul3A_50, %sub3A_48 : vector<2000x128xf32>
    %select_n3A_52 = arith.select %gt3A_41, %add3A_38, %mul3A_51 : vector<2000x128xi1>, vector<2000x128xf32>
    %mul3A_53 = arith.constant 1.05070102 : f32
    %mul3A_54 = vector.broadcast %mul3A_53 : f32 to vector<2000x128xf32>
    %mul3A_55 = arith.mulf %mul3A_54, %select_n3A_52 : vector<2000x128xf32>
    %get3A_56 = arith.constant 0 : index
    %get3A_57 = arith.constant 0 : index
    %get3A_58 = arith.constant 0 : index
    %get3A_59 = vector.load %arg6[%get3A_56, %get3A_57, %get3A_58] : memref<2x128x128xf32, #tpu.memory_space<vmem>>, vector<1x128x128xf32>
    %get3A_60 = vector.shape_cast %get3A_59 : vector<1x128x128xf32> to vector<128x128xf32>
    %dot_general3A = arith.constant dense<0.000000e+00> : vector<2000x128xf32>
    %dot_general3A_61 = tpu.matmul %mul3A_29, %get3A_60, %dot_general3A {dimension_numbers = #tpu.dot_dimension_numbers<[1], [0], [0], [1], [0, 0, 1, 1], [], []>, transpose_lhs_hint = false} : vector<2000x128xf32>, vector<128x128xf32>, vector<2000x128xf32> -> vector<2000x128xf32>
    %get3A_62 = arith.constant 1 : index
    %get3A_63 = arith.constant 0 : index
    %get3A_64 = arith.constant 0 : index
    %get3A_65 = vector.load %arg6[%get3A_62, %get3A_63, %get3A_64] : memref<2x128x128xf32, #tpu.memory_space<vmem>>, vector<1x128x128xf32>
    %get3A_66 = vector.shape_cast %get3A_65 : vector<1x128x128xf32> to vector<128x128xf32>
    %dot_general3A_67 = arith.constant dense<0.000000e+00> : vector<2000x128xf32>
    %dot_general3A_68 = tpu.matmul %mul3A_55, %get3A_66, %dot_general3A_67 {dimension_numbers = #tpu.dot_dimension_numbers<[1], [0], [0], [1], [0, 0, 1, 1], [], []>, transpose_lhs_hint = false} : vector<2000x128xf32>, vector<128x128xf32>, vector<2000x128xf32> -> vector<2000x128xf32>
    %add3A_69 = arith.addf %dot_general3A_61, %dot_general3A_68 : vector<2000x128xf32>
    %mul3A_70 = vector.broadcast %get3A_1 : vector<2000x1xf32> to vector<2000x128xf32>
    %mul3A_71 = arith.mulf %add3A_69, %mul3A_70 : vector<2000x128xf32>
    %broadcast_in_dim3A_72 = vector.shape_cast %mul3A_71 : vector<2000x128xf32> to vector<1x2000x128xf32>
    %swap3A = arith.constant 0 : index
    %swap3A_73 = arith.constant 0 : index
    %swap3A_74 = arith.constant 0 : index
    %swap3A_75 = vector.load %arg7[%swap3A, %swap3A_73, %swap3A_74] : memref<1x2000x128xf32, #tpu.memory_space<vmem>>, vector<1x2000x128xf32>
    tpu.vector_store %arg7[%swap3A, %swap3A_73, %swap3A_74], %broadcast_in_dim3A_72 {strides = array<i32>} : memref<1x2000x128xf32, #tpu.memory_space<vmem>>, vector<1x2000x128xf32>,
    return
  }
  func.func @transform_0(%arg0: i32, %arg1: i32) -> (i32, i32, i32) {
    %c0_i32 = arith.constant 0 : i32
    %c0_i32_0 = arith.constant 0 : i32
    %c0_i32_1 = arith.constant 0 : i32
    return %c0_i32, %arg0, %c0_i32_0 : i32, i32, i32
  }
  func.func @transform_1(%arg0: i32, %arg1: i32) -> (i32, i32, i32) {
    %c0_i32 = arith.constant 0 : i32
    %c0_i32_0 = arith.constant 0 : i32
    %c0_i32_1 = arith.constant 0 : i32
    return %c0_i32, %arg0, %c0_i32_0 : i32, i32, i32
  }
  func.func @transform_2(%arg0: i32, %arg1: i32) -> (i32, i32) {
    %c0_i32 = arith.constant 0 : i32
    %c0_i32_0 = arith.constant 0 : i32
    return %arg0, %c0_i32 : i32, i32
  }
  func.func @transform_3(%arg0: i32, %arg1: i32) -> (i32, i32) {
    %c0_i32 = arith.constant 0 : i32
    %c0_i32_0 = arith.constant 0 : i32
    %c0_i32_1 = arith.constant 0 : i32
    return %c0_i32, %c0_i32_0 : i32, i32
  }
  func.func @transform_4(%arg0: i32, %arg1: i32) -> (i32, i32, i32) {
    %c0_i32 = arith.constant 0 : i32
    %c0_i32_0 = arith.constant 0 : i32
    %c0_i32_1 = arith.constant 0 : i32
    return %c0_i32, %c0_i32_0, %arg1 : i32, i32, i32
  }
  func.func @transform_5(%arg0: i32, %arg1: i32) -> (i32, i32, i32) {
    %c0_i32 = arith.constant 0 : i32
    %c0_i32_0 = arith.constant 0 : i32
    return %arg1, %arg0, %c0_i32 : i32, i32, i32
  }
}

module attributes {stable_mosaic.version = 14 : i64} {
  func.func @_final_body(%arg0: i32, %arg1: memref<2x2000x128xf32, #tpu.memory_space<vmem>>, %arg2: memref<2x2000x128xf32, #tpu.memory_space<vmem>>, %arg3: memref<2000x1xf32, #tpu.memory_space<vmem>>, %arg4: memref<1x256xf32, #tpu.memory_space<vmem>>, %arg5: memref<2000x256xf32, #tpu.memory_space<vmem>>) attributes {dimension_semantics = [#tpu.dimension_semantics<arbitrary>], iteration_bounds = array<i64: 5>, scalar_prefetch = 0 : i64, scratch_operands = 0 : i64, tpu.core_type = #tpu.core_type<tc>, window_params = [{transform_indices = @transform_0, window_bounds = array<i64: 2, 2000, 128>}, {transform_indices = @transform_1, window_bounds = array<i64: 2, 2000, 128>}, {transform_indices = @transform_2, window_bounds = array<i64: 2000, 1>}, {pipeline_mode = #tpu.pipeline_mode<synchronous>, transform_indices = @transform_3, window_bounds = array<i64: 1, 256>}, {transform_indices = @transform_4, window_bounds = array<i64: 2000, 256>}]} {
    %get3A = arith.constant 0 : index
    %get3A_0 = arith.constant 0 : index
    %get3A_1 = vector.load %arg3[%get3A, %get3A_0] : memref<2000x1xf32, #tpu.memory_space<vmem>>, vector<2000x1xf32>
    %get3A_2 = arith.constant 0 : index
    %get3A_3 = arith.constant 0 : index
    %get3A_4 = arith.constant 0 : index
    %get3A_5 = vector.load %arg1[%get3A_2, %get3A_3, %get3A_4] : memref<2x2000x128xf32, #tpu.memory_space<vmem>>, vector<2x2000x128xf32>
    %get3A_6 = arith.constant 0 : index
    %get3A_7 = arith.constant 0 : index
    %get3A_8 = arith.constant 0 : index
    %get3A_9 = vector.load %arg2[%get3A_6, %get3A_7, %get3A_8] : memref<2x2000x128xf32, #tpu.memory_space<vmem>>, vector<2x2000x128xf32>
    %add3A = arith.addf %get3A_5, %get3A_9 : vector<2x2000x128xf32>
    %broadcast_in_dim3A = vector.shape_cast %get3A_1 : vector<2000x1xf32> to vector<1x2000x1xf32>
    %mul3A = vector.broadcast %broadcast_in_dim3A : vector<1x2000x1xf32> to vector<2x2000x128xf32>
    %mul3A_10 = arith.mulf %add3A, %mul3A : vector<2x2000x128xf32>
    %slice3A = vector.extract_strided_slice %mul3A_10 {offsets = [0, 0, 0], sizes = [1, 2000, 128], strides = [1, 1, 1]} : vector<2x2000x128xf32> to vector<1x2000x128xf32>
    %squeeze3A = vector.shape_cast %slice3A : vector<1x2000x128xf32> to vector<2000x128xf32>
    %get3A_11 = arith.constant 0 : index
    %get3A_12 = arith.constant 0 : index
    %get3A_13 = vector.load %arg4[%get3A_11, %get3A_12] : memref<1x256xf32, #tpu.memory_space<vmem>>, vector<1x128xf32>
    %get3A_14 = vector.shape_cast %get3A_13 : vector<1x128xf32> to vector<128xf32>
    %broadcast_in_dim3A_15 = vector.shape_cast %get3A_14 : vector<128xf32> to vector<1x128xf32>
    %add3A_16 = vector.broadcast %broadcast_in_dim3A_15 : vector<1x128xf32> to vector<2000x128xf32>
    %add3A_17 = arith.addf %squeeze3A, %add3A_16 : vector<2000x128xf32>
    %swap3A = arith.constant 0 : index
    %swap3A_18 = arith.constant 0 : index
    %swap3A_19 = vector.load %arg5[%swap3A, %swap3A_18] : memref<2000x256xf32, #tpu.memory_space<vmem>>, vector<2000x128xf32>
    tpu.vector_store %arg5[%swap3A, %swap3A_18], %add3A_17 {strides = array<i32>} : memref<2000x256xf32, #tpu.memory_space<vmem>>, vector<2000x128xf32>,
    %slice3A_20 = vector.extract_strided_slice %mul3A_10 {offsets = [1, 0, 0], sizes = [1, 2000, 128], strides = [1, 1, 1]} : vector<2x2000x128xf32> to vector<1x2000x128xf32>
    %squeeze3A_21 = vector.shape_cast %slice3A_20 : vector<1x2000x128xf32> to vector<2000x128xf32>
    %get3A_22 = arith.constant 0 : index
    %get3A_23 = arith.constant 128 : index
    %get3A_24 = vector.load %arg4[%get3A_22, %get3A_23] : memref<1x256xf32, #tpu.memory_space<vmem>>, vector<1x128xf32>
    %get3A_25 = vector.shape_cast %get3A_24 : vector<1x128xf32> to vector<128xf32>
    %broadcast_in_dim3A_26 = vector.shape_cast %get3A_25 : vector<128xf32> to vector<1x128xf32>
    %add3A_27 = vector.broadcast %broadcast_in_dim3A_26 : vector<1x128xf32> to vector<2000x128xf32>
    %add3A_28 = arith.addf %squeeze3A_21, %add3A_27 : vector<2000x128xf32>
    %swap3A_29 = arith.constant 0 : index
    %swap3A_30 = arith.constant 128 : index
    %swap3A_31 = vector.load %arg5[%swap3A_29, %swap3A_30] : memref<2000x256xf32, #tpu.memory_space<vmem>>, vector<2000x128xf32>
    tpu.vector_store %arg5[%swap3A_29, %swap3A_30], %add3A_28 {strides = array<i32>} : memref<2000x256xf32, #tpu.memory_space<vmem>>, vector<2000x128xf32>,
    return
  }
  func.func @transform_0(%arg0: i32) -> (i32, i32, i32) {
    %c0_i32 = arith.constant 0 : i32
    %c0_i32_0 = arith.constant 0 : i32
    %c0_i32_1 = arith.constant 0 : i32
    return %c0_i32, %arg0, %c0_i32_0 : i32, i32, i32
  }
  func.func @transform_1(%arg0: i32) -> (i32, i32, i32) {
    %c0_i32 = arith.constant 0 : i32
    %c0_i32_0 = arith.constant 0 : i32
    %c0_i32_1 = arith.constant 0 : i32
    return %c0_i32, %arg0, %c0_i32_0 : i32, i32, i32
  }
  func.func @transform_2(%arg0: i32) -> (i32, i32) {
    %c0_i32 = arith.constant 0 : i32
    %c0_i32_0 = arith.constant 0 : i32
    return %arg0, %c0_i32 : i32, i32
  }
  func.func @transform_3(%arg0: i32) -> (i32, i32) {
    %c0_i32 = arith.constant 0 : i32
    %c0_i32_0 = arith.constant 0 : i32
    %c0_i32_1 = arith.constant 0 : i32
    return %c0_i32, %c0_i32_0 : i32, i32
  }
  func.func @transform_4(%arg0: i32) -> (i32, i32) {
    %c0_i32 = arith.constant 0 : i32
    %c0_i32_0 = arith.constant 0 : i32
    return %arg0, %c0_i32 : i32, i32
  }
}

</mosaic_0001>

<sc_bundles>
// kernel: kernel.11.cloned.1.call-start
scs
__scs_entry_jumppad:
0x0: {  	(pc) =	sbr.rel $0x88, $3  }
0x1: {  	(tag) =	ssettag $0x0;
	lr =	simm.s32 $0x1  }
0x2: {  	[smem:$0x3F9B] =	sst lr;
	_ =	strace $0xD0000000  }
0x3: {  	_ = 	snop  }
0x4: {  	_ = 	snop  }
0x5: {  	_ = 	snop  }
0x6: {  	_ = 	snop  }
0x7: {  	_ = 	snop  }
__scs_overlays_trampoline_lowered:
0x8: {  	[smem:$0x3FAA] =	sst s0  }
0x9: {  	[smem:$0x3FAB] =	sst s1  }
0xa: {  	[smem:$0x3FAC] =	sst s2  }
0xb: {  	[smem:$0x3FAD] =	sst s3  }
0xc: {  	[smem:$0x3FAE] =	sst s4  }
0xd: {  	[smem:$0x3FAF] =	sst s5  }
0xe: {  	[smem:$0x3FB0] =	sst s6  }
0xf: {  	[smem:$0x3FB1] =	sst s7  }
0x10: {  	[smem:$0x3FB2] =	sst s8  }
0x11: {  	[smem:$0x3FB3] =	sst s9;
	s0 =	simm.s32 @!p0 $0x0  }
0x12: {  	s1 =	sld [smem:$0x3F99];
	s0 =	simm.s32 @p0 $0x1  }
0x13: {  	[smem:$0x3FB4] =	sst s0;
	s0 =	simm.s32 @!p1 $0x0  }
0x14: {  	s2 =	sld [smem:$0x3F98];
	s0 =	simm.s32 @p1 $0x1  }
0x15: {  	[smem:$0x3FB5] =	sst s0;
	s0 =	simm.s32 @!p2 $0x0  }
0x16: {  	s3 =	sld [smem:$0x3FDB];
	s0 =	simm.s32 @p2 $0x1  }
0x17: {  	s4 =	simm.s32 $0x1BF5;
	[smem:$0x3FB7] =	sst s0  }
0x18: {  	s0 =	sld [smem:$0x3F9A];
	_ =	swait.ge [sflag:s4], $0x0  }
0x19: {  	s7 =	sld [smem:$0x3F9B]  }
0x1a: {  	s8 =	sadd.s32 $0xFFFFE003, lr  }
0x1b: {  	s9 =	sadd.s32 $0xFFFFFEF7, lr;
	s5 =	simm.s32 $0xFFFFFFFF;
	p2 =	slt.u32 s8, $0xFFFFF086  }
0x1c: {  	p1 =	slt.u32 s9, $0xF7A;
	s5 =	simm.s32 @!p2 $0x0  }
0x1d: {  	s5 =	simm.s32 @p1 $0x1;
	p0 =	seq.s32 s7, s2  }
0x1e: {  	s7 =	smul.u32 @!p0 $0xF7A, s2;
	p2 =	seq.s32 @!p0 s5, $0x0  }
0x1f: {  	s9 =	smul.u32 $0xF7A, s1;
	s8 =	simm.s32 @!p0 $0x1BF5;
	p2 =	por !p2, p0  }
0x20: {  	[sflag:s8] =	ssyncset.s32 @!p0 $0xFFFFF086;
	s6 =	sadd.s32 @!p0 s3, s7;
	s7 =	simm.s32 @!p0 $0x108  }
0x21: {  	s3 =	sadd.s32 s3, s9;
	s6 =	sadd.s32 @!p0 $0x88, s6;
	s7 =	simm.s32 @p2 $0x1082  }
0x22: {  	[simem:s7], [sflag:s8] =	dma.local @!p0 [hbm:s6], $0xF7A  }
0x23: {  	s9 =	sor.u32 $0xD0000000, s2;
	s6 =	simm.s32 $0x108;
	_ =	swait.ge @!p0 [sflag:s8], $0x0  }
0x24: {  	s3 =	sadd.s32 $0x88, s3;
	s6 =	simm.s32 @!p1 $0x1082;
	[sflag:s4] =	ssyncset.s32 $0xFFFFF086  }
0x25: {  	[simem:s6], [sflag:s4] =	dma.local [hbm:s3], $0xF7A  }
0x26: {  	[smem:$0x3F9B] =	sst s1;
	(tag) =	ssettag s2;
	_ =	strace s9  }
0x27: {  	s1 =	sld [smem:$0x3FAB]  }
0x28: {  	s2 =	sld [smem:$0x3FAC]  }
0x29: {  	s4 =	sld [smem:$0x3FAE]  }
0x2a: {  	p0 =	seq.s32 s5, $0x0;
	s5 =	sld [smem:$0x3FAF]  }
0x2b: {  	s6 =	sld [smem:$0x3FB0]  }
0x2c: {  	s7 =	sld [smem:$0x3FB1]  }
0x2d: {  	s3 =	simm.s32 $0x108;
	s8 =	sld [smem:$0x3FB2]  }
0x2e: {  	s3 =	simm.s32 @!p0 $0x1082;
	s9 =	sld [smem:$0x3FB3]  }
0x2f: {  	lr =	sadd.s32 s0, s3;
	s0 =	sld [smem:$0x3FAA]  }
0x30: {  	s3 =	sld [smem:$0x3FAD]  }
0x31: {  	[smem:$0x3FB6] =	sst s10  }
0x32: {  	s10 =	sld [smem:$0x3FB4];
	_ =	sdelay $0x3  }
0x33: {  	p0 =	seq.s32 s10, $0x1;
	s10 =	sld [smem:$0x3FB6];
	_ =	sdelay $0x3  }
0x34: {  	[smem:$0x3FB6] =	sst s10  }
0x35: {  	s10 =	sld [smem:$0x3FB5];
	_ =	sdelay $0x3  }
0x36: {  	p1 =	seq.s32 s10, $0x1;
	s10 =	sld [smem:$0x3FB6];
	_ =	sdelay $0x3  }
0x37: {  	[smem:$0x3FB6] =	sst s10  }
0x38: {  	s10 =	sld [smem:$0x3FB7]  }
0x39: {  	_ = 	snop;
	(pc) =	sbr.ind lr, $3  }
0x3a: {  	_ = 	snop  }
0x3b: {  	_ = 	snop  }
0x3c: {  	p2 =	seq.s32 s10, $0x1;
	s10 =	sld [smem:$0x3FB6]  }
0x3d: {  	_ =	shalt  }
0x3e: {  	_ =	shalt  }
0x3f: {  	_ =	shalt  }
0x40: {  	_ =	shalt  }
0x41: {  	_ =	shalt  }
0x42: {  	_ =	shalt  }
0x43: {  	_ =	shalt  }
0x44: {  	_ =	shalt  }
0x45: {  	_ =	shalt  }
0x46: {  	_ =	shalt  }
0x47: {  	_ =	shalt  }
0x48: {  	_ =	shalt  }
0x49: {  	_ =	shalt  }
0x4a: {  	_ =	shalt  }
0x4b: {  	_ =	shalt  }
0x4c: {  	_ =	shalt  }
0x4d: {  	_ =	shalt  }
0x4e: {  	_ =	shalt  }
0x4f: {  	_ =	shalt  }
0x50: {  	_ =	shalt  }
0x51: {  	_ =	shalt  }
0x52: {  	_ =	shalt  }
0x53: {  	_ =	shalt  }
0x54: {  	_ =	shalt  }
0x55: {  	_ =	shalt  }
0x56: {  	_ =	shalt  }
0x57: {  	_ =	shalt  }
0x58: {  	_ =	shalt  }
0x59: {  	_ =	shalt  }
0x5a: {  	_ =	shalt  }
0x5b: {  	_ =	shalt  }
0x5c: {  	_ =	shalt  }
0x5d: {  	_ =	shalt  }
0x5e: {  	_ =	shalt  }
0x5f: {  	_ =	shalt  }
0x60: {  	_ =	shalt  }
0x61: {  	_ =	shalt  }
0x62: {  	_ =	shalt  }
0x63: {  	_ =	shalt  }
0x64: {  	_ =	shalt  }
0x65: {  	_ =	shalt  }
0x66: {  	_ =	shalt  }
0x67: {  	_ =	shalt  }
0x68: {  	_ =	shalt  }
0x69: {  	_ =	shalt  }
0x6a: {  	_ =	shalt  }
0x6b: {  	_ =	shalt  }
0x6c: {  	_ =	shalt  }
0x6d: {  	_ =	shalt  }
0x6e: {  	_ =	shalt  }
0x6f: {  	_ =	shalt  }
0x70: {  	_ =	shalt  }
0x71: {  	_ =	shalt  }
0x72: {  	_ =	shalt  }
0x73: {  	_ =	shalt  }
0x74: {  	_ =	shalt  }
0x75: {  	_ =	shalt  }
0x76: {  	_ =	shalt  }
0x77: {  	_ =	shalt  }
0x78: {  	_ =	shalt  }
0x79: {  	_ =	shalt  }
0x7a: {  	_ =	shalt  }
0x7b: {  	_ =	shalt  }
0x7c: {  	_ =	shalt  }
0x7d: {  	_ =	shalt  }
0x7e: {  	_ =	shalt  }
0x7f: {  	_ =	shalt  }
0x80: {  	_ =	shalt  }
0x81: {  	_ =	shalt  }
0x82: {  	_ =	shalt  }
0x83: {  	_ =	shalt  }
0x84: {  	_ =	shalt  }
0x85: {  	_ =	shalt  }
0x86: {  	_ =	shalt  }
0x87: {  	_ =	shalt  }
.Lfunc_end0:
.L_simem_size_0:
called_computation.1_lowered:
.L_overlay_start_0:
0x88: {  	s2 =	sld [smem:$0x3FD9]  }
0x89: {  	s3 =	sld [smem:$0x3FFE];
	_ =	sdelay $0x1  }
0x8a: {  	s1 =	srdreg.scid  }
0x8b: {  	s0 =	sand.u32 $0x1, s1  }
0x8c: {  	s17 =	sshll.u32 s0, $0xA;
	s2 =	sadd.s32 s3, s2  }
0x8d: {  	s2 =	sadd.s32 s2, s17  }
0x8e: {  	[smem:$0x3FC2] =	sst s2  }
0x8f: {  	_ = 	snop  }
0x90: {  	s2 =	sld [smem:$0x3FD0];
	(tm) =	ssettm $0x1  }
0x91: {  	s18 =	sld [smem:$0x3FFB];
	_ =	sdelay $0x3  }
0x92: {  	_ =	strace s18  }
0x93: {  	s3 =	sld [smem:$0x3FFC];
	_ =	sdelay $0x3  }
0x94: {  	_ =	strace s3  }
0x95: {  	s3 =	sld [smem:$0x3FFD];
	_ =	sdelay $0x3  }
0x96: {  	_ =	strace s3  }
0x97: {  	_ =	strace $0x8FFFFFFF  }
0x98: {  	s19 =	sld [smem:$0x3FDB];
	_ =	sdelay $0x1  }
0x99: {  	s4 =	simm.s32 $_scs_section_size  }
0x9a: {  	s5 =	simm.s32 $_size__tile_overlayer_lowered;
	s6 =	simm.s32 $_tile_overlayer_lowered  }
0x9b: {  	s22 =	simm.s32 $0x1BFF;
	s21 =	sshll.u32 s6, $0x1;
	s3 =	sadd.s32 s4, s19  }
0x9c: {  	s7 =	simm.s32 $0x0;
	s20 =	sshll.u32 s5, $0x1;
	s5 =	sadd.s32 s21, s3  }
0x9d: {  	[timem:s7], [sflag:s22] =	dma.local [hbm:s5], s20  }
0x9e: {  	_ =	swait.ge [sflag:s22], s20  }
0x9f: {  	s4 =	ssub.s32 $0x0, s20;
	[sflag:s22] =	ssyncset.done $0x0  }
0xa0: {  	[sflag:s22] =	ssyncadd.s32 s4;
	_ =	sdelay $0x1  }
0xa1: {  	s23 =	simm.s32 $0x1B8B  }
0xa2: {  	_ =	swait.ge [sflag:s23], $0x1  }
0xa3: {  	[sflag:s23] =	ssyncset.done $0x0  }
0xa4: {  	s25 =	simm.s32 $0x1B8E;
	s24 =	sld [smem:$0x3FFE];
	[sflag:s23] =	ssyncadd.s32 $0xFFFFFFFF  }
0xa5: {  	s26 =	simm.s32 $execute0_lowered;
	[smem:$0x3FD2] =	sst s25  }
0xa6: {  	s5 =	sshll.u32 s26, $0x1;
	_ =	strace $0x80000049;
	[dreg:$0x1] =	wrdreg $0xFFFFFFFF  }
0xa7: {  	s28 =	simm.s32 $_size_execute0_lowered;
	s3 =	sadd.s32 s3, s5;
	[dreg:$0x0] =	wrdreg $0x0  }
0xa8: {  	s5 =	sshll.u32 s28, $0x1;
	[dreg:$0x2] =	wrdreg s3  }
0xa9: {  	[dreg:$0x3] =	wrdreg s5  }
0xaa: {  	[dreg:$0x4] =	wrdreg $0xC0  }
0xab: {  	_ =	task [dreg:s7], $0x5FFFF  }
0xac: {  	[dreg:$0x1] =	wrdreg $0xFFFFFFFF  }
0xad: {  	[dreg:$0x0] =	wrdreg $0x60  }
0xae: {  	[dreg:$0x2] =	wrdreg s2  }
0xaf: {  	[dreg:$0x3] =	wrdreg s24  }
0xb0: {  	[dreg:$0x4] =	wrdreg $0xA8000  }
0xb1: {  	[dreg:$0x5] =	wrdreg $0x9  }
0xb2: {  	_ =	task.clear_ibuf [dreg:s7], $0x6FFFF;
	_ =	strace $0x90000049  }
0xb3: {  	s29 =	simm.s32 $0x9;
	_ =	strace $0x8000004B  }
0xb4: {  	_ =	swait.ge [sflag:s29], $0x1  }
0xb5: {  	[sflag:s29] =	ssyncadd.s32 $0xFFFFFFFF  }
0xb6: {  	_ =	strace $0x9000004B  }
0xb7: {  	_ =	sfence  }
0xb8: {  	s30 =	sld [smem:$0x0];
	_ =	sdelay $0x2  }
0xb9: {  	s31 =	sshll.u32 s1, $0xD;
	s1 =	sshrl.u32 s1, $0x2  }
0xba: {  	s3 =	sand.u32 $0x4000, s31;
	s1 =	sadd.s32 s1, s30  }
0xbb: {  	s0 =	sor.u32 s3, s0;
	s1 =	sshll.u32 s1, $0x11  }
0xbc: {  	s0 =	sor.u32 s1, s0  }
0xbd: {  	s0 =	sadd.s32 $0x8F2B, s0  }
0xbe: {  	[sflag:s0] =	ssyncadd.remote.s32 $0x1  }
0xbf: {  	_ =	sfence.sel $0xFFFF  }
0xc0: {  	[dreg:$0x0] =	wrdreg $0xFFFFFFFF;
	(pc) =	sbr.abs _section_cstart, $3  }
0xc1: {  	[dreg:$0x1] =	wrdreg $0xFFFFFFFF  }
0xc2: {  	_ =	task.clear_ibuf [dreg:s7], $0x2FFFF;
	_ =	strace $0x9FFFFFFF  }
0xc3: {  	(tm) =	ssettm $0x7FFFFFFF  }
tec
execute0_lowered:
.L_overlay_start_1:
0x0: {  	(tag) =	ssettag $0x1  }
0x1: {  	s1 =	rddreg [dreg:$0x0]  }
0x2: {  	s5 =	rddreg [dreg:$0x1]  }
0x3: {  	s2 =	rddreg [dreg:$0x2]  }
0x4: {  	s0 =	rddreg [dreg:$0x3]  }
0x5: {  	s3 =	simm.s32 $0x0;
	s6 =	srdreg.scid;
	s13 =	stileid.u32  }
0x6: {  	s21 =	simm.s32 $0x1;
	s22 =	simm.s32 $0x2;
	s23 =	simm.s32 $0x2700  }
0x7: {  	[smem:$0x7FF] =	sst s3;
	s8 =	sadd.s32 $0x6E00, s5;
	s9 =	sadd.s32 $0x1400, s5  }
0x8: {  	s4 =	sadd.s32 $0x10E00, s5;
	s10 =	sand.u32 $0x1, s6;
	s11 =	smul.u32 $0x2700, s13  }
0x9: {  	s7 =	sshll.u32 s13, $0x1;
	s14 =	smul.u32 $0x4E000, s13;
	s15 =	sadd.s32 $0x13600, s5  }
0xa: {  	s26 =	smul.u32 $0x500, s13;
	s28 =	sshll.u32 s13, $0x6;
	s18 =	sadd.s32 $0x138000, s2  }
0xb: {  	s19 =	smul.u32 $0x2800, s13;
	p0 =	sne.s32 s13, $0x0;
	_ =	strace $0x8000004A  }
0xc: {  	s6 =	sshll.u32 s10, $0x5;
	s12 =	ssub.s32 $0x2, s10;
	s20 =	smul.u32 $0x138800, s10  }
0xd: {  	s5 =	sor.u32 $0x1C03, s28;
	s10 =	smul.u32 $0x27100, s10;
	s6 =	sor.u32 s7, s6  }
0xe: {  	s24 =	sshrl.u32 s12, $0x1;
	s25 =	sshrl.u32 s14, $0x2;
	s29 =	sshrl.u32 s19, $0x3  }
0xf: {  	s14 =	simm.s32 $0x3;
	s19 =	simm.s32 $0x80;
	s7 =	smul.u32 $0x280, s6  }
0x10: {  	s12 =	ssub.s32 s12, s24;
	s16 =	sadd.s32 s25, s2;
	s17 =	smul.u32 $0x1400, s6  }
0x11: {  	s30 =	sshrl.u32 s20, $0x3;
	s10 =	sadd.s32 s11, s10;
	s20 =	simm.s32 $0x6800  }
0x12: {  	s24 =	simm.s32 $0x2780;
	s25 =	simm.s32 $0x0;
	s31 =	sadd.s32 s15, s30  }
0x13: {  	s10 =	sadd.s32 s15, s10;
	s12 =	smax.u32 s12, $0x1;
	s13 =	sshrl.u32 s16, $0x3  }
0x14: {  	s15 =	sshrl.u32 @!p0 s18, $0x3;
	s16 =	simm.s32 $0x1400;
	s18 =	simm.s32 $0x2800  }
0x15: {  	s6 =	sadd.s32 s8, s7;
	s17 =	sshrl.u32 s17, $0x3;
	s7 =	sadd.s32 s9, s26  }
0x16: {  	s9 =	sadd.s32 s9, s29;
	s11 =	sadd.s32 $0x27000, s31;
	s8 =	sadd.s32 s8, s17  }
0x17: {  	s9 =	sadd.s32 $0x280, s9;
	s17 =	simm.s32 $0x7D;
	s8 =	sadd.s32 $0x280, s8  }
.LBB2_1:
0x18: {  	[spmem:s13], [sflag:s5] =	dma.local [hbm:s4], $0x2700  }
0x19: {  	_ =	swait.ge [sflag:s14], $0x2700  }
0x1a: {  	[sflag:s14] =	ssyncset.done $0x0  }
0x1b: {  	s26 =	simm.s32 @!p0 $0x3;
	[sflag:s14] =	ssyncadd.s32 $0xFFFFD900  }
0x1c: {  	[spmem:s15], [sflag:s5] =	dma.local @!p0 [hbm:s4], $0x100  }
0x1d: {  	_ =	swait.ge @!p0 [sflag:s26], $0x100  }
0x1e: {  	[sflag:s26] =	ssyncset.done @!p0 $0x0  }
0x1f: {  	[sflag:s26] =	ssyncadd.s32 @!p0 $0xFFFFFF00  }
0x20: {  	[tilespmem:s3], [sflag:$0x3] =	stream.linear.gather [hbm4b:s6+s3], $0x1400, $0x38;
	[tilespmem:$0x1E080] =	vst v63  }
0x21: {  	_ =	swait.ge [sflag:s14], $0x1400  }
0x22: {  	[sflag:s14] =	ssyncset.done $0x0  }
0x23: {  	[sflag:s14] =	ssyncadd.s32 $0xFFFFEC00  }
0x24: {  	[tilespmem:s16], [sflag:$0x3] =	stream.linear.gather [hbm4b:s7+s3], $0x1400, $0x38;
	[tilespmem:$0x1E080] =	vst v63  }
0x25: {  	_ =	swait.ge [sflag:s14], $0x1400  }
0x26: {  	[sflag:s14] =	ssyncset.done $0x0  }
0x27: {  	[sflag:s14] =	ssyncadd.s32 $0xFFFFEC00  }
0x28: {  	[bflag:$0x0] =	sbarrier.arrive $0xFFFF  }
0x29: {  	[tilespmem:s18], [sflag:$0x1] =	stream.indirect.gather [hbm4b:s1+s17], $0x80, s3, s17, $0xb8;
	[tilespmem:$0x1E080] =	vst v63  }
0x2a: {  	_ = 	snop  }
0x2b: {  	[tilespmem:s20], [sflag:$0x2] =	stream.indirect.gather [hbm4b:s1+s17], $0x80, s19, s17, $0xb8;
	[tilespmem:$0x1E080] =	vst v63  }
0x2c: {  	_ =	swait.ge [sflag:s21], $0x3E80  }
0x2d: {  	[sflag:s21] =	ssyncset.done $0x0  }
0x2e: {  	s29 =	simm.s32 $0x1400;
	[sflag:s21] =	ssyncadd.s32 $0xFFFFC180  }
0x2f: {  	[spmem:s2] =	stream.indirect.scatter.add.f32 [tilespmem:s18], [sflag:$0x3], $0x80, s29, s17, $0xb8;
	[tilespmem:$0x1E080] =	vst v63  }
0x30: {  	_ =	swait.ge [sflag:s14], $0x3E80  }
0x31: {  	[sflag:s14] =	ssyncset.done $0x0  }
0x32: {  	s30 =	simm.s32 $0x100;
	[sflag:s14] =	ssyncadd.s32 $0xFFFFC180  }
0x33: {  	[tilespmem:s18], [sflag:$0x1] =	stream.indirect.gather [hbm4b:s1+s17], $0x80, s30, s17, $0xb8;
	[tilespmem:$0x1E080] =	vst v63  }
0x34: {  	_ =	swait.ge [sflag:s22], $0x3E80  }
0x35: {  	[sflag:s22] =	ssyncset.done $0x0  }
0x36: {  	s31 =	simm.s32 $0x1480;
	[sflag:s22] =	ssyncadd.s32 $0xFFFFC180  }
0x37: {  	[spmem:s2] =	stream.indirect.scatter.add.f32 [tilespmem:s20], [sflag:$0x3], $0x80, s31, s17, $0xb8;
	[tilespmem:$0x1E080] =	vst v63  }
0x38: {  	_ =	swait.ge [sflag:s14], $0x3E80  }
0x39: {  	[sflag:s14] =	ssyncset.done $0x0  }
0x3a: {  	s28 =	simm.s32 $0x180;
	s26 =	simm.s32 $0x400;
	[sflag:s14] =	ssyncadd.s32 $0xFFFFC180  }
.LBB2_2:
0x3b: {  	[tilespmem:s20], [sflag:$0x2] =	stream.indirect.gather [hbm4b:s1+s17], $0x80, s28, s17, $0xb8;
	[tilespmem:$0x1E080] =	vst v63  }
0x3c: {  	s28 =	smov.u32 s26  }
0x3d: {  	p1 =	sne.s32 s26, $0x4800;
	s26 =	sadd.s32 $0x400, s26;
	_ =	swait.ge [sflag:s21], $0x3E80  }
0x3e: {  	s28 =	sshra.s32 s28, $0x2;
	[sflag:s21] =	ssyncset.done $0x0  }
0x3f: {  	s29 =	sadd.s32 $0x1400, s28;
	[sflag:s21] =	ssyncadd.s32 $0xFFFFC180  }
0x40: {  	[spmem:s2] =	stream.indirect.scatter.add.f32 [tilespmem:s18], [sflag:$0x3], $0x80, s29, s17, $0xb8;
	[tilespmem:$0x1E080] =	vst v63  }
0x41: {  	_ =	swait.ge [sflag:s14], $0x3E80  }
0x42: {  	[sflag:s14] =	ssyncset.done $0x0  }
0x43: {  	s29 =	sadd.s32 $0x100, s28;
	[sflag:s14] =	ssyncadd.s32 $0xFFFFC180  }
0x44: {  	[tilespmem:s18], [sflag:$0x1] =	stream.indirect.gather [hbm4b:s1+s17], $0x80, s29, s17, $0xb8;
	[tilespmem:$0x1E080] =	vst v63  }
0x45: {  	_ =	swait.ge [sflag:s22], $0x3E80  }
0x46: {  	[sflag:s22] =	ssyncset.done $0x0  }
.Ltmp0:
0x47: {  	s29 =	sadd.s32 $0x1480, s28;
	[sflag:s22] =	ssyncadd.s32 $0xFFFFC180;
	(pc) =	sbr.rel @p1 .LBB2_2-.Ltmp0, $4  }
0x48: {  	[spmem:s2] =	stream.indirect.scatter.add.f32 [tilespmem:s20], [sflag:$0x3], $0x80, s29, s17, $0xb8;
	[tilespmem:$0x1E080] =	vst v63  }
0x49: {  	_ =	swait.ge [sflag:s14], $0x3E80  }
0x4a: {  	[sflag:s14] =	ssyncset.done $0x0  }
0x4b: {  	s28 =	sadd.s32 $0x180, s28;
	[sflag:s14] =	ssyncadd.s32 $0xFFFFC180  }
0x4c: {  	[tilespmem:s20], [sflag:$0x2] =	stream.indirect.gather [hbm4b:s1+s17], $0x80, s28, s17, $0xb8;
	[tilespmem:$0x1E080] =	vst v63  }
0x4d: {  	_ =	swait.ge [sflag:s21], $0x3E80  }
0x4e: {  	[sflag:s21] =	ssyncset.done $0x0  }
0x4f: {  	[sflag:s21] =	ssyncadd.s32 $0xFFFFC180  }
0x50: {  	[spmem:s2] =	stream.indirect.scatter.add.f32 [tilespmem:s18], [sflag:$0x3], $0x80, s23, s17, $0xb8;
	[tilespmem:$0x1E080] =	vst v63  }
0x51: {  	_ =	swait.ge [sflag:s14], $0x3E80  }
0x52: {  	[sflag:s14] =	ssyncset.done $0x0  }
0x53: {  	[sflag:s14] =	ssyncadd.s32 $0xFFFFC180  }
0x54: {  	_ =	swait.ge [sflag:s22], $0x3E80  }
0x55: {  	[sflag:s22] =	ssyncset.done $0x0  }
0x56: {  	[sflag:s22] =	ssyncadd.s32 $0xFFFFC180  }
0x57: {  	[spmem:s2] =	stream.indirect.scatter.add.f32 [tilespmem:s20], [sflag:$0x3], $0x80, s24, s17, $0xb8;
	[tilespmem:$0x1E080] =	vst v63  }
0x58: {  	_ =	swait.ge [sflag:s14], $0x3E80  }
0x59: {  	[sflag:s14] =	ssyncset.done $0x0  }
0x5a: {  	s26 =	simm.s32 $0x0;
	[sflag:s14] =	ssyncadd.s32 $0xFFFFC180  }
0x5b: {  	[tilespmem:s26], [sflag:$0x3] =	stream.linear.gather [hbm4b:s8+s26], $0x1400, $0x38;
	[tilespmem:$0x1E080] =	vst v63  }
0x5c: {  	_ =	swait.ge [sflag:s14], $0x1400  }
0x5d: {  	[sflag:s14] =	ssyncset.done $0x0  }
0x5e: {  	[sflag:s14] =	ssyncadd.s32 $0xFFFFEC00  }
0x5f: {  	[tilespmem:s16], [sflag:$0x3] =	stream.linear.gather [hbm4b:s9+s26], $0x1400, $0x38;
	[tilespmem:$0x1E080] =	vst v63  }
0x60: {  	_ =	swait.ge [sflag:s14], $0x1400  }
0x61: {  	[sflag:s14] =	ssyncset.done $0x0  }
0x62: {  	[sflag:s14] =	ssyncadd.s32 $0xFFFFEC00  }
0x63: {  	[tilespmem:s18], [sflag:$0x1] =	stream.indirect.gather [hbm4b:s1+s17], $0x80, s26, s17, $0xb8;
	[tilespmem:$0x1E080] =	vst v63  }
0x64: {  	_ = 	snop  }
0x65: {  	[tilespmem:s20], [sflag:$0x2] =	stream.indirect.gather [hbm4b:s1+s17], $0x80, s19, s17, $0xb8;
	[tilespmem:$0x1E080] =	vst v63  }
0x66: {  	_ =	swait.ge [sflag:s21], $0x3E80  }
0x67: {  	[sflag:s21] =	ssyncset.done $0x0  }
0x68: {  	s29 =	simm.s32 $0x1400;
	[sflag:s21] =	ssyncadd.s32 $0xFFFFC180  }
0x69: {  	[spmem:s2] =	stream.indirect.scatter.add.f32 [tilespmem:s18], [sflag:$0x3], $0x80, s29, s17, $0xb8;
	[tilespmem:$0x1E080] =	vst v63  }
0x6a: {  	_ =	swait.ge [sflag:s14], $0x3E80  }
0x6b: {  	[sflag:s14] =	ssyncset.done $0x0  }
0x6c: {  	s30 =	simm.s32 $0x100;
	[sflag:s14] =	ssyncadd.s32 $0xFFFFC180  }
0x6d: {  	[tilespmem:s18], [sflag:$0x1] =	stream.indirect.gather [hbm4b:s1+s17], $0x80, s30, s17, $0xb8;
	[tilespmem:$0x1E080] =	vst v63  }
0x6e: {  	_ =	swait.ge [sflag:s22], $0x3E80  }
0x6f: {  	[sflag:s22] =	ssyncset.done $0x0  }
0x70: {  	s31 =	simm.s32 $0x1480;
	[sflag:s22] =	ssyncadd.s32 $0xFFFFC180  }
0x71: {  	[spmem:s2] =	stream.indirect.scatter.add.f32 [tilespmem:s20], [sflag:$0x3], $0x80, s31, s17, $0xb8;
	[tilespmem:$0x1E080] =	vst v63  }
0x72: {  	_ =	swait.ge [sflag:s14], $0x3E80  }
0x73: {  	[sflag:s14] =	ssyncset.done $0x0  }
0x74: {  	s28 =	simm.s32 $0x180;
	s26 =	simm.s32 $0x400;
	[sflag:s14] =	ssyncadd.s32 $0xFFFFC180  }
.LBB2_4:
0x75: {  	[tilespmem:s20], [sflag:$0x2] =	stream.indirect.gather [hbm4b:s1+s17], $0x80, s28, s17, $0xb8;
	[tilespmem:$0x1E080] =	vst v63  }
0x76: {  	s28 =	smov.u32 s26  }
0x77: {  	p1 =	sne.s32 s26, $0x4800;
	s26 =	sadd.s32 $0x400, s26;
	_ =	swait.ge [sflag:s21], $0x3E80  }
0x78: {  	s28 =	sshra.s32 s28, $0x2;
	[sflag:s21] =	ssyncset.done $0x0  }
0x79: {  	s29 =	sadd.s32 $0x1400, s28;
	[sflag:s21] =	ssyncadd.s32 $0xFFFFC180  }
0x7a: {  	[spmem:s2] =	stream.indirect.scatter.add.f32 [tilespmem:s18], [sflag:$0x3], $0x80, s29, s17, $0xb8;
	[tilespmem:$0x1E080] =	vst v63  }
0x7b: {  	_ =	swait.ge [sflag:s14], $0x3E80  }
0x7c: {  	[sflag:s14] =	ssyncset.done $0x0  }
0x7d: {  	s29 =	sadd.s32 $0x100, s28;
	[sflag:s14] =	ssyncadd.s32 $0xFFFFC180  }
0x7e: {  	[tilespmem:s18], [sflag:$0x1] =	stream.indirect.gather [hbm4b:s1+s17], $0x80, s29, s17, $0xb8;
	[tilespmem:$0x1E080] =	vst v63  }
0x7f: {  	_ =	swait.ge [sflag:s22], $0x3E80  }
0x80: {  	[sflag:s22] =	ssyncset.done $0x0  }
.Ltmp1:
0x81: {  	s29 =	sadd.s32 $0x1480, s28;
	[sflag:s22] =	ssyncadd.s32 $0xFFFFC180;
	(pc) =	sbr.rel @p1 .LBB2_4-.Ltmp1, $4  }
0x82: {  	[spmem:s2] =	stream.indirect.scatter.add.f32 [tilespmem:s20], [sflag:$0x3], $0x80, s29, s17, $0xb8;
	[tilespmem:$0x1E080] =	vst v63  }
0x83: {  	_ =	swait.ge [sflag:s14], $0x3E80  }
0x84: {  	[sflag:s14] =	ssyncset.done $0x0  }
0x85: {  	s28 =	sadd.s32 $0x180, s28;
	[sflag:s14] =	ssyncadd.s32 $0xFFFFC180  }
0x86: {  	[tilespmem:s20], [sflag:$0x2] =	stream.indirect.gather [hbm4b:s1+s17], $0x80, s28, s17, $0xb8;
	[tilespmem:$0x1E080] =	vst v63  }
0x87: {  	_ =	swait.ge [sflag:s21], $0x3E80  }
0x88: {  	[sflag:s21] =	ssyncset.done $0x0  }
0x89: {  	[sflag:s21] =	ssyncadd.s32 $0xFFFFC180  }
0x8a: {  	[spmem:s2] =	stream.indirect.scatter.add.f32 [tilespmem:s18], [sflag:$0x3], $0x80, s23, s17, $0xb8;
	[tilespmem:$0x1E080] =	vst v63  }
0x8b: {  	_ =	swait.ge [sflag:s14], $0x3E80  }
0x8c: {  	[sflag:s14] =	ssyncset.done $0x0  }
0x8d: {  	[sflag:s14] =	ssyncadd.s32 $0xFFFFC180  }
0x8e: {  	_ =	swait.ge [sflag:s22], $0x3E80  }
0x8f: {  	[sflag:s22] =	ssyncset.done $0x0  }
0x90: {  	[sflag:s22] =	ssyncadd.s32 $0xFFFFC180  }
0x91: {  	[spmem:s2] =	stream.indirect.scatter.add.f32 [tilespmem:s20], [sflag:$0x3], $0x80, s24, s17, $0xb8;
	[tilespmem:$0x1E080] =	vst v63  }
0x92: {  	_ =	swait.ge [sflag:s14], $0x3E80  }
0x93: {  	[sflag:s14] =	ssyncset.done $0x0  }
0x94: {  	[sflag:s14] =	ssyncadd.s32 $0xFFFFC180  }
0x95: {  	[bflag:$0x0] =	sbarrier.arrive $0xFFFF  }
0x96: {  	[hbm:s10], [sflag:s5] =	dma.local [spmem:s13], $0x2700  }
0x97: {  	s25 =	sadd.s32 $0x1, s25;
	_ =	swait.ge [sflag:s14], $0x2700  }
0x98: {  	p1 =	sne.s32 s25, s12;
	[sflag:s14] =	ssyncset.done $0x0  }
.Ltmp2:
0x99: {  	s26 =	simm.s32 @!p0 $0x3;
	[sflag:s14] =	ssyncadd.s32 $0xFFFFD900;
	(pc) =	sbr.rel @p1 .LBB2_1-.Ltmp2, $4  }
0x9a: {  	[hbm:s11], [sflag:s5] =	dma.local @!p0 [spmem:s15], $0x100  }
0x9b: {  	_ =	swait.ge @!p0 [sflag:s26], $0x100  }
0x9c: {  	[sflag:s26] =	ssyncset.done @!p0 $0x0  }
0x9d: {  	[sflag:s26] =	ssyncadd.s32 @!p0 $0xFFFFFF00  }
0x9e: {  	_ =	sfence.sel $0x180000  }
0x9f: {  	[bflag:$0x0] =	sbarrier.arrive $0xFFFF  }
0xa0: {  	_ =	strace $0x9000004A  }
0xa1: {  	s0 =	sadd.s32 @!p0 $0x100000, s0;
	[bflag:$0x2] =	sbarrier.arrive $0xFFFF  }
0xa2: {  	[sflag:s0] =	ssyncadd.tile.s32 @!p0 $0x1;
	_ =	shalt  }
.Lfunc_end2:
_tile_overlayer_lowered:
.L_overlay_start_2:
0xa3: {  	(tag) =	ssettag $0x2  }
0xa4: {  	s0 =	rddreg [dreg:$0x0];
	s2 =	stileid.u32  }
0xa5: {  	s1 =	rddreg [dreg:$0x1];
	p0 =	sne.s32 s2, $0x0  }
0xa6: {  	s3 =	rddreg [dreg:$0x2];
	[bflag:$0x3] =	sbarrier.arrive $0xFFFF;
	s2 =	simm.s32 @!p0 $0x1C03  }
0xa7: {  	[timem:s3], [sflag:s2] =	dma.local @!p0 [hbm:s0], s1  }
0xa8: {  	s0 =	simm.s32 @!p0 $0x3  }
0xa9: {  	_ =	swait.ge @!p0 [sflag:s0], s1  }
0xaa: {  	s1 =	ssub.s32 @!p0 $0x0, s1;
	[sflag:s0] =	ssyncset.done @!p0 $0x0  }
0xab: {  	[sflag:s0] =	ssyncadd.s32 @!p0 s1  }
0xac: {  	[bflag:$0x3] =	sbarrier.arrive $0xFFFF  }
0xad: {  	_ =	shalt  }

// kernel: kernel.14.cloned.1.call-start
scs
__scs_entry_jumppad:
0x0: {  	(pc) =	sbr.rel $0x88, $3  }
0x1: {  	(tag) =	ssettag $0x0;
	lr =	simm.s32 $0x1  }
0x2: {  	[smem:$0x3F9B] =	sst lr;
	_ =	strace $0xD0000000  }
0x3: {  	_ = 	snop  }
0x4: {  	_ = 	snop  }
0x5: {  	_ = 	snop  }
0x6: {  	_ = 	snop  }
0x7: {  	_ = 	snop  }
__scs_overlays_trampoline_lowered:
0x8: {  	[smem:$0x3FAA] =	sst s0  }
0x9: {  	[smem:$0x3FAB] =	sst s1  }
0xa: {  	[smem:$0x3FAC] =	sst s2  }
0xb: {  	[smem:$0x3FAD] =	sst s3  }
0xc: {  	[smem:$0x3FAE] =	sst s4  }
0xd: {  	[smem:$0x3FAF] =	sst s5  }
0xe: {  	[smem:$0x3FB0] =	sst s6  }
0xf: {  	[smem:$0x3FB1] =	sst s7  }
0x10: {  	[smem:$0x3FB2] =	sst s8  }
0x11: {  	[smem:$0x3FB3] =	sst s9;
	s0 =	simm.s32 @!p0 $0x0  }
0x12: {  	s1 =	sld [smem:$0x3F99];
	s0 =	simm.s32 @p0 $0x1  }
0x13: {  	[smem:$0x3FB4] =	sst s0;
	s0 =	simm.s32 @!p1 $0x0  }
0x14: {  	s2 =	sld [smem:$0x3F98];
	s0 =	simm.s32 @p1 $0x1  }
0x15: {  	[smem:$0x3FB5] =	sst s0;
	s0 =	simm.s32 @!p2 $0x0  }
0x16: {  	s3 =	sld [smem:$0x3FDB];
	s0 =	simm.s32 @p2 $0x1  }
0x17: {  	s4 =	simm.s32 $0x1BF5;
	[smem:$0x3FB7] =	sst s0  }
0x18: {  	s0 =	sld [smem:$0x3F9A];
	_ =	swait.ge [sflag:s4], $0x0  }
0x19: {  	s7 =	sld [smem:$0x3F9B]  }
0x1a: {  	s8 =	sadd.s32 $0xFFFFE003, lr  }
0x1b: {  	s9 =	sadd.s32 $0xFFFFFEF7, lr;
	s5 =	simm.s32 $0xFFFFFFFF;
	p2 =	slt.u32 s8, $0xFFFFF086  }
0x1c: {  	p1 =	slt.u32 s9, $0xF7A;
	s5 =	simm.s32 @!p2 $0x0  }
0x1d: {  	s5 =	simm.s32 @p1 $0x1;
	p0 =	seq.s32 s7, s2  }
0x1e: {  	s7 =	smul.u32 @!p0 $0xF7A, s2;
	p2 =	seq.s32 @!p0 s5, $0x0  }
0x1f: {  	s9 =	smul.u32 $0xF7A, s1;
	s8 =	simm.s32 @!p0 $0x1BF5;
	p2 =	por !p2, p0  }
0x20: {  	[sflag:s8] =	ssyncset.s32 @!p0 $0xFFFFF086;
	s6 =	sadd.s32 @!p0 s3, s7;
	s7 =	simm.s32 @!p0 $0x108  }
0x21: {  	s3 =	sadd.s32 s3, s9;
	s6 =	sadd.s32 @!p0 $0x88, s6;
	s7 =	simm.s32 @p2 $0x1082  }
0x22: {  	[simem:s7], [sflag:s8] =	dma.local @!p0 [hbm:s6], $0xF7A  }
0x23: {  	s9 =	sor.u32 $0xD0000000, s2;
	s6 =	simm.s32 $0x108;
	_ =	swait.ge @!p0 [sflag:s8], $0x0  }
0x24: {  	s3 =	sadd.s32 $0x88, s3;
	s6 =	simm.s32 @!p1 $0x1082;
	[sflag:s4] =	ssyncset.s32 $0xFFFFF086  }
0x25: {  	[simem:s6], [sflag:s4] =	dma.local [hbm:s3], $0xF7A  }
0x26: {  	[smem:$0x3F9B] =	sst s1;
	(tag) =	ssettag s2;
	_ =	strace s9  }
0x27: {  	s1 =	sld [smem:$0x3FAB]  }
0x28: {  	s2 =	sld [smem:$0x3FAC]  }
0x29: {  	s4 =	sld [smem:$0x3FAE]  }
0x2a: {  	p0 =	seq.s32 s5, $0x0;
	s5 =	sld [smem:$0x3FAF]  }
0x2b: {  	s6 =	sld [smem:$0x3FB0]  }
0x2c: {  	s7 =	sld [smem:$0x3FB1]  }
0x2d: {  	s3 =	simm.s32 $0x108;
	s8 =	sld [smem:$0x3FB2]  }
0x2e: {  	s3 =	simm.s32 @!p0 $0x1082;
	s9 =	sld [smem:$0x3FB3]  }
0x2f: {  	lr =	sadd.s32 s0, s3;
	s0 =	sld [smem:$0x3FAA]  }
0x30: {  	s3 =	sld [smem:$0x3FAD]  }
0x31: {  	[smem:$0x3FB6] =	sst s10  }
0x32: {  	s10 =	sld [smem:$0x3FB4];
	_ =	sdelay $0x3  }
0x33: {  	p0 =	seq.s32 s10, $0x1;
	s10 =	sld [smem:$0x3FB6];
	_ =	sdelay $0x3  }
0x34: {  	[smem:$0x3FB6] =	sst s10  }
0x35: {  	s10 =	sld [smem:$0x3FB5];
	_ =	sdelay $0x3  }
0x36: {  	p1 =	seq.s32 s10, $0x1;
	s10 =	sld [smem:$0x3FB6];
	_ =	sdelay $0x3  }
0x37: {  	[smem:$0x3FB6] =	sst s10  }
0x38: {  	s10 =	sld [smem:$0x3FB7]  }
0x39: {  	_ = 	snop;
	(pc) =	sbr.ind lr, $3  }
0x3a: {  	_ = 	snop  }
0x3b: {  	_ = 	snop  }
0x3c: {  	p2 =	seq.s32 s10, $0x1;
	s10 =	sld [smem:$0x3FB6]  }
0x3d: {  	_ =	shalt  }
0x3e: {  	_ =	shalt  }
0x3f: {  	_ =	shalt  }
0x40: {  	_ =	shalt  }
0x41: {  	_ =	shalt  }
0x42: {  	_ =	shalt  }
0x43: {  	_ =	shalt  }
0x44: {  	_ =	shalt  }
0x45: {  	_ =	shalt  }
0x46: {  	_ =	shalt  }
0x47: {  	_ =	shalt  }
0x48: {  	_ =	shalt  }
0x49: {  	_ =	shalt  }
0x4a: {  	_ =	shalt  }
0x4b: {  	_ =	shalt  }
0x4c: {  	_ =	shalt  }
0x4d: {  	_ =	shalt  }
0x4e: {  	_ =	shalt  }
0x4f: {  	_ =	shalt  }
0x50: {  	_ =	shalt  }
0x51: {  	_ =	shalt  }
0x52: {  	_ =	shalt  }
0x53: {  	_ =	shalt  }
0x54: {  	_ =	shalt  }
0x55: {  	_ =	shalt  }
0x56: {  	_ =	shalt  }
0x57: {  	_ =	shalt  }
0x58: {  	_ =	shalt  }
0x59: {  	_ =	shalt  }
0x5a: {  	_ =	shalt  }
0x5b: {  	_ =	shalt  }
0x5c: {  	_ =	shalt  }
0x5d: {  	_ =	shalt  }
0x5e: {  	_ =	shalt  }
0x5f: {  	_ =	shalt  }
0x60: {  	_ =	shalt  }
0x61: {  	_ =	shalt  }
0x62: {  	_ =	shalt  }
0x63: {  	_ =	shalt  }
0x64: {  	_ =	shalt  }
0x65: {  	_ =	shalt  }
0x66: {  	_ =	shalt  }
0x67: {  	_ =	shalt  }
0x68: {  	_ =	shalt  }
0x69: {  	_ =	shalt  }
0x6a: {  	_ =	shalt  }
0x6b: {  	_ =	shalt  }
0x6c: {  	_ =	shalt  }
0x6d: {  	_ =	shalt  }
0x6e: {  	_ =	shalt  }
0x6f: {  	_ =	shalt  }
0x70: {  	_ =	shalt  }
0x71: {  	_ =	shalt  }
0x72: {  	_ =	shalt  }
0x73: {  	_ =	shalt  }
0x74: {  	_ =	shalt  }
0x75: {  	_ =	shalt  }
0x76: {  	_ =	shalt  }
0x77: {  	_ =	shalt  }
0x78: {  	_ =	shalt  }
0x79: {  	_ =	shalt  }
0x7a: {  	_ =	shalt  }
0x7b: {  	_ =	shalt  }
0x7c: {  	_ =	shalt  }
0x7d: {  	_ =	shalt  }
0x7e: {  	_ =	shalt  }
0x7f: {  	_ =	shalt  }
0x80: {  	_ =	shalt  }
0x81: {  	_ =	shalt  }
0x82: {  	_ =	shalt  }
0x83: {  	_ =	shalt  }
0x84: {  	_ =	shalt  }
0x85: {  	_ =	shalt  }
0x86: {  	_ =	shalt  }
0x87: {  	_ =	shalt  }
.Lfunc_end0:
.L_simem_size_0:
called_computation.2_lowered:
.L_overlay_start_0:
0x88: {  	s2 =	sld [smem:$0x3FD9]  }
0x89: {  	s3 =	sld [smem:$0x3FFE];
	_ =	sdelay $0x1  }
0x8a: {  	s1 =	srdreg.scid  }
0x8b: {  	s0 =	sand.u32 $0x1, s1  }
0x8c: {  	s17 =	sshll.u32 s0, $0xA;
	s2 =	sadd.s32 s3, s2  }
0x8d: {  	s2 =	sadd.s32 s2, s17  }
0x8e: {  	[smem:$0x3FC2] =	sst s2  }
0x8f: {  	_ = 	snop  }
0x90: {  	s2 =	sld [smem:$0x3FD0];
	(tm) =	ssettm $0x1  }
0x91: {  	s18 =	sld [smem:$0x3FFB];
	_ =	sdelay $0x3  }
0x92: {  	_ =	strace s18  }
0x93: {  	s3 =	sld [smem:$0x3FFC];
	_ =	sdelay $0x3  }
0x94: {  	_ =	strace s3  }
0x95: {  	s3 =	sld [smem:$0x3FFD];
	_ =	sdelay $0x3  }
0x96: {  	_ =	strace s3  }
0x97: {  	_ =	strace $0x8FFFFFFF  }
0x98: {  	s19 =	sld [smem:$0x3FDB];
	_ =	sdelay $0x1  }
0x99: {  	s4 =	simm.s32 $_scs_section_size  }
0x9a: {  	s5 =	simm.s32 $_size__tile_overlayer_lowered;
	s6 =	simm.s32 $_tile_overlayer_lowered  }
0x9b: {  	s22 =	simm.s32 $0x1BFF;
	s21 =	sshll.u32 s6, $0x1;
	s3 =	sadd.s32 s4, s19  }
0x9c: {  	s7 =	simm.s32 $0x0;
	s20 =	sshll.u32 s5, $0x1;
	s5 =	sadd.s32 s21, s3  }
0x9d: {  	[timem:s7], [sflag:s22] =	dma.local [hbm:s5], s20  }
0x9e: {  	_ =	swait.ge [sflag:s22], s20  }
0x9f: {  	s4 =	ssub.s32 $0x0, s20;
	[sflag:s22] =	ssyncset.done $0x0  }
0xa0: {  	[sflag:s22] =	ssyncadd.s32 s4;
	_ =	sdelay $0x1  }
0xa1: {  	s23 =	simm.s32 $0x1B8B  }
0xa2: {  	_ =	swait.ge [sflag:s23], $0x1  }
0xa3: {  	[sflag:s23] =	ssyncset.done $0x0  }
0xa4: {  	s25 =	simm.s32 $0x1B8E;
	s24 =	sld [smem:$0x3FFE];
	[sflag:s23] =	ssyncadd.s32 $0xFFFFFFFF  }
0xa5: {  	s26 =	simm.s32 $execute0_lowered;
	[smem:$0x3FD2] =	sst s25  }
0xa6: {  	s5 =	sshll.u32 s26, $0x1;
	_ =	strace $0x8000004C;
	[dreg:$0x1] =	wrdreg $0xFFFFFFFF  }
0xa7: {  	s28 =	simm.s32 $_size_execute0_lowered;
	s3 =	sadd.s32 s3, s5;
	[dreg:$0x0] =	wrdreg $0x0  }
0xa8: {  	s5 =	sshll.u32 s28, $0x1;
	[dreg:$0x2] =	wrdreg s3  }
0xa9: {  	[dreg:$0x3] =	wrdreg s5  }
0xaa: {  	[dreg:$0x4] =	wrdreg $0xC0  }
0xab: {  	_ =	task [dreg:s7], $0x5FFFF  }
0xac: {  	[dreg:$0x1] =	wrdreg $0xFFFFFFFF  }
0xad: {  	[dreg:$0x0] =	wrdreg $0x60  }
0xae: {  	[dreg:$0x2] =	wrdreg s24  }
0xaf: {  	[dreg:$0x3] =	wrdreg s2  }
0xb0: {  	[dreg:$0x4] =	wrdreg $0xA8000  }
0xb1: {  	[dreg:$0x5] =	wrdreg $0x9  }
0xb2: {  	_ =	task.clear_ibuf [dreg:s7], $0x6FFFF;
	_ =	strace $0x9000004C  }
0xb3: {  	s29 =	simm.s32 $0x9;
	_ =	strace $0x8000004E  }
0xb4: {  	_ =	swait.ge [sflag:s29], $0x1  }
0xb5: {  	[sflag:s29] =	ssyncadd.s32 $0xFFFFFFFF  }
0xb6: {  	_ =	strace $0x9000004E  }
0xb7: {  	_ =	sfence  }
0xb8: {  	s30 =	sld [smem:$0x0];
	_ =	sdelay $0x2  }
0xb9: {  	s31 =	sshll.u32 s1, $0xD;
	s1 =	sshrl.u32 s1, $0x2  }
0xba: {  	s3 =	sand.u32 $0x4000, s31;
	s1 =	sadd.s32 s1, s30  }
0xbb: {  	s0 =	sor.u32 s3, s0;
	s1 =	sshll.u32 s1, $0x11  }
0xbc: {  	s0 =	sor.u32 s1, s0  }
0xbd: {  	s0 =	sadd.s32 $0x8F2B, s0  }
0xbe: {  	[sflag:s0] =	ssyncadd.remote.s32 $0x1  }
0xbf: {  	_ =	sfence.sel $0xFFFF  }
0xc0: {  	[dreg:$0x0] =	wrdreg $0xFFFFFFFF;
	(pc) =	sbr.abs _section_cstart, $3  }
0xc1: {  	[dreg:$0x1] =	wrdreg $0xFFFFFFFF  }
0xc2: {  	_ =	task.clear_ibuf [dreg:s7], $0x2FFFF;
	_ =	strace $0x9FFFFFFF  }
0xc3: {  	(tm) =	ssettm $0x7FFFFFFF  }
tec
execute0_lowered:
.L_overlay_start_1:
0x0: {  	(tag) =	ssettag $0x1  }
0x1: {  	s4 =	rddreg [dreg:$0x0]  }
0x2: {  	s10 =	rddreg [dreg:$0x1]  }
0x3: {  	s1 =	rddreg [dreg:$0x2]  }
0x4: {  	s0 =	rddreg [dreg:$0x3]  }
0x5: {  	s2 =	simm.s32 $0x0;
	s5 =	srdreg.scid;
	s13 =	stileid.u32  }
0x6: {  	s20 =	simm.s32 $0x6800;
	s21 =	simm.s32 $0x1;
	s22 =	simm.s32 $0x2  }
0x7: {  	[smem:$0x7FF] =	sst s2;
	s3 =	sadd.s32 $0x13600, s4;
	s8 =	sadd.s32 $0x6E00, s4  }
0x8: {  	s9 =	sadd.s32 $0x1400, s4;
	s11 =	sand.u32 $0x1, s5;
	s12 =	smul.u32 $0x2700, s13  }
0x9: {  	s6 =	sshll.u32 s13, $0x1;
	s14 =	smul.u32 $0x4E000, s13;
	s4 =	sadd.s32 $0x10E00, s4  }
0xa: {  	s25 =	smul.u32 $0x500, s13;
	s26 =	sshll.u32 s13, $0x6;
	s18 =	sadd.s32 $0x138000, s1  }
0xb: {  	s19 =	smul.u32 $0x2800, s13;
	p0 =	sne.s32 s13, $0x0;
	_ =	strace $0x8000004D  }
0xc: {  	s5 =	sshll.u32 s11, $0x5;
	s7 =	ssub.s32 $0x2, s11;
	s29 =	smul.u32 $0x138800, s11  }
0xd: {  	s11 =	smul.u32 $0x27100, s11;
	s5 =	sor.u32 s6, s5;
	s23 =	sshrl.u32 s7, $0x1  }
0xe: {  	s24 =	sshrl.u32 s14, $0x2;
	s30 =	sshrl.u32 s19, $0x3;
	s19 =	simm.s32 $0x80  }
0xf: {  	s15 =	smul.u32 $0x280, s5;
	s16 =	ssub.s32 s7, s23;
	s14 =	sadd.s32 s24, s1  }
0x10: {  	s17 =	smul.u32 $0x1400, s5;
	s5 =	sor.u32 $0x1C03, s26;
	s7 =	sadd.s32 s9, s25  }
0x11: {  	s9 =	sadd.s32 s9, s30;
	s11 =	sadd.s32 s12, s11;
	s23 =	simm.s32 $0x2700  }
0x12: {  	s24 =	simm.s32 $0x2780;
	s25 =	simm.s32 $0x0;
	s9 =	sadd.s32 $0x280, s9  }
0x13: {  	s12 =	smax.u32 s16, $0x1;
	s13 =	sshrl.u32 s14, $0x3;
	s14 =	simm.s32 $0x3  }
0x14: {  	s16 =	simm.s32 $0x1400;
	s6 =	sadd.s32 s8, s15;
	s28 =	sshrl.u32 s17, $0x3  }
0x15: {  	s17 =	sshrl.u32 s29, $0x3;
	s15 =	sshrl.u32 @!p0 s18, $0x3;
	s18 =	simm.s32 $0x2800  }
0x16: {  	s8 =	sadd.s32 s8, s28;
	s31 =	sadd.s32 s10, s17;
	s10 =	sadd.s32 s10, s11  }
0x17: {  	s17 =	simm.s32 $0x7D;
	s8 =	sadd.s32 $0x280, s8;
	s11 =	sadd.s32 $0x27000, s31  }
.LBB2_1:
0x18: {  	[spmem:s13], [sflag:s5] =	dma.local [hbm:s4], $0x2700  }
0x19: {  	_ =	swait.ge [sflag:s14], $0x2700  }
0x1a: {  	[sflag:s14] =	ssyncset.done $0x0  }
0x1b: {  	s26 =	simm.s32 @!p0 $0x3;
	[sflag:s14] =	ssyncadd.s32 $0xFFFFD900  }
0x1c: {  	[spmem:s15], [sflag:s5] =	dma.local @!p0 [hbm:s4], $0x100  }
0x1d: {  	_ =	swait.ge @!p0 [sflag:s26], $0x100  }
0x1e: {  	[sflag:s26] =	ssyncset.done @!p0 $0x0  }
0x1f: {  	[sflag:s26] =	ssyncadd.s32 @!p0 $0xFFFFFF00  }
0x20: {  	[tilespmem:s2], [sflag:$0x3] =	stream.linear.gather [hbm4b:s6+s2], $0x1400, $0x38;
	[tilespmem:$0x1E080] =	vst v63  }
0x21: {  	_ =	swait.ge [sflag:s14], $0x1400  }
0x22: {  	[sflag:s14] =	ssyncset.done $0x0  }
0x23: {  	[sflag:s14] =	ssyncadd.s32 $0xFFFFEC00  }
0x24: {  	[tilespmem:s16], [sflag:$0x3] =	stream.linear.gather [hbm4b:s7+s2], $0x1400, $0x38;
	[tilespmem:$0x1E080] =	vst v63  }
0x25: {  	_ =	swait.ge [sflag:s14], $0x1400  }
0x26: {  	[sflag:s14] =	ssyncset.done $0x0  }
0x27: {  	[sflag:s14] =	ssyncadd.s32 $0xFFFFEC00  }
0x28: {  	[bflag:$0x0] =	sbarrier.arrive $0xFFFF  }
0x29: {  	[tilespmem:s18], [sflag:$0x1] =	stream.indirect.gather [hbm4b:s3+s17], $0x80, s2, s17, $0xb8;
	[tilespmem:$0x1E080] =	vst v63  }
0x2a: {  	_ = 	snop  }
0x2b: {  	[tilespmem:s20], [sflag:$0x2] =	stream.indirect.gather [hbm4b:s3+s17], $0x80, s19, s17, $0xb8;
	[tilespmem:$0x1E080] =	vst v63  }
0x2c: {  	_ =	swait.ge [sflag:s21], $0x3E80  }
0x2d: {  	[sflag:s21] =	ssyncset.done $0x0  }
0x2e: {  	s29 =	simm.s32 $0x1400;
	[sflag:s21] =	ssyncadd.s32 $0xFFFFC180  }
0x2f: {  	[spmem:s1] =	stream.indirect.scatter.add.f32 [tilespmem:s18], [sflag:$0x3], $0x80, s29, s17, $0xb8;
	[tilespmem:$0x1E080] =	vst v63  }
0x30: {  	_ =	swait.ge [sflag:s14], $0x3E80  }
0x31: {  	[sflag:s14] =	ssyncset.done $0x0  }
0x32: {  	s30 =	simm.s32 $0x100;
	[sflag:s14] =	ssyncadd.s32 $0xFFFFC180  }
0x33: {  	[tilespmem:s18], [sflag:$0x1] =	stream.indirect.gather [hbm4b:s3+s17], $0x80, s30, s17, $0xb8;
	[tilespmem:$0x1E080] =	vst v63  }
0x34: {  	_ =	swait.ge [sflag:s22], $0x3E80  }
0x35: {  	[sflag:s22] =	ssyncset.done $0x0  }
0x36: {  	s31 =	simm.s32 $0x1480;
	[sflag:s22] =	ssyncadd.s32 $0xFFFFC180  }
0x37: {  	[spmem:s1] =	stream.indirect.scatter.add.f32 [tilespmem:s20], [sflag:$0x3], $0x80, s31, s17, $0xb8;
	[tilespmem:$0x1E080] =	vst v63  }
0x38: {  	_ =	swait.ge [sflag:s14], $0x3E80  }
0x39: {  	[sflag:s14] =	ssyncset.done $0x0  }
0x3a: {  	s28 =	simm.s32 $0x180;
	s26 =	simm.s32 $0x400;
	[sflag:s14] =	ssyncadd.s32 $0xFFFFC180  }
.LBB2_2:
0x3b: {  	[tilespmem:s20], [sflag:$0x2] =	stream.indirect.gather [hbm4b:s3+s17], $0x80, s28, s17, $0xb8;
	[tilespmem:$0x1E080] =	vst v63  }
0x3c: {  	s28 =	smov.u32 s26  }
0x3d: {  	p1 =	sne.s32 s26, $0x4800;
	s26 =	sadd.s32 $0x400, s26;
	_ =	swait.ge [sflag:s21], $0x3E80  }
0x3e: {  	s28 =	sshra.s32 s28, $0x2;
	[sflag:s21] =	ssyncset.done $0x0  }
0x3f: {  	s29 =	sadd.s32 $0x1400, s28;
	[sflag:s21] =	ssyncadd.s32 $0xFFFFC180  }
0x40: {  	[spmem:s1] =	stream.indirect.scatter.add.f32 [tilespmem:s18], [sflag:$0x3], $0x80, s29, s17, $0xb8;
	[tilespmem:$0x1E080] =	vst v63  }
0x41: {  	_ =	swait.ge [sflag:s14], $0x3E80  }
0x42: {  	[sflag:s14] =	ssyncset.done $0x0  }
0x43: {  	s29 =	sadd.s32 $0x100, s28;
	[sflag:s14] =	ssyncadd.s32 $0xFFFFC180  }
0x44: {  	[tilespmem:s18], [sflag:$0x1] =	stream.indirect.gather [hbm4b:s3+s17], $0x80, s29, s17, $0xb8;
	[tilespmem:$0x1E080] =	vst v63  }
0x45: {  	_ =	swait.ge [sflag:s22], $0x3E80  }
0x46: {  	[sflag:s22] =	ssyncset.done $0x0  }
.Ltmp0:
0x47: {  	s29 =	sadd.s32 $0x1480, s28;
	[sflag:s22] =	ssyncadd.s32 $0xFFFFC180;
	(pc) =	sbr.rel @p1 .LBB2_2-.Ltmp0, $4  }
0x48: {  	[spmem:s1] =	stream.indirect.scatter.add.f32 [tilespmem:s20], [sflag:$0x3], $0x80, s29, s17, $0xb8;
	[tilespmem:$0x1E080] =	vst v63  }
0x49: {  	_ =	swait.ge [sflag:s14], $0x3E80  }
0x4a: {  	[sflag:s14] =	ssyncset.done $0x0  }
0x4b: {  	s28 =	sadd.s32 $0x180, s28;
	[sflag:s14] =	ssyncadd.s32 $0xFFFFC180  }
0x4c: {  	[tilespmem:s20], [sflag:$0x2] =	stream.indirect.gather [hbm4b:s3+s17], $0x80, s28, s17, $0xb8;
	[tilespmem:$0x1E080] =	vst v63  }
0x4d: {  	_ =	swait.ge [sflag:s21], $0x3E80  }
0x4e: {  	[sflag:s21] =	ssyncset.done $0x0  }
0x4f: {  	[sflag:s21] =	ssyncadd.s32 $0xFFFFC180  }
0x50: {  	[spmem:s1] =	stream.indirect.scatter.add.f32 [tilespmem:s18], [sflag:$0x3], $0x80, s23, s17, $0xb8;
	[tilespmem:$0x1E080] =	vst v63  }
0x51: {  	_ =	swait.ge [sflag:s14], $0x3E80  }
0x52: {  	[sflag:s14] =	ssyncset.done $0x0  }
0x53: {  	[sflag:s14] =	ssyncadd.s32 $0xFFFFC180  }
0x54: {  	_ =	swait.ge [sflag:s22], $0x3E80  }
0x55: {  	[sflag:s22] =	ssyncset.done $0x0  }
0x56: {  	[sflag:s22] =	ssyncadd.s32 $0xFFFFC180  }
0x57: {  	[spmem:s1] =	stream.indirect.scatter.add.f32 [tilespmem:s20], [sflag:$0x3], $0x80, s24, s17, $0xb8;
	[tilespmem:$0x1E080] =	vst v63  }
0x58: {  	_ =	swait.ge [sflag:s14], $0x3E80  }
0x59: {  	[sflag:s14] =	ssyncset.done $0x0  }
0x5a: {  	s26 =	simm.s32 $0x0;
	[sflag:s14] =	ssyncadd.s32 $0xFFFFC180  }
0x5b: {  	[tilespmem:s26], [sflag:$0x3] =	stream.linear.gather [hbm4b:s8+s26], $0x1400, $0x38;
	[tilespmem:$0x1E080] =	vst v63  }
0x5c: {  	_ =	swait.ge [sflag:s14], $0x1400  }
0x5d: {  	[sflag:s14] =	ssyncset.done $0x0  }
0x5e: {  	[sflag:s14] =	ssyncadd.s32 $0xFFFFEC00  }
0x5f: {  	[tilespmem:s16], [sflag:$0x3] =	stream.linear.gather [hbm4b:s9+s26], $0x1400, $0x38;
	[tilespmem:$0x1E080] =	vst v63  }
0x60: {  	_ =	swait.ge [sflag:s14], $0x1400  }
0x61: {  	[sflag:s14] =	ssyncset.done $0x0  }
0x62: {  	[sflag:s14] =	ssyncadd.s32 $0xFFFFEC00  }
0x63: {  	[tilespmem:s18], [sflag:$0x1] =	stream.indirect.gather [hbm4b:s3+s17], $0x80, s26, s17, $0xb8;
	[tilespmem:$0x1E080] =	vst v63  }
0x64: {  	_ = 	snop  }
0x65: {  	[tilespmem:s20], [sflag:$0x2] =	stream.indirect.gather [hbm4b:s3+s17], $0x80, s19, s17, $0xb8;
	[tilespmem:$0x1E080] =	vst v63  }
0x66: {  	_ =	swait.ge [sflag:s21], $0x3E80  }
0x67: {  	[sflag:s21] =	ssyncset.done $0x0  }
0x68: {  	s29 =	simm.s32 $0x1400;
	[sflag:s21] =	ssyncadd.s32 $0xFFFFC180  }
0x69: {  	[spmem:s1] =	stream.indirect.scatter.add.f32 [tilespmem:s18], [sflag:$0x3], $0x80, s29, s17, $0xb8;
	[tilespmem:$0x1E080] =	vst v63  }
0x6a: {  	_ =	swait.ge [sflag:s14], $0x3E80  }
0x6b: {  	[sflag:s14] =	ssyncset.done $0x0  }
0x6c: {  	s30 =	simm.s32 $0x100;
	[sflag:s14] =	ssyncadd.s32 $0xFFFFC180  }
0x6d: {  	[tilespmem:s18], [sflag:$0x1] =	stream.indirect.gather [hbm4b:s3+s17], $0x80, s30, s17, $0xb8;
	[tilespmem:$0x1E080] =	vst v63  }
0x6e: {  	_ =	swait.ge [sflag:s22], $0x3E80  }
0x6f: {  	[sflag:s22] =	ssyncset.done $0x0  }
0x70: {  	s31 =	simm.s32 $0x1480;
	[sflag:s22] =	ssyncadd.s32 $0xFFFFC180  }
0x71: {  	[spmem:s1] =	stream.indirect.scatter.add.f32 [tilespmem:s20], [sflag:$0x3], $0x80, s31, s17, $0xb8;
	[tilespmem:$0x1E080] =	vst v63  }
0x72: {  	_ =	swait.ge [sflag:s14], $0x3E80  }
0x73: {  	[sflag:s14] =	ssyncset.done $0x0  }
0x74: {  	s28 =	simm.s32 $0x180;
	s26 =	simm.s32 $0x400;
	[sflag:s14] =	ssyncadd.s32 $0xFFFFC180  }
.LBB2_4:
0x75: {  	[tilespmem:s20], [sflag:$0x2] =	stream.indirect.gather [hbm4b:s3+s17], $0x80, s28, s17, $0xb8;
	[tilespmem:$0x1E080] =	vst v63  }
0x76: {  	s28 =	smov.u32 s26  }
0x77: {  	p1 =	sne.s32 s26, $0x4800;
	s26 =	sadd.s32 $0x400, s26;
	_ =	swait.ge [sflag:s21], $0x3E80  }
0x78: {  	s28 =	sshra.s32 s28, $0x2;
	[sflag:s21] =	ssyncset.done $0x0  }
0x79: {  	s29 =	sadd.s32 $0x1400, s28;
	[sflag:s21] =	ssyncadd.s32 $0xFFFFC180  }
0x7a: {  	[spmem:s1] =	stream.indirect.scatter.add.f32 [tilespmem:s18], [sflag:$0x3], $0x80, s29, s17, $0xb8;
	[tilespmem:$0x1E080] =	vst v63  }
0x7b: {  	_ =	swait.ge [sflag:s14], $0x3E80  }
0x7c: {  	[sflag:s14] =	ssyncset.done $0x0  }
0x7d: {  	s29 =	sadd.s32 $0x100, s28;
	[sflag:s14] =	ssyncadd.s32 $0xFFFFC180  }
0x7e: {  	[tilespmem:s18], [sflag:$0x1] =	stream.indirect.gather [hbm4b:s3+s17], $0x80, s29, s17, $0xb8;
	[tilespmem:$0x1E080] =	vst v63  }
0x7f: {  	_ =	swait.ge [sflag:s22], $0x3E80  }
0x80: {  	[sflag:s22] =	ssyncset.done $0x0  }
.Ltmp1:
0x81: {  	s29 =	sadd.s32 $0x1480, s28;
	[sflag:s22] =	ssyncadd.s32 $0xFFFFC180;
	(pc) =	sbr.rel @p1 .LBB2_4-.Ltmp1, $4  }
0x82: {  	[spmem:s1] =	stream.indirect.scatter.add.f32 [tilespmem:s20], [sflag:$0x3], $0x80, s29, s17, $0xb8;
	[tilespmem:$0x1E080] =	vst v63  }
0x83: {  	_ =	swait.ge [sflag:s14], $0x3E80  }
0x84: {  	[sflag:s14] =	ssyncset.done $0x0  }
0x85: {  	s28 =	sadd.s32 $0x180, s28;
	[sflag:s14] =	ssyncadd.s32 $0xFFFFC180  }
0x86: {  	[tilespmem:s20], [sflag:$0x2] =	stream.indirect.gather [hbm4b:s3+s17], $0x80, s28, s17, $0xb8;
	[tilespmem:$0x1E080] =	vst v63  }
0x87: {  	_ =	swait.ge [sflag:s21], $0x3E80  }
0x88: {  	[sflag:s21] =	ssyncset.done $0x0  }
0x89: {  	[sflag:s21] =	ssyncadd.s32 $0xFFFFC180  }
0x8a: {  	[spmem:s1] =	stream.indirect.scatter.add.f32 [tilespmem:s18], [sflag:$0x3], $0x80, s23, s17, $0xb8;
	[tilespmem:$0x1E080] =	vst v63  }
0x8b: {  	_ =	swait.ge [sflag:s14], $0x3E80  }
0x8c: {  	[sflag:s14] =	ssyncset.done $0x0  }
0x8d: {  	[sflag:s14] =	ssyncadd.s32 $0xFFFFC180  }
0x8e: {  	_ =	swait.ge [sflag:s22], $0x3E80  }
0x8f: {  	[sflag:s22] =	ssyncset.done $0x0  }
0x90: {  	[sflag:s22] =	ssyncadd.s32 $0xFFFFC180  }
0x91: {  	[spmem:s1] =	stream.indirect.scatter.add.f32 [tilespmem:s20], [sflag:$0x3], $0x80, s24, s17, $0xb8;
	[tilespmem:$0x1E080] =	vst v63  }
0x92: {  	_ =	swait.ge [sflag:s14], $0x3E80  }
0x93: {  	[sflag:s14] =	ssyncset.done $0x0  }
0x94: {  	[sflag:s14] =	ssyncadd.s32 $0xFFFFC180  }
0x95: {  	[bflag:$0x0] =	sbarrier.arrive $0xFFFF  }
0x96: {  	[hbm:s10], [sflag:s5] =	dma.local [spmem:s13], $0x2700  }
0x97: {  	s25 =	sadd.s32 $0x1, s25;
	_ =	swait.ge [sflag:s14], $0x2700  }
0x98: {  	p1 =	sne.s32 s25, s12;
	[sflag:s14] =	ssyncset.done $0x0  }
.Ltmp2:
0x99: {  	s26 =	simm.s32 @!p0 $0x3;
	[sflag:s14] =	ssyncadd.s32 $0xFFFFD900;
	(pc) =	sbr.rel @p1 .LBB2_1-.Ltmp2, $4  }
0x9a: {  	[hbm:s11], [sflag:s5] =	dma.local @!p0 [spmem:s15], $0x100  }
0x9b: {  	_ =	swait.ge @!p0 [sflag:s26], $0x100  }
0x9c: {  	[sflag:s26] =	ssyncset.done @!p0 $0x0  }
0x9d: {  	[sflag:s26] =	ssyncadd.s32 @!p0 $0xFFFFFF00  }
0x9e: {  	_ =	sfence.sel $0x180000  }
0x9f: {  	[bflag:$0x0] =	sbarrier.arrive $0xFFFF  }
0xa0: {  	_ =	strace $0x9000004D  }
0xa1: {  	s0 =	sadd.s32 @!p0 $0x100000, s0;
	[bflag:$0x2] =	sbarrier.arrive $0xFFFF  }
0xa2: {  	[sflag:s0] =	ssyncadd.tile.s32 @!p0 $0x1;
	_ =	shalt  }
.Lfunc_end2:
_tile_overlayer_lowered:
.L_overlay_start_2:
0xa3: {  	(tag) =	ssettag $0x2  }
0xa4: {  	s0 =	rddreg [dreg:$0x0];
	s2 =	stileid.u32  }
0xa5: {  	s1 =	rddreg [dreg:$0x1];
	p0 =	sne.s32 s2, $0x0  }
0xa6: {  	s3 =	rddreg [dreg:$0x2];
	[bflag:$0x3] =	sbarrier.arrive $0xFFFF;
	s2 =	simm.s32 @!p0 $0x1C03  }
0xa7: {  	[timem:s3], [sflag:s2] =	dma.local @!p0 [hbm:s0], s1  }
0xa8: {  	s0 =	simm.s32 @!p0 $0x3  }
0xa9: {  	_ =	swait.ge @!p0 [sflag:s0], s1  }
0xaa: {  	s1 =	ssub.s32 @!p0 $0x0, s1;
	[sflag:s0] =	ssyncset.done @!p0 $0x0  }
0xab: {  	[sflag:s0] =	ssyncadd.s32 @!p0 s1  }
0xac: {  	[bflag:$0x3] =	sbarrier.arrive $0xFFFF  }
0xad: {  	_ =	shalt  }

// kernel: kernel.8.cloned.1.call-start
scs
__scs_entry_jumppad:
0x0: {  	(pc) =	sbr.rel $0x88, $3  }
0x1: {  	(tag) =	ssettag $0x0;
	lr =	simm.s32 $0x1  }
0x2: {  	[smem:$0x3F9B] =	sst lr;
	_ =	strace $0xD0000000  }
0x3: {  	_ = 	snop  }
0x4: {  	_ = 	snop  }
0x5: {  	_ = 	snop  }
0x6: {  	_ = 	snop  }
0x7: {  	_ = 	snop  }
__scs_overlays_trampoline_lowered:
0x8: {  	[smem:$0x3FAA] =	sst s0  }
0x9: {  	[smem:$0x3FAB] =	sst s1  }
0xa: {  	[smem:$0x3FAC] =	sst s2  }
0xb: {  	[smem:$0x3FAD] =	sst s3  }
0xc: {  	[smem:$0x3FAE] =	sst s4  }
0xd: {  	[smem:$0x3FAF] =	sst s5  }
0xe: {  	[smem:$0x3FB0] =	sst s6  }
0xf: {  	[smem:$0x3FB1] =	sst s7  }
0x10: {  	[smem:$0x3FB2] =	sst s8  }
0x11: {  	[smem:$0x3FB3] =	sst s9;
	s0 =	simm.s32 @!p0 $0x0  }
0x12: {  	s1 =	sld [smem:$0x3F99];
	s0 =	simm.s32 @p0 $0x1  }
0x13: {  	[smem:$0x3FB4] =	sst s0;
	s0 =	simm.s32 @!p1 $0x0  }
0x14: {  	s2 =	sld [smem:$0x3F98];
	s0 =	simm.s32 @p1 $0x1  }
0x15: {  	[smem:$0x3FB5] =	sst s0;
	s0 =	simm.s32 @!p2 $0x0  }
0x16: {  	s3 =	sld [smem:$0x3FDB];
	s0 =	simm.s32 @p2 $0x1  }
0x17: {  	s4 =	simm.s32 $0x1BF5;
	[smem:$0x3FB7] =	sst s0  }
0x18: {  	s0 =	sld [smem:$0x3F9A];
	_ =	swait.ge [sflag:s4], $0x0  }
0x19: {  	s7 =	sld [smem:$0x3F9B]  }
0x1a: {  	s8 =	sadd.s32 $0xFFFFE003, lr  }
0x1b: {  	s9 =	sadd.s32 $0xFFFFFEF7, lr;
	s5 =	simm.s32 $0xFFFFFFFF;
	p2 =	slt.u32 s8, $0xFFFFF086  }
0x1c: {  	p1 =	slt.u32 s9, $0xF7A;
	s5 =	simm.s32 @!p2 $0x0  }
0x1d: {  	s5 =	simm.s32 @p1 $0x1;
	p0 =	seq.s32 s7, s2  }
0x1e: {  	s7 =	smul.u32 @!p0 $0xF7A, s2;
	p2 =	seq.s32 @!p0 s5, $0x0  }
0x1f: {  	s9 =	smul.u32 $0xF7A, s1;
	s8 =	simm.s32 @!p0 $0x1BF5;
	p2 =	por !p2, p0  }
0x20: {  	[sflag:s8] =	ssyncset.s32 @!p0 $0xFFFFF086;
	s6 =	sadd.s32 @!p0 s3, s7;
	s7 =	simm.s32 @!p0 $0x108  }
0x21: {  	s3 =	sadd.s32 s3, s9;
	s6 =	sadd.s32 @!p0 $0x88, s6;
	s7 =	simm.s32 @p2 $0x1082  }
0x22: {  	[simem:s7], [sflag:s8] =	dma.local @!p0 [hbm:s6], $0xF7A  }
0x23: {  	s9 =	sor.u32 $0xD0000000, s2;
	s6 =	simm.s32 $0x108;
	_ =	swait.ge @!p0 [sflag:s8], $0x0  }
0x24: {  	s3 =	sadd.s32 $0x88, s3;
	s6 =	simm.s32 @!p1 $0x1082;
	[sflag:s4] =	ssyncset.s32 $0xFFFFF086  }
0x25: {  	[simem:s6], [sflag:s4] =	dma.local [hbm:s3], $0xF7A  }
0x26: {  	[smem:$0x3F9B] =	sst s1;
	(tag) =	ssettag s2;
	_ =	strace s9  }
0x27: {  	s1 =	sld [smem:$0x3FAB]  }
0x28: {  	s2 =	sld [smem:$0x3FAC]  }
0x29: {  	s4 =	sld [smem:$0x3FAE]  }
0x2a: {  	p0 =	seq.s32 s5, $0x0;
	s5 =	sld [smem:$0x3FAF]  }
0x2b: {  	s6 =	sld [smem:$0x3FB0]  }
0x2c: {  	s7 =	sld [smem:$0x3FB1]  }
0x2d: {  	s3 =	simm.s32 $0x108;
	s8 =	sld [smem:$0x3FB2]  }
0x2e: {  	s3 =	simm.s32 @!p0 $0x1082;
	s9 =	sld [smem:$0x3FB3]  }
0x2f: {  	lr =	sadd.s32 s0, s3;
	s0 =	sld [smem:$0x3FAA]  }
0x30: {  	s3 =	sld [smem:$0x3FAD]  }
0x31: {  	[smem:$0x3FB6] =	sst s10  }
0x32: {  	s10 =	sld [smem:$0x3FB4];
	_ =	sdelay $0x3  }
0x33: {  	p0 =	seq.s32 s10, $0x1;
	s10 =	sld [smem:$0x3FB6];
	_ =	sdelay $0x3  }
0x34: {  	[smem:$0x3FB6] =	sst s10  }
0x35: {  	s10 =	sld [smem:$0x3FB5];
	_ =	sdelay $0x3  }
0x36: {  	p1 =	seq.s32 s10, $0x1;
	s10 =	sld [smem:$0x3FB6];
	_ =	sdelay $0x3  }
0x37: {  	[smem:$0x3FB6] =	sst s10  }
0x38: {  	s10 =	sld [smem:$0x3FB7]  }
0x39: {  	_ = 	snop;
	(pc) =	sbr.ind lr, $3  }
0x3a: {  	_ = 	snop  }
0x3b: {  	_ = 	snop  }
0x3c: {  	p2 =	seq.s32 s10, $0x1;
	s10 =	sld [smem:$0x3FB6]  }
0x3d: {  	_ =	shalt  }
0x3e: {  	_ =	shalt  }
0x3f: {  	_ =	shalt  }
0x40: {  	_ =	shalt  }
0x41: {  	_ =	shalt  }
0x42: {  	_ =	shalt  }
0x43: {  	_ =	shalt  }
0x44: {  	_ =	shalt  }
0x45: {  	_ =	shalt  }
0x46: {  	_ =	shalt  }
0x47: {  	_ =	shalt  }
0x48: {  	_ =	shalt  }
0x49: {  	_ =	shalt  }
0x4a: {  	_ =	shalt  }
0x4b: {  	_ =	shalt  }
0x4c: {  	_ =	shalt  }
0x4d: {  	_ =	shalt  }
0x4e: {  	_ =	shalt  }
0x4f: {  	_ =	shalt  }
0x50: {  	_ =	shalt  }
0x51: {  	_ =	shalt  }
0x52: {  	_ =	shalt  }
0x53: {  	_ =	shalt  }
0x54: {  	_ =	shalt  }
0x55: {  	_ =	shalt  }
0x56: {  	_ =	shalt  }
0x57: {  	_ =	shalt  }
0x58: {  	_ =	shalt  }
0x59: {  	_ =	shalt  }
0x5a: {  	_ =	shalt  }
0x5b: {  	_ =	shalt  }
0x5c: {  	_ =	shalt  }
0x5d: {  	_ =	shalt  }
0x5e: {  	_ =	shalt  }
0x5f: {  	_ =	shalt  }
0x60: {  	_ =	shalt  }
0x61: {  	_ =	shalt  }
0x62: {  	_ =	shalt  }
0x63: {  	_ =	shalt  }
0x64: {  	_ =	shalt  }
0x65: {  	_ =	shalt  }
0x66: {  	_ =	shalt  }
0x67: {  	_ =	shalt  }
0x68: {  	_ =	shalt  }
0x69: {  	_ =	shalt  }
0x6a: {  	_ =	shalt  }
0x6b: {  	_ =	shalt  }
0x6c: {  	_ =	shalt  }
0x6d: {  	_ =	shalt  }
0x6e: {  	_ =	shalt  }
0x6f: {  	_ =	shalt  }
0x70: {  	_ =	shalt  }
0x71: {  	_ =	shalt  }
0x72: {  	_ =	shalt  }
0x73: {  	_ =	shalt  }
0x74: {  	_ =	shalt  }
0x75: {  	_ =	shalt  }
0x76: {  	_ =	shalt  }
0x77: {  	_ =	shalt  }
0x78: {  	_ =	shalt  }
0x79: {  	_ =	shalt  }
0x7a: {  	_ =	shalt  }
0x7b: {  	_ =	shalt  }
0x7c: {  	_ =	shalt  }
0x7d: {  	_ =	shalt  }
0x7e: {  	_ =	shalt  }
0x7f: {  	_ =	shalt  }
0x80: {  	_ =	shalt  }
0x81: {  	_ =	shalt  }
0x82: {  	_ =	shalt  }
0x83: {  	_ =	shalt  }
0x84: {  	_ =	shalt  }
0x85: {  	_ =	shalt  }
0x86: {  	_ =	shalt  }
0x87: {  	_ =	shalt  }
.Lfunc_end0:
.L_simem_size_0:
called_computation_lowered:
.L_overlay_start_0:
0x88: {  	s2 =	sld [smem:$0x3FD9]  }
0x89: {  	s3 =	sld [smem:$0x3FFE];
	_ =	sdelay $0x1  }
0x8a: {  	s1 =	srdreg.scid  }
0x8b: {  	s0 =	sand.u32 $0x1, s1  }
0x8c: {  	s17 =	sshll.u32 s0, $0xA;
	s2 =	sadd.s32 s3, s2  }
0x8d: {  	s2 =	sadd.s32 s2, s17  }
0x8e: {  	[smem:$0x3FC2] =	sst s2  }
0x8f: {  	_ = 	snop  }
0x90: {  	s2 =	sld [smem:$0x3FD0];
	(tm) =	ssettm $0x1  }
0x91: {  	s18 =	sld [smem:$0x3FFB];
	_ =	sdelay $0x3  }
0x92: {  	_ =	strace s18  }
0x93: {  	s3 =	sld [smem:$0x3FFC];
	_ =	sdelay $0x3  }
0x94: {  	_ =	strace s3  }
0x95: {  	s3 =	sld [smem:$0x3FFD];
	_ =	sdelay $0x3  }
0x96: {  	_ =	strace s3  }
0x97: {  	_ =	strace $0x8FFFFFFF  }
0x98: {  	s19 =	sld [smem:$0x3FDB];
	_ =	sdelay $0x1  }
0x99: {  	s4 =	simm.s32 $_scs_section_size  }
0x9a: {  	s5 =	simm.s32 $_size__tile_overlayer_lowered;
	s6 =	simm.s32 $_tile_overlayer_lowered  }
0x9b: {  	s22 =	simm.s32 $0x1BFF;
	s21 =	sshll.u32 s6, $0x1;
	s3 =	sadd.s32 s4, s19  }
0x9c: {  	s7 =	simm.s32 $0x0;
	s20 =	sshll.u32 s5, $0x1;
	s5 =	sadd.s32 s21, s3  }
0x9d: {  	[timem:s7], [sflag:s22] =	dma.local [hbm:s5], s20  }
0x9e: {  	_ =	swait.ge [sflag:s22], s20  }
0x9f: {  	s4 =	ssub.s32 $0x0, s20;
	[sflag:s22] =	ssyncset.done $0x0  }
0xa0: {  	[sflag:s22] =	ssyncadd.s32 s4;
	_ =	sdelay $0x1  }
0xa1: {  	s23 =	simm.s32 $0x1B8B  }
0xa2: {  	_ =	swait.ge [sflag:s23], $0x1  }
0xa3: {  	[sflag:s23] =	ssyncset.done $0x0  }
0xa4: {  	s25 =	simm.s32 $0x1B8E;
	s24 =	sld [smem:$0x3FFE];
	[sflag:s23] =	ssyncadd.s32 $0xFFFFFFFF  }
0xa5: {  	s26 =	simm.s32 $execute0_lowered;
	[smem:$0x3FD2] =	sst s25  }
0xa6: {  	s5 =	sshll.u32 s26, $0x1;
	_ =	strace $0x80000046;
	[dreg:$0x1] =	wrdreg $0xFFFFFFFF  }
0xa7: {  	s28 =	simm.s32 $_size_execute0_lowered;
	s3 =	sadd.s32 s3, s5;
	[dreg:$0x0] =	wrdreg $0x0  }
0xa8: {  	s5 =	sshll.u32 s28, $0x1;
	[dreg:$0x2] =	wrdreg s3  }
0xa9: {  	[dreg:$0x3] =	wrdreg s5  }
0xaa: {  	[dreg:$0x4] =	wrdreg $0xC0  }
0xab: {  	_ =	task [dreg:s7], $0x5FFFF  }
0xac: {  	[dreg:$0x1] =	wrdreg $0xFFFFFFFF  }
0xad: {  	[dreg:$0x0] =	wrdreg $0x60  }
0xae: {  	[dreg:$0x2] =	wrdreg s24  }
0xaf: {  	[dreg:$0x3] =	wrdreg s2  }
0xb0: {  	[dreg:$0x4] =	wrdreg $0x14800  }
0xb1: {  	[dreg:$0x5] =	wrdreg $0x9  }
0xb2: {  	_ =	task.clear_ibuf [dreg:s7], $0x6FFFF;
	_ =	strace $0x90000046  }
0xb3: {  	s29 =	simm.s32 $0x9;
	_ =	strace $0x80000048  }
0xb4: {  	_ =	swait.ge [sflag:s29], $0x1  }
0xb5: {  	[sflag:s29] =	ssyncadd.s32 $0xFFFFFFFF  }
0xb6: {  	_ =	strace $0x90000048  }
0xb7: {  	_ =	sfence  }
0xb8: {  	s30 =	sld [smem:$0x0];
	_ =	sdelay $0x2  }
0xb9: {  	s31 =	sshll.u32 s1, $0xD;
	s1 =	sshrl.u32 s1, $0x2  }
0xba: {  	s3 =	sand.u32 $0x4000, s31;
	s1 =	sadd.s32 s1, s30  }
0xbb: {  	s0 =	sor.u32 s3, s0;
	s1 =	sshll.u32 s1, $0x11  }
0xbc: {  	s0 =	sor.u32 s1, s0  }
0xbd: {  	s0 =	sadd.s32 $0x8F2B, s0  }
0xbe: {  	[sflag:s0] =	ssyncadd.remote.s32 $0x1  }
0xbf: {  	_ =	sfence.sel $0xFFFF  }
0xc0: {  	[dreg:$0x0] =	wrdreg $0xFFFFFFFF;
	(pc) =	sbr.abs _section_cstart, $3  }
0xc1: {  	[dreg:$0x1] =	wrdreg $0xFFFFFFFF  }
0xc2: {  	_ =	task.clear_ibuf [dreg:s7], $0x2FFFF;
	_ =	strace $0x9FFFFFFF  }
0xc3: {  	(tm) =	ssettm $0x7FFFFFFF  }
tec
execute0_lowered:
.L_overlay_start_1:
0x0: {  	(tag) =	ssettag $0x1  }
0x1: {  	s4 =	rddreg [dreg:$0x0]  }
0x2: {  	s0 =	srdreg.scid;
	s1 =	rddreg [dreg:$0x1]  }
0x3: {  	s2 =	rddreg [dreg:$0x2];
	s6 =	stileid.u32;
	s3 =	simm.s32 $0x0  }
0x4: {  	s10 =	simm.s32 $0x1400;
	s5 =	sand.u32 $0x1, s0;
	s0 =	rddreg [dreg:$0x3]  }
0x5: {  	s11 =	simm.s32 $0x0;
	[smem:$0x7FF] =	sst s3;
	s7 =	sshll.u32 s5, $0x4  }
0x6: {  	p0 =	sne.s32 s6, $0x0;
	s5 =	ssub.s32 $0x2, s5;
	s8 =	sor.u32 s6, s7  }
0x7: {  	s9 =	sshrl.u32 s5, $0x1;
	s7 =	sadd.s32 s7, s4;
	s8 =	smul.u32 $0x280, s8  }
0x8: {  	_ =	strace $0x80000047;
	s9 =	ssub.s32 s5, s9;
	s5 =	sadd.s32 $0x6400, s7  }
0x9: {  	s7 =	sshrl.u32 @!p0 s2, $0x3;
	s6 =	smax.u32 s9, $0x1;
	s8 =	sadd.s32 s8, s4  }
0xa: {  	v0 =	vimm.f32 $1.000000000e+00;
	s9 =	simm.s32 $0x7D;
	s4 =	sadd.s32 $0x1400, s8;
	s8 =	simm.s32 $0x1  }
.LBB2_1:
0xb: {  	[tilespmem:$0x1400] =	vst v0  }
0xc: {  	[tilespmem:$0x1410] =	vst v0  }
0xd: {  	[tilespmem:$0x1420] =	vst v0  }
0xe: {  	[tilespmem:$0x1430] =	vst v0  }
0xf: {  	[tilespmem:$0x1440] =	vst v0  }
0x10: {  	[tilespmem:$0x1450] =	vst v0  }
0x11: {  	[tilespmem:$0x1460] =	vst v0  }
0x12: {  	[tilespmem:$0x1470] =	vst v0;
	s12 =	simm.s32 @!p0 $0x1C01  }
0x13: {  	[spmem:s7], [sflag:s12] =	dma.local @!p0 [hbm:s1], $0x4F0  }
0x14: {  	s12 =	simm.s32 @!p0 $0x1  }
0x15: {  	_ =	swait.ge @!p0 [sflag:s12], $0x4F0  }
0x16: {  	[sflag:s12] =	ssyncset.done @!p0 $0x0  }
0x17: {  	[sflag:s12] =	ssyncadd.s32 @!p0 $0xFFFFFB10  }
0x18: {  	[tilespmem:s3], [sflag:$0x1] =	stream.linear.gather [hbm4b:s4+s3], $0x1400, $0x38;
	[tilespmem:$0x16F8] =	vst v63  }
0x19: {  	_ =	swait.ge [sflag:s8], $0x1400  }
0x1a: {  	[sflag:s8] =	ssyncset.done $0x0  }
0x1b: {  	[sflag:s8] =	ssyncadd.s32 $0xFFFFEC00  }
0x1c: {  	s31 =	simm.s32 $0x0;
	[bflag:$0x0] =	sbarrier.arrive $0xFFFF  }
0x1d: {  	[spmem:s2] =	stream.indirect.scatter.add.f32 [tilespmem:s10], [sflag:$0x1], $0x1, s31, s9, $0xb8;
	[tilespmem:$0x16F8] =	vst v63  }
0x1e: {  	_ =	swait.ge [sflag:s8], $0x7D  }
0x1f: {  	s12 =	simm.s32 $0x200;
	[sflag:s8] =	ssyncset.done $0x0  }
.LBB2_2:
0x20: {  	s13 =	sshra.s32 s12, $0x2;
	[sflag:s8] =	ssyncadd.s32 $0xFFFFFF83;
	p1 =	sne.s32 s12, $0x4E00  }
0x21: {  	[spmem:s2] =	stream.indirect.scatter.add.f32 [tilespmem:s10], [sflag:$0x1], $0x1, s13, s9, $0xb8;
	[tilespmem:$0x16F8] =	vst v63  }
.Ltmp0:
0x22: {  	_ = 	snop;
	(pc) =	sbr.rel @p1 .LBB2_2-.Ltmp0, $4  }
0x23: {  	_ = 	snop  }
0x24: {  	s12 =	sadd.s32 $0x200, s12  }
0x25: {  	_ =	swait.ge [sflag:s8], $0x7D  }
0x26: {  	[sflag:s8] =	ssyncset.done $0x0  }
0x27: {  	[sflag:s8] =	ssyncadd.s32 $0xFFFFFF83;
	s12 =	simm.s32 @!p0 $0x1;
	s11 =	sadd.s32 $0x1, s11  }
0x28: {  	s13 =	simm.s32 @!p0 $0x20;
	s14 =	simm.s32 @!p0 $0x10;
	p1 =	sne.s32 s11, s6  }
.Ltmp1:
0x29: {  	s15 =	simm.s32 @!p0 $0x1C01;
	[bflag:$0x0] =	sbarrier.arrive $0xFFFF;
	(pc) =	sbr.rel @p1 .LBB2_1-.Ltmp1, $4  }
0x2a: {  	[hbm:s5@s13], [sflag:s15] =	dma.strided @!p0 [spmem:s7@s14], $0x4F0, s12, $0x10   }
0x2b: {  	_ =	swait.ge @!p0 [sflag:s12], $0x4F0  }
0x2c: {  	[sflag:s12] =	ssyncset.done @!p0 $0x0  }
0x2d: {  	[sflag:s12] =	ssyncadd.s32 @!p0 $0xFFFFFB10  }
0x2e: {  	_ =	sfence.sel $0x180000  }
0x2f: {  	[bflag:$0x0] =	sbarrier.arrive $0xFFFF  }
0x30: {  	_ =	strace $0x90000047  }
0x31: {  	s0 =	sadd.s32 @!p0 $0x100000, s0;
	[bflag:$0x2] =	sbarrier.arrive $0xFFFF  }
0x32: {  	[sflag:s0] =	ssyncadd.tile.s32 @!p0 $0x1;
	_ =	shalt  }
.Lfunc_end2:
_tile_overlayer_lowered:
.L_overlay_start_2:
0x33: {  	(tag) =	ssettag $0x2  }
0x34: {  	s0 =	rddreg [dreg:$0x0];
	s2 =	stileid.u32  }
0x35: {  	s1 =	rddreg [dreg:$0x1];
	p0 =	sne.s32 s2, $0x0  }
0x36: {  	s3 =	rddreg [dreg:$0x2];
	[bflag:$0x3] =	sbarrier.arrive $0xFFFF;
	s2 =	simm.s32 @!p0 $0x1C01  }
0x37: {  	[timem:s3], [sflag:s2] =	dma.local @!p0 [hbm:s0], s1  }
0x38: {  	s0 =	simm.s32 @!p0 $0x1  }
0x39: {  	_ =	swait.ge @!p0 [sflag:s0], s1  }
0x3a: {  	s1 =	ssub.s32 @!p0 $0x0, s1;
	[sflag:s0] =	ssyncset.done @!p0 $0x0  }
0x3b: {  	[sflag:s0] =	ssyncadd.s32 @!p0 s1  }
0x3c: {  	[bflag:$0x3] =	sbarrier.arrive $0xFFFF  }
0x3d: {  	_ =	shalt  }

</sc_bundles>
